<compile_context>
chip_gen: v7x
topology: tpu7x:2x2x1
jax: 0.10.2.dev20260603
libtpu: 0.0.44.dev20260713+nightly
codegen_flags: <defaults>
</compile_context>

<pallas_src>
import jax
import jax.numpy as jnp
from jax import lax
from jax.experimental import pallas as pl
from jax.experimental.pallas import tpu as pltpu
from jax.experimental.pallas import tpu_sc as plsc

N = 10000
NPAD = 10112
B = 16
E = 320000
D = 128
DRAW = 5000
DRAW_PAD = 5120
NCLS = 4

NC, NS = 2, 16
NW = NC * NS
CHUNK = 128
EDGES_PER_TILE = 10112
NCHUNK = EDGES_PER_TILE // CHUNK
E_PAD = EDGES_PER_TILE * NW
ROWS_PER_TILE = NPAD // NS
DUMP_ROW = N

import functools


@functools.cache
def _get_mesh():
  return plsc.VectorSubcoreMesh(core_axis_name="c", subcore_axis_name="s",
                                num_cores=NC, num_subcores=NS)



def _sc_degrees(dst_g, dst_x, ones_hbm, zeros_hbm):

  def body(dstg_hbm, dstx_hbm, ones_h, zeros_h, outg, outx,
           acc, dst_v, ones_v):
    cid = lax.axis_index("c")
    sid = lax.axis_index("s")
    tile = cid * NS + sid
    sl = pl.ds(sid * ROWS_PER_TILE, ROWS_PER_TILE)
    pltpu.sync_copy(ones_h, ones_v)

    def one_set(dst_hbm, out):
      pltpu.sync_copy(zeros_h, acc.at[sl])
      plsc.subcore_barrier()

      def loop(i, carry):
        base = pl.multiple_of(tile * EDGES_PER_TILE + i * CHUNK, CHUNK)
        pltpu.sync_copy(dst_hbm.at[pl.ds(base, CHUNK)], dst_v)
        pltpu.sync_copy(ones_v, acc.at[dst_v], add=True)
        return carry

      lax.fori_loop(0, NCHUNK, loop, 0)
      plsc.subcore_barrier()
      pltpu.sync_copy(acc.at[sl], out.at[cid, sl])

    one_set(dstg_hbm, outg)
    one_set(dstx_hbm, outx)

  f = pl.kernel(
      body,
      out_type=(jax.ShapeDtypeStruct((NC, NPAD, D), jnp.float32),
                jax.ShapeDtypeStruct((NC, NPAD, D), jnp.float32)),
      mesh=_get_mesh(),
      scratch_types=[
          pltpu.VMEM_SHARED((NPAD, D), jnp.float32),
          pltpu.VMEM((CHUNK,), jnp.int32),
          pltpu.VMEM((CHUNK, D), jnp.float32),
      ],
  )
  return f(dst_g, dst_x, ones_hbm, zeros_hbm)


def _sc_aggregate(y, idx3, zeros_hbm):
  NSPLIT = 2
  PART = CHUNK // NSPLIT

  def body(y_hbm, idx_hbm, zeros_h, out, acc, ii, r0, *sems):
    cid = lax.axis_index("c")
    sid = lax.axis_index("s")
    tile = cid * NS + sid
    sl = pl.ds(sid * ROWS_PER_TILE, ROWS_PER_TILE)
    pltpu.sync_copy(zeros_h, acc.at[sl])
    plsc.subcore_barrier()
    cbase = tile * NCHUNK

    def loop(i, carry):
      pltpu.sync_copy(idx_hbm.at[cbase + i], ii)
      descs = [
          pltpu.async_copy(y_hbm.at[ii.at[0, pl.ds(p * PART, PART)]],
                           r0.at[pl.ds(p * PART, PART)], sems[p])
          for p in range(NSPLIT)
      ]
      for dsc in descs:
        dsc.wait()
      pltpu.sync_copy(r0, acc.at[ii.at[1]], add=True)
      return carry

    lax.fori_loop(0, NCHUNK, loop, 0)
    plsc.subcore_barrier()
    pltpu.sync_copy(acc.at[sl], out.at[cid, sl])

  f = pl.kernel(
      body,
      out_type=jax.ShapeDtypeStruct((NC, NPAD, D), jnp.float32),
      mesh=_get_mesh(),
      scratch_types=[
          pltpu.VMEM_SHARED((NPAD, D), jnp.float32),
          pltpu.VMEM((2, CHUNK), jnp.int32),
          pltpu.VMEM((CHUNK, D), jnp.float32),
      ] + [pltpu.SemaphoreType.DMA] * NSPLIT,
  )
  return f(y, idx3, zeros_hbm)



def _mm(a, b, *, bm, bn, bk, bias=None, row_scale=None, act=None,
        alpha=None, n_valid=None):
  M, Ka = a.shape
  Kb, Nn = b.shape
  K = max(Ka, Kb)
  nk = -(-K // bk)
  assert M % bm == 0
  grid = (M // bm, -(-Nn // bn), nk)

  def kern(*refs):
    k = pl.program_id(2)
    it = iter(refs)
    alpha_ref = next(it) if act == "prelu" else None
    a_ref = next(it)
    b_ref = next(it)
    rs_ref = next(it) if row_scale is not None else None
    bias_ref = next(it) if bias is not None else None
    out_ref = next(it)

    @pl.when(k == 0)
    def _():
      out_ref[...] = jnp.zeros_like(out_ref)

    ab = a_ref[...]
    bb = b_ref[...]
    if Ka < nk * bk:
      rem = Ka - (nk - 1) * bk
      lim = jnp.where(k == nk - 1, rem, bk)
      col = lax.broadcasted_iota(jnp.int32, ab.shape, 1)
      ab = jnp.where(col < lim, ab, 0.0)
    if Kb < nk * bk:
      rem = Kb - (nk - 1) * bk
      lim = jnp.where(k == nk - 1, rem, bk)
      row = lax.broadcasted_iota(jnp.int32, bb.shape, 0)
      bb = jnp.where(row < lim, bb, 0.0)

    out_ref[...] += jnp.dot(ab, bb, preferred_element_type=jnp.float32)

    @pl.when(k == nk - 1)
    def _():
      acc = out_ref[...]
      if rs_ref is not None:
        acc = acc * rs_ref[...][:, :1]
      if bias_ref is not None:
        acc = acc + bias_ref[...]
      if act == "prelu":
        al = alpha_ref[0, 0]
        acc = jnp.where(acc >= 0, acc, al * acc)
      elif act == "log_softmax":
        colv = lax.broadcasted_iota(jnp.int32, acc.shape, 1)
        valid = colv < n_valid
        z = jnp.where(valid, acc, -jnp.inf)
        m = jnp.max(z, axis=1, keepdims=True)
        e = jnp.where(valid, jnp.exp(z - m), 0.0)
        lse = m + jnp.log(jnp.sum(e, axis=1, keepdims=True))
        acc = z - lse
      out_ref[...] = acc

  in_specs = []
  ops = []
  if act == "prelu":
    in_specs.append(pl.BlockSpec(memory_space=pltpu.SMEM))
    ops.append(alpha)
  in_specs += [
      pl.BlockSpec((bm, bk), lambda i, j, k: (i, k)),
      pl.BlockSpec((bk, bn), lambda i, j, k: (k, j)),
  ]
  ops += [a, b]
  if row_scale is not None:
    in_specs.append(pl.BlockSpec((bm, 128), lambda i, j, k: (i, 0)))
    ops.append(row_scale)
  if bias is not None:
    in_specs.append(pl.BlockSpec((1, bn), lambda i, j, k: (0, j)))
    ops.append(bias)

  return pl.pallas_call(
      kern,
      grid=grid,
      in_specs=in_specs,
      out_specs=pl.BlockSpec((bm, bn), lambda i, j, k: (i, j)),
      out_shape=jax.ShapeDtypeStruct((M, Nn), jnp.float32),
      compiler_params=pltpu.CompilerParams(
          dimension_semantics=("parallel", "parallel", "arbitrary")),
  )(*ops)


def _onehot_and_invcnt(batch_pad):
  ncol = NPAD // 128

  def kern(ids_ref, oh_ref, cnt_ref):
    j = pl.program_id(0)
    ids = ids_ref[...]
    row = lax.broadcasted_iota(jnp.int32, (B, 128), 0)
    oh = (ids == row).astype(jnp.float32)
    oh_ref[...] = oh

    @pl.when(j == 0)
    def _():
      cnt_ref[...] = jnp.zeros_like(cnt_ref)

    cnt_ref[...] += jnp.sum(oh, axis=1, keepdims=True)

    @pl.when(j == ncol - 1)
    def _():
      cnt_ref[...] = 1.0 / jnp.maximum(cnt_ref[...], 1.0)

  return pl.pallas_call(
      kern,
      grid=(ncol,),
      in_specs=[pl.BlockSpec((1, 128), lambda j: (0, j))],
      out_specs=[pl.BlockSpec((B, 128), lambda j: (0, j)),
                 pl.BlockSpec((B, 128), lambda j: (0, 0))],
      out_shape=[jax.ShapeDtypeStruct((B, NPAD), jnp.float32),
                 jax.ShapeDtypeStruct((B, 128), jnp.float32)],
      compiler_params=pltpu.CompilerParams(
          dimension_semantics=("arbitrary",)),
  )(batch_pad)


def _rootsel(rootindex_2d):
  ncol = NPAD // 128

  def kern(root_ref, sel_ref):
    j = pl.program_id(0)
    roots = jnp.stack([root_ref[0, b] for b in range(B)])
    col = lax.broadcasted_iota(jnp.int32, (B, 128), 1) + j * 128
    sel_ref[...] = (col == roots[:, None]).astype(jnp.float32)

  return pl.pallas_call(
      kern,
      grid=(ncol,),
      in_specs=[pl.BlockSpec(memory_space=pltpu.SMEM)],
      out_specs=pl.BlockSpec((B, 128), lambda j: (0, j)),
      out_shape=jax.ShapeDtypeStruct((B, NPAD), jnp.float32),
  )(rootindex_2d)


def _dinv_bcast(p0, p1):
  bm = 1264

  def kern(a_ref, b_ref, o_ref):
    o_ref[...] = lax.rsqrt(a_ref[...] + b_ref[...] + 1.0)

  return pl.pallas_call(
      kern,
      grid=(NPAD // bm,),
      in_specs=[pl.BlockSpec((bm, D), lambda i: (i, 0))] * 2,
      out_specs=pl.BlockSpec((bm, D), lambda i: (i, 0)),
      out_shape=jax.ShapeDtypeStruct((NPAD, D), jnp.float32),
  )(p0, p1)


def _conv_epilogue(p0, p1, y, dinv_b, bias):
  bm = 1264

  def kern(p0_ref, p1_ref, y_ref, d_ref, b_ref, o_ref):
    i = pl.program_id(0)
    s = (p0_ref[...] + p1_ref[...] + y_ref[...]) * d_ref[...]
    v = jnp.maximum(s + b_ref[...], 0.0)
    rowg = lax.broadcasted_iota(jnp.int32, v.shape, 0) + i * bm
    o_ref[...] = jnp.where(rowg < N, v, 0.0)

  return pl.pallas_call(
      kern,
      grid=(NPAD // bm,),
      in_specs=[pl.BlockSpec((bm, D), lambda i: (i, 0))] * 4 +
               [pl.BlockSpec((1, D), lambda i: (0, 0))],
      out_specs=pl.BlockSpec((bm, D), lambda i: (i, 0)),
      out_shape=jax.ShapeDtypeStruct((NPAD, D), jnp.float32),
  )(p0, p1, y, dinv_b, bias)


def _segment_max(h, oh):

  def kern(h_ref, oh_ref, o_ref):
    hb = h_ref[...]
    rows = []
    for b in range(B):
      mask = oh_ref[b, :][:, None] > 0.5
      rows.append(jnp.max(jnp.where(mask, hb, -jnp.inf), axis=0))
    o_ref[...] = jnp.stack(rows)

  return pl.pallas_call(
      kern,
      out_shape=jax.ShapeDtypeStruct((B, D), jnp.float32),
  )(h, oh)



def _pad_edges(idx_row, fill):
  return jnp.concatenate(
      [idx_row, jnp.full((E_PAD - E,), fill, dtype=jnp.int32)])


def kernel(graph_x, bert_x, edge_index, graph_x_batch, x, x_batch,
           rootindex, raw_edge_index, W_conv1, b_conv1, W_c0, b_c0,
           W_c1, b_c1, W_c2, b_c2, W_lin1, b_lin1, W_lin2, b_lin2,
           W_lin5, b_lin5, prelu_a):
  f32 = jnp.float32
  pad_rows = NPAD - N

  src_g = _pad_edges(edge_index[0], 0)
  dst_g = _pad_edges(edge_index[1], DUMP_ROW)
  src_x = _pad_edges(raw_edge_index[0], 0)
  dst_x = _pad_edges(raw_edge_index[1], DUMP_ROW)
  idx3_g = jnp.stack([src_g.reshape(-1, CHUNK), dst_g.reshape(-1, CHUNK)],
                     axis=1)
  idx3_x = jnp.stack([src_x.reshape(-1, CHUNK), dst_x.reshape(-1, CHUNK)],
                     axis=1)

  onesD = jnp.ones((CHUNK, D), f32)
  zerosD = jnp.zeros((ROWS_PER_TILE, D), f32)

  batch_g = jnp.pad(graph_x_batch, (0, pad_rows), constant_values=-1)[None]
  batch_x = jnp.pad(x_batch, (0, pad_rows), constant_values=-1)[None]

  degg, degx = _sc_degrees(dst_g, dst_x, onesD, zerosD)
  dinv_g_b = _dinv_bcast(degg[0], degg[1])
  dinv_x_b = _dinv_bcast(degx[0], degx[1])

  oh_g, _ = _onehot_and_invcnt(batch_g)
  oh_x, invcnt_x = _onehot_and_invcnt(batch_x)
  rsel = _rootsel(rootindex[None].astype(jnp.int32))

  bias_row = lambda v: v[None]
  alpha_arr = prelu_a.reshape(1, 1)

  y_g = _mm(bert_x, W_conv1, row_scale=dinv_g_b, bm=2000, bn=128, bk=128)
  agg_g = _sc_aggregate(y_g, idx3_g, zerosD)
  h_g = _conv_epilogue(agg_g[0], agg_g[1], y_g, dinv_g_b, bias_row(b_conv1))
  h_pool = _segment_max(h_g, oh_g)

  sel2 = jnp.concatenate([oh_x, rsel], axis=0)
  rs2 = jnp.concatenate([invcnt_x, jnp.ones((B, 128), f32)], axis=0)
  mr = _mm(sel2, x, row_scale=rs2, bm=32, bn=512, bk=128)
  cat1 = jnp.concatenate([mr[:B], mr[B:]], axis=1)
  new_x = _mm(cat1, W_lin1, bias=bias_row(b_lin1), act="prelu",
              alpha=alpha_arr, bm=16, bn=256, bk=128)
  new_x = _mm(new_x, W_lin2, bias=bias_row(b_lin2), act="prelu",
              alpha=alpha_arr, bm=16, bn=128, bk=256)

  Wc0p = jnp.pad(W_c0, ((0, DRAW_PAD - DRAW), (0, 0)))
  h = None
  pools = []
  y = _mm(x, Wc0p, row_scale=dinv_x_b, bm=2000, bn=128, bk=512)
  for Wc, bc in ((W_c0, b_c0), (W_c1, b_c1), (W_c2, b_c2)):
    if h is not None:
      y = _mm(h, Wc, row_scale=dinv_x_b, bm=1264, bn=128, bk=128)
    agg = _sc_aggregate(y, idx3_x, zerosD)
    h = _conv_epilogue(agg[0], agg[1], y, dinv_x_b, bias_row(bc))
    pools.append(_mm(oh_x, h, row_scale=invcnt_x, bm=16, bn=128, bk=128))

  cat = jnp.concatenate(pools + [new_x, h_pool], axis=1)
  W5p = jnp.pad(W_lin5, ((0, 0), (0, 128 - NCLS)))
  b5p = jnp.pad(b_lin5, (0, 128 - NCLS))
  out = _mm(cat, W5p, bias=bias_row(b5p), act="log_softmax",
            n_valid=NCLS, bm=16, bn=128, bk=128 * 5)
  return out[:, :NCLS]

# --- scband reference (transcript-rebuilt; emitter-appended) ---
"""Pipeline reference for scband-model-14199161881000 (READ-ONLY COPY).

The authoritative reference and input builder live on the scoring server;
editing this copy changes nothing except your own understanding.
"""

import jax, jax.numpy as jnp
import numpy as np

N_G = 10000
N_X = 10000
B = 16
E = 320000
D_FEAT = 128
NHID = 128
D_RAW = 5000
NUM_CLASSES = 4


def _gcn_conv(x, edge_index, W, b):
    n = x.shape[0]
    xw = x @ W
    loops = jnp.arange(n, dtype=edge_index.dtype)
    src = jnp.concatenate([edge_index[0], loops])
    dst = jnp.concatenate([edge_index[1], loops])
    deg = jax.ops.segment_sum(jnp.ones(src.shape[0], dtype=xw.dtype), dst, num_segments=n)
    dinv = 1.0 / jnp.sqrt(jnp.maximum(deg, 1.0))
    norm = dinv[src] * dinv[dst]
    msg = xw[src] * norm[:, None]
    return jax.ops.segment_sum(msg, dst, num_segments=n) + b


def _segment_mean(data, seg, num_segments):
    s = jax.ops.segment_sum(data, seg, num_segments=num_segments)
    cnt = jax.ops.segment_sum(jnp.ones(data.shape[0], dtype=data.dtype), seg, num_segments=num_segments)
    return s / jnp.maximum(cnt, 1.0)[:, None]


def _prelu(x, a):
    return jnp.where(x >= 0, x, a * x)


def setup_inputs(seed: int = 0):
    key = jax.random.key(seed)
    ks = jax.random.split(key, 24)
    inp = {}
    inp['graph_x'] = jax.random.normal(ks[0], (N_G, D_FEAT), dtype=jnp.float32)
    inp['bert_x'] = jax.random.normal(ks[1], (N_G, D_FEAT), dtype=jnp.float32)
    inp['edge_index'] = jax.random.randint(ks[2], (2, E), 0, N_G, dtype=jnp.int32)
    inp['graph_x_batch'] = jnp.sort(jax.random.randint(ks[3], (N_G,), 0, B, dtype=jnp.int32))
    inp['x'] = jax.random.normal(ks[4], (N_X, D_RAW), dtype=jnp.float32)
    inp['x_batch'] = jnp.sort(jax.random.randint(ks[5], (N_X,), 0, B, dtype=jnp.int32))
    inp['rootindex'] = jax.random.randint(ks[6], (B,), 0, N_X, dtype=jnp.int32)
    inp['raw_edge_index'] = jax.random.randint(ks[7], (2, E), 0, N_X, dtype=jnp.int32)
    inp['W_conv1'] = jax.random.normal(ks[8], (D_FEAT, NHID), dtype=jnp.float32) / np.sqrt(D_FEAT)
    inp['b_conv1'] = jnp.zeros((NHID,), dtype=jnp.float32)
    inp['W_c0'] = jax.random.normal(ks[9], (D_RAW, NHID), dtype=jnp.float32) / np.sqrt(D_RAW)
    inp['b_c0'] = jnp.zeros((NHID,), dtype=jnp.float32)
    inp['W_c1'] = jax.random.normal(ks[10], (NHID, NHID), dtype=jnp.float32) / np.sqrt(NHID)
    inp['b_c1'] = jnp.zeros((NHID,), dtype=jnp.float32)
    inp['W_c2'] = jax.random.normal(ks[11], (NHID, NHID), dtype=jnp.float32) / np.sqrt(NHID)
    inp['b_c2'] = jnp.zeros((NHID,), dtype=jnp.float32)
    inp['W_lin1'] = jax.random.normal(ks[12], (2 * D_RAW, 2 * NHID), dtype=jnp.float32) / np.sqrt(2 * D_RAW)
    inp['b_lin1'] = jnp.zeros((2 * NHID,), dtype=jnp.float32)
    inp['W_lin2'] = jax.random.normal(ks[13], (2 * NHID, NHID), dtype=jnp.float32) / np.sqrt(2 * NHID)
    inp['b_lin2'] = jnp.zeros((NHID,), dtype=jnp.float32)
    inp['W_lin5'] = jax.random.normal(ks[14], (5 * NHID, NUM_CLASSES), dtype=jnp.float32) / np.sqrt(5 * NHID)
    inp['b_lin5'] = jnp.zeros((NUM_CLASSES,), dtype=jnp.float32)
    inp['prelu_a'] = jnp.asarray(0.25, dtype=jnp.float32)
    return inp


def reference(graph_x, bert_x, edge_index, graph_x_batch, x, x_batch, rootindex, raw_edge_index,
              W_conv1, b_conv1, W_c0, b_c0, W_c1, b_c1, W_c2, b_c2,
              W_lin1, b_lin1, W_lin2, b_lin2, W_lin5, b_lin5, prelu_a):
    assert bert_x.shape == graph_x.shape
    # bert_user=1 -> conv1 consumes bert_x
    h = jax.nn.relu(_gcn_conv(bert_x, edge_index, W_conv1, b_conv1))
    h = jax.ops.segment_max(h, graph_x_batch, num_segments=B)  # global max pool
    new_x = _segment_mean(x, x_batch, B)
    root = x[rootindex]
    new_x = jnp.concatenate([new_x, root], axis=1)
    new_x = _prelu(new_x @ W_lin1 + b_lin1, prelu_a)  # dropout inactive in eval
    new_x = _prelu(new_x @ W_lin2 + b_lin2, prelu_a)
    # boost == 1 branch, n_layers = 3
    x_one = x
    xs = []
    for Wc, bc in ((W_c0, b_c0), (W_c1, b_c1), (W_c2, b_c2)):
        x_one = jax.nn.relu(_gcn_conv(x_one, raw_edge_index, Wc, bc))
        xs.append(x_one)
    xpool = [_segment_mean(t, x_batch, B) for t in xs]
    x_cat = jnp.concatenate(xpool, axis=1)
    out = jnp.concatenate([x_cat, new_x, h], axis=1)
    out = out @ W_lin5 + b_lin5
    return jax.nn.log_softmax(out, axis=1)

if __name__ == "__main__":
    import jax
    _d = setup_inputs()
    print(jax.jit(kernel)(*tuple(_d.values())))

</pallas_src>

<mosaic_0001>
#map = affine_map<(d0, d1) -> (0, 0)>
#map1 = affine_map<(d0, d1) -> (0, 0, 0)>
module attributes {stable_mosaic.version = 14 : i64} {
  func.func @body(%arg0: i32, %arg1: i32, %arg2: memref<10112x128xf32, #tpu.memory_space<hbm>>, %arg3: memref<2528x2x128xi32, #tpu.memory_space<hbm>>, %arg4: memref<632x128xf32, #tpu.memory_space<hbm>>, %arg5: memref<2x10112x128xf32, #tpu.memory_space<hbm>>, %arg6: memref<10112x128xf32, #tpu.memory_space<vmem_shared>>, %arg7: memref<2x128xi32, #tpu.memory_space<vmem>>, %arg8: memref<128x128xf32, #tpu.memory_space<vmem>>, %arg9: memref<!tpu.dma_semaphore, #tpu.memory_space<semaphore_mem>>, %arg10: memref<!tpu.dma_semaphore, #tpu.memory_space<semaphore_mem>>) attributes {dimension_semantics = [#tpu.dimension_semantics<core_parallel>, #tpu.dimension_semantics<subcore_parallel>], iteration_bounds = array<i64: 2, 16>, scalar_prefetch = 0 : i64, scratch_operands = 5 : i64, tpu.core_type = #tpu.core_type<sc_vector_subcore>, window_params = [{transform_indices = #map}, {transform_indices = #map1}, {transform_indices = #map}, {transform_indices = #map1}]} {
    %mul3A = arith.constant 16 : i32
    %mul3A_0 = arith.muli %arg0, %mul3A : i32
    %add3A = arith.addi %mul3A_0, %arg1 : i32
    %mul3A_1 = arith.constant 632 : i32
    %mul3A_2 = arith.muli %arg1, %mul3A_1 : i32
    "tpu.region"() ({
      %run_scoped3A = tpu.sem_alloc : memref<!tpu.dma_semaphore, #tpu.memory_space<semaphore_mem>>
      %dma_start3A = arith.constant 0 : i32
      %dma_start3A_11 = tpu.memref_slice %arg6[%mul3A_2, %dma_start3A] : memref<10112x128xf32, #tpu.memory_space<vmem_shared>> -> memref<632x128xf32, #tpu.memory_space<vmem_shared>>
      tpu.enqueue_dma source(%arg4 : memref<632x128xf32, #tpu.memory_space<hbm>>) target(%dma_start3A_11 : memref<632x128xf32, #tpu.memory_space<vmem_shared>>) target_semaphore(%run_scoped3A : memref<!tpu.dma_semaphore, #tpu.memory_space<semaphore_mem>>)
      %dma_wait3A = arith.constant 0 : i32
      %dma_wait3A_12 = tpu.memref_slice %arg6[%mul3A_2, %dma_wait3A] : memref<10112x128xf32, #tpu.memory_space<vmem_shared>> -> memref<632x128xf32, #tpu.memory_space<vmem_shared>>
      tpu.wait_dma2 semaphore(%run_scoped3A : memref<!tpu.dma_semaphore, #tpu.memory_space<semaphore_mem>>) src(%arg4 : memref<632x128xf32, #tpu.memory_space<hbm>>) dst(%dma_wait3A_12 : memref<632x128xf32, #tpu.memory_space<vmem_shared>>)
      tpu.yield
    }) : () -> ()
    %barrier3A = arith.constant 0 : index
    tpu.barrier barrier_id(%barrier3A)
    %mul3A_3 = arith.constant 79 : i32
    %mul3A_4 = arith.muli %add3A, %mul3A_3 : i32
    %scan3A = arith.constant 0 : i32
    %scan3A_5 = arith.constant 0 : i32
    %scan3A_6 = arith.constant 79 : i32
    %scan3A_7 = arith.addi %scan3A_5, %scan3A_6 : i32
    %scan3A_8 = arith.constant 1 : i32
    scf.for %scan3A_11 = %scan3A_5 to %scan3A_7 step %scan3A_8  : i32 {
      %add3A_12 = arith.addi %mul3A_4, %scan3A_11 : i32
      "tpu.region"() ({
        %run_scoped3A_51 = tpu.sem_alloc : memref<!tpu.dma_semaphore, #tpu.memory_space<semaphore_mem>>
        %dma_start3A_52 = arith.constant 0 : i32
        %dma_start3A_53 = arith.constant 0 : i32
        %dma_start3A_54 = tpu.memref_slice %arg3[%add3A_12, %dma_start3A_52, %dma_start3A_53] : memref<2528x2x128xi32, #tpu.memory_space<hbm>> -> memref<1x2x128xi32, #tpu.memory_space<hbm>>
        %dma_start3A_55 = tpu.memref_squeeze %dma_start3A_54 : memref<1x2x128xi32, #tpu.memory_space<hbm>> -> memref<2x128xi32, #tpu.memory_space<hbm>>
        %dma_start3A_56 = arith.constant 0 : i32
        %dma_start3A_57 = arith.constant 0 : i32
        %dma_start3A_58 = tpu.memref_slice %arg3[%add3A_12, %dma_start3A_56, %dma_start3A_57] : memref<2528x2x128xi32, #tpu.memory_space<hbm>> -> memref<1x2x128xi32, #tpu.memory_space<hbm>>
        %dma_start3A_59 = tpu.memref_squeeze %dma_start3A_58 : memref<1x2x128xi32, #tpu.memory_space<hbm>> -> memref<2x128xi32, #tpu.memory_space<hbm>>
        tpu.enqueue_dma source(%dma_start3A_59 : memref<2x128xi32, #tpu.memory_space<hbm>>) target(%arg7 : memref<2x128xi32, #tpu.memory_space<vmem>>) target_semaphore(%run_scoped3A_51 : memref<!tpu.dma_semaphore, #tpu.memory_space<semaphore_mem>>)
        %dma_wait3A_60 = arith.constant 0 : i32
        %dma_wait3A_61 = arith.constant 0 : i32
        %dma_wait3A_62 = tpu.memref_slice %arg3[%add3A_12, %dma_wait3A_60, %dma_wait3A_61] : memref<2528x2x128xi32, #tpu.memory_space<hbm>> -> memref<1x2x128xi32, #tpu.memory_space<hbm>>
        %dma_wait3A_63 = tpu.memref_squeeze %dma_wait3A_62 : memref<1x2x128xi32, #tpu.memory_space<hbm>> -> memref<2x128xi32, #tpu.memory_space<hbm>>
        %dma_wait3A_64 = arith.constant 0 : i32
        %dma_wait3A_65 = arith.constant 0 : i32
        %dma_wait3A_66 = tpu.memref_slice %arg3[%add3A_12, %dma_wait3A_64, %dma_wait3A_65] : memref<2528x2x128xi32, #tpu.memory_space<hbm>> -> memref<1x2x128xi32, #tpu.memory_space<hbm>>
        %dma_wait3A_67 = tpu.memref_squeeze %dma_wait3A_66 : memref<1x2x128xi32, #tpu.memory_space<hbm>> -> memref<2x128xi32, #tpu.memory_space<hbm>>
        tpu.wait_dma2 semaphore(%run_scoped3A_51 : memref<!tpu.dma_semaphore, #tpu.memory_space<semaphore_mem>>) src(%dma_wait3A_67 : memref<2x128xi32, #tpu.memory_space<hbm>>) dst(%arg7 : memref<2x128xi32, #tpu.memory_space<vmem>>)
        tpu.yield
      }) : () -> ()
      %dma_start3A = arith.constant 0 : i32
      %dma_start3A_13 = arith.constant 0 : i32
      %dma_start3A_14 = arith.constant 0 : i32
      %dma_start3A_15 = tpu.memref_slice %arg8[%dma_start3A_13, %dma_start3A_14] : memref<128x128xf32, #tpu.memory_space<vmem>> -> memref<64x128xf32, #tpu.memory_space<vmem>>
      %dma_start3A_16 = arith.constant 0 : i32
      %dma_start3A_17 = tpu.memref_slice %arg7[%dma_start3A, %dma_start3A_16] : memref<2x128xi32, #tpu.memory_space<vmem>> -> memref<1x64xi32, #tpu.memory_space<vmem>>
      %dma_start3A_18 = tpu.memref_squeeze %dma_start3A_17 : memref<1x64xi32, #tpu.memory_space<vmem>> -> memref<64xi32, #tpu.memory_space<vmem>>
      %dma_start3A_19 = arith.constant 0 : i32
      %dma_start3A_20 = arith.constant 0 : i32
      %dma_start3A_21 = tpu.memref_slice %arg2[%dma_start3A_19, %dma_start3A_20] : memref<10112x128xf32, #tpu.memory_space<hbm>> -> memref<10112x128xf32, #tpu.memory_space<hbm>>
      tpu.enqueue_indirect_dma source(%dma_start3A_21 : memref<10112x128xf32, #tpu.memory_space<hbm>>) target(%dma_start3A_15 : memref<64x128xf32, #tpu.memory_space<vmem>>) offsets(%dma_start3A_18 : memref<64xi32, #tpu.memory_space<vmem>>) semaphore(%arg9 : memref<!tpu.dma_semaphore, #tpu.memory_space<semaphore_mem>>)
      %dma_start3A_22 = arith.constant 0 : i32
      %dma_start3A_23 = arith.constant 64 : i32
      %dma_start3A_24 = arith.constant 0 : i32
      %dma_start3A_25 = tpu.memref_slice %arg8[%dma_start3A_23, %dma_start3A_24] : memref<128x128xf32, #tpu.memory_space<vmem>> -> memref<64x128xf32, #tpu.memory_space<vmem>>
      %dma_start3A_26 = arith.constant 64 : i32
      %dma_start3A_27 = tpu.memref_slice %arg7[%dma_start3A_22, %dma_start3A_26] : memref<2x128xi32, #tpu.memory_space<vmem>> -> memref<1x64xi32, #tpu.memory_space<vmem>>
      %dma_start3A_28 = tpu.memref_squeeze %dma_start3A_27 : memref<1x64xi32, #tpu.memory_space<vmem>> -> memref<64xi32, #tpu.memory_space<vmem>>
      %dma_start3A_29 = arith.constant 0 : i32
      %dma_start3A_30 = arith.constant 0 : i32
      %dma_start3A_31 = tpu.memref_slice %arg2[%dma_start3A_29, %dma_start3A_30] : memref<10112x128xf32, #tpu.memory_space<hbm>> -> memref<10112x128xf32, #tpu.memory_space<hbm>>
      tpu.enqueue_indirect_dma source(%dma_start3A_31 : memref<10112x128xf32, #tpu.memory_space<hbm>>) target(%dma_start3A_25 : memref<64x128xf32, #tpu.memory_space<vmem>>) offsets(%dma_start3A_28 : memref<64xi32, #tpu.memory_space<vmem>>) semaphore(%arg10 : memref<!tpu.dma_semaphore, #tpu.memory_space<semaphore_mem>>)
      %dma_wait3A = arith.constant 0 : i32
      %dma_wait3A_32 = arith.constant 0 : i32
      %dma_wait3A_33 = arith.constant 0 : i32
      %dma_wait3A_34 = tpu.memref_slice %arg8[%dma_wait3A_32, %dma_wait3A_33] : memref<128x128xf32, #tpu.memory_space<vmem>> -> memref<64x128xf32, #tpu.memory_space<vmem>>
      %dma_wait3A_35 = arith.constant 0 : i32
      %dma_wait3A_36 = tpu.memref_slice %arg7[%dma_wait3A, %dma_wait3A_35] : memref<2x128xi32, #tpu.memory_space<vmem>> -> memref<1x64xi32, #tpu.memory_space<vmem>>
      %dma_wait3A_37 = tpu.memref_squeeze %dma_wait3A_36 : memref<1x64xi32, #tpu.memory_space<vmem>> -> memref<64xi32, #tpu.memory_space<vmem>>
      %dma_wait3A_38 = arith.constant 0 : i32
      %dma_wait3A_39 = arith.constant 0 : i32
      %dma_wait3A_40 = tpu.memref_slice %arg2[%dma_wait3A_38, %dma_wait3A_39] : memref<10112x128xf32, #tpu.memory_space<hbm>> -> memref<10112x128xf32, #tpu.memory_space<hbm>>
      tpu.wait_indirect_dma semaphore(%arg9 : memref<!tpu.dma_semaphore, #tpu.memory_space<semaphore_mem>>) src(%dma_wait3A_40 : memref<10112x128xf32, #tpu.memory_space<hbm>>) dst(%dma_wait3A_34 : memref<64x128xf32, #tpu.memory_space<vmem>>)
      %dma_wait3A_41 = arith.constant 0 : i32
      %dma_wait3A_42 = arith.constant 64 : i32
      %dma_wait3A_43 = arith.constant 0 : i32
      %dma_wait3A_44 = tpu.memref_slice %arg8[%dma_wait3A_42, %dma_wait3A_43] : memref<128x128xf32, #tpu.memory_space<vmem>> -> memref<64x128xf32, #tpu.memory_space<vmem>>
      %dma_wait3A_45 = arith.constant 64 : i32
      %dma_wait3A_46 = tpu.memref_slice %arg7[%dma_wait3A_41, %dma_wait3A_45] : memref<2x128xi32, #tpu.memory_space<vmem>> -> memref<1x64xi32, #tpu.memory_space<vmem>>
      %dma_wait3A_47 = tpu.memref_squeeze %dma_wait3A_46 : memref<1x64xi32, #tpu.memory_space<vmem>> -> memref<64xi32, #tpu.memory_space<vmem>>
      %dma_wait3A_48 = arith.constant 0 : i32
      %dma_wait3A_49 = arith.constant 0 : i32
      %dma_wait3A_50 = tpu.memref_slice %arg2[%dma_wait3A_48, %dma_wait3A_49] : memref<10112x128xf32, #tpu.memory_space<hbm>> -> memref<10112x128xf32, #tpu.memory_space<hbm>>
      tpu.wait_indirect_dma semaphore(%arg10 : memref<!tpu.dma_semaphore, #tpu.memory_space<semaphore_mem>>) src(%dma_wait3A_50 : memref<10112x128xf32, #tpu.memory_space<hbm>>) dst(%dma_wait3A_44 : memref<64x128xf32, #tpu.memory_space<vmem>>)
      %run_scoped3A = arith.constant 1 : i32
      "tpu.region"() ({
        %run_scoped3A_51 = tpu.sem_alloc : memref<!tpu.dma_semaphore, #tpu.memory_space<semaphore_mem>>
        %dma_start3A_52 = arith.constant 0 : i32
        %dma_start3A_53 = tpu.memref_slice %arg7[%run_scoped3A, %dma_start3A_52] : memref<2x128xi32, #tpu.memory_space<vmem>> -> memref<1x128xi32, #tpu.memory_space<vmem>>
        %dma_start3A_54 = tpu.memref_squeeze %dma_start3A_53 : memref<1x128xi32, #tpu.memory_space<vmem>> -> memref<128xi32, #tpu.memory_space<vmem>>
        %dma_start3A_55 = arith.constant 0 : i32
        %dma_start3A_56 = arith.constant 0 : i32
        %dma_start3A_57 = tpu.memref_slice %arg6[%dma_start3A_55, %dma_start3A_56] : memref<10112x128xf32, #tpu.memory_space<vmem_shared>> -> memref<10112x128xf32, #tpu.memory_space<vmem_shared>>
        tpu.enqueue_indirect_dma source(%arg8 : memref<128x128xf32, #tpu.memory_space<vmem>>) target(%dma_start3A_57 : memref<10112x128xf32, #tpu.memory_space<vmem_shared>>) offsets(%dma_start3A_54 : memref<128xi32, #tpu.memory_space<vmem>>) semaphore(%run_scoped3A_51 : memref<!tpu.dma_semaphore, #tpu.memory_space<semaphore_mem>>) {add = true}
        %dma_wait3A_58 = arith.constant 0 : i32
        %dma_wait3A_59 = tpu.memref_slice %arg7[%run_scoped3A, %dma_wait3A_58] : memref<2x128xi32, #tpu.memory_space<vmem>> -> memref<1x128xi32, #tpu.memory_space<vmem>>
        %dma_wait3A_60 = tpu.memref_squeeze %dma_wait3A_59 : memref<1x128xi32, #tpu.memory_space<vmem>> -> memref<128xi32, #tpu.memory_space<vmem>>
        %dma_wait3A_61 = arith.constant 0 : i32
        %dma_wait3A_62 = arith.constant 0 : i32
        %dma_wait3A_63 = tpu.memref_slice %arg6[%dma_wait3A_61, %dma_wait3A_62] : memref<10112x128xf32, #tpu.memory_space<vmem_shared>> -> memref<10112x128xf32, #tpu.memory_space<vmem_shared>>
        tpu.wait_indirect_dma semaphore(%run_scoped3A_51 : memref<!tpu.dma_semaphore, #tpu.memory_space<semaphore_mem>>) src(%arg8 : memref<128x128xf32, #tpu.memory_space<vmem>>) dst(%dma_wait3A_63 : memref<10112x128xf32, #tpu.memory_space<vmem_shared>>)
        tpu.yield
      }) : () -> ()
    }
    %scan3A_9 = arith.constant 79 : i32
    %barrier3A_10 = arith.constant 0 : index
    tpu.barrier barrier_id(%barrier3A_10)
    "tpu.region"() ({
      %run_scoped3A = tpu.sem_alloc : memref<!tpu.dma_semaphore, #tpu.memory_space<semaphore_mem>>
      %dma_start3A = arith.constant 0 : i32
      %dma_start3A_11 = tpu.memref_slice %arg5[%arg0, %mul3A_2, %dma_start3A] : memref<2x10112x128xf32, #tpu.memory_space<hbm>> -> memref<1x632x128xf32, #tpu.memory_space<hbm>>
      %dma_start3A_12 = tpu.memref_squeeze %dma_start3A_11 : memref<1x632x128xf32, #tpu.memory_space<hbm>> -> memref<632x128xf32, #tpu.memory_space<hbm>>
      %dma_start3A_13 = arith.constant 0 : i32
      %dma_start3A_14 = tpu.memref_slice %arg6[%mul3A_2, %dma_start3A_13] : memref<10112x128xf32, #tpu.memory_space<vmem_shared>> -> memref<632x128xf32, #tpu.memory_space<vmem_shared>>
      tpu.enqueue_dma source(%dma_start3A_14 : memref<632x128xf32, #tpu.memory_space<vmem_shared>>) target(%dma_start3A_12 : memref<632x128xf32, #tpu.memory_space<hbm>>) target_semaphore(%run_scoped3A : memref<!tpu.dma_semaphore, #tpu.memory_space<semaphore_mem>>)
      %dma_wait3A = arith.constant 0 : i32
      %dma_wait3A_15 = tpu.memref_slice %arg5[%arg0, %mul3A_2, %dma_wait3A] : memref<2x10112x128xf32, #tpu.memory_space<hbm>> -> memref<1x632x128xf32, #tpu.memory_space<hbm>>
      %dma_wait3A_16 = tpu.memref_squeeze %dma_wait3A_15 : memref<1x632x128xf32, #tpu.memory_space<hbm>> -> memref<632x128xf32, #tpu.memory_space<hbm>>
      %dma_wait3A_17 = arith.constant 0 : i32
      %dma_wait3A_18 = tpu.memref_slice %arg6[%mul3A_2, %dma_wait3A_17] : memref<10112x128xf32, #tpu.memory_space<vmem_shared>> -> memref<632x128xf32, #tpu.memory_space<vmem_shared>>
      tpu.wait_dma2 semaphore(%run_scoped3A : memref<!tpu.dma_semaphore, #tpu.memory_space<semaphore_mem>>) src(%dma_wait3A_18 : memref<632x128xf32, #tpu.memory_space<vmem_shared>>) dst(%dma_wait3A_16 : memref<632x128xf32, #tpu.memory_space<hbm>>)
      tpu.yield
    }) : () -> ()
    return
  }
}

#map = affine_map<(d0, d1) -> (0)>
#map1 = affine_map<(d0, d1) -> (0, 0)>
#map2 = affine_map<(d0, d1) -> (0, 0, 0)>
module attributes {stable_mosaic.version = 14 : i64} {
  func.func @body(%arg0: i32, %arg1: i32, %arg2: memref<323584xi32, #tpu.memory_space<hbm>>, %arg3: memref<323584xi32, #tpu.memory_space<hbm>>, %arg4: memref<128x128xf32, #tpu.memory_space<hbm>>, %arg5: memref<632x128xf32, #tpu.memory_space<hbm>>, %arg6: memref<2x10112x128xf32, #tpu.memory_space<hbm>>, %arg7: memref<2x10112x128xf32, #tpu.memory_space<hbm>>, %arg8: memref<10112x128xf32, #tpu.memory_space<vmem_shared>>, %arg9: memref<128xi32, #tpu.memory_space<vmem>>, %arg10: memref<128x128xf32, #tpu.memory_space<vmem>>) attributes {dimension_semantics = [#tpu.dimension_semantics<core_parallel>, #tpu.dimension_semantics<subcore_parallel>], iteration_bounds = array<i64: 2, 16>, scalar_prefetch = 0 : i64, scratch_operands = 3 : i64, tpu.core_type = #tpu.core_type<sc_vector_subcore>, window_params = [{transform_indices = #map}, {transform_indices = #map}, {transform_indices = #map1}, {transform_indices = #map1}, {transform_indices = #map2}, {transform_indices = #map2}]} {
    %mul3A = arith.constant 16 : i32
    %mul3A_0 = arith.muli %arg0, %mul3A : i32
    %add3A = arith.addi %mul3A_0, %arg1 : i32
    %mul3A_1 = arith.constant 632 : i32
    %mul3A_2 = arith.muli %arg1, %mul3A_1 : i32
    "tpu.region"() ({
      %run_scoped3A = tpu.sem_alloc : memref<!tpu.dma_semaphore, #tpu.memory_space<semaphore_mem>>
      tpu.enqueue_dma source(%arg4 : memref<128x128xf32, #tpu.memory_space<hbm>>) target(%arg10 : memref<128x128xf32, #tpu.memory_space<vmem>>) target_semaphore(%run_scoped3A : memref<!tpu.dma_semaphore, #tpu.memory_space<semaphore_mem>>)
      tpu.wait_dma2 semaphore(%run_scoped3A : memref<!tpu.dma_semaphore, #tpu.memory_space<semaphore_mem>>) src(%arg4 : memref<128x128xf32, #tpu.memory_space<hbm>>) dst(%arg10 : memref<128x128xf32, #tpu.memory_space<vmem>>)
      tpu.yield
    }) : () -> ()
    "tpu.region"() ({
      %run_scoped3A = tpu.sem_alloc : memref<!tpu.dma_semaphore, #tpu.memory_space<semaphore_mem>>
      %dma_start3A = arith.constant 0 : i32
      %dma_start3A_17 = tpu.memref_slice %arg8[%mul3A_2, %dma_start3A] : memref<10112x128xf32, #tpu.memory_space<vmem_shared>> -> memref<632x128xf32, #tpu.memory_space<vmem_shared>>
      tpu.enqueue_dma source(%arg5 : memref<632x128xf32, #tpu.memory_space<hbm>>) target(%dma_start3A_17 : memref<632x128xf32, #tpu.memory_space<vmem_shared>>) target_semaphore(%run_scoped3A : memref<!tpu.dma_semaphore, #tpu.memory_space<semaphore_mem>>)
      %dma_wait3A = arith.constant 0 : i32
      %dma_wait3A_18 = tpu.memref_slice %arg8[%mul3A_2, %dma_wait3A] : memref<10112x128xf32, #tpu.memory_space<vmem_shared>> -> memref<632x128xf32, #tpu.memory_space<vmem_shared>>
      tpu.wait_dma2 semaphore(%run_scoped3A : memref<!tpu.dma_semaphore, #tpu.memory_space<semaphore_mem>>) src(%arg5 : memref<632x128xf32, #tpu.memory_space<hbm>>) dst(%dma_wait3A_18 : memref<632x128xf32, #tpu.memory_space<vmem_shared>>)
      tpu.yield
    }) : () -> ()
    %barrier3A = arith.constant 0 : index
    tpu.barrier barrier_id(%barrier3A)
    %scan3A = arith.constant 0 : i32
    %scan3A_3 = arith.constant 0 : i32
    %scan3A_4 = arith.constant 79 : i32
    %scan3A_5 = arith.addi %scan3A_3, %scan3A_4 : i32
    %scan3A_6 = arith.constant 1 : i32
    scf.for %scan3A_17 = %scan3A_3 to %scan3A_5 step %scan3A_6  : i32 {
      %mul3A_18 = arith.constant 10112 : i32
      %mul3A_19 = arith.muli %add3A, %mul3A_18 : i32
      %mul3A_20 = arith.constant 128 : i32
      %mul3A_21 = arith.muli %scan3A_17, %mul3A_20 : i32
      %add3A_22 = arith.addi %mul3A_19, %mul3A_21 : i32
      %multiple_of3A = tpu.assume_multiple %add3A_22, 128 : i32
      "tpu.region"() ({
        %run_scoped3A = tpu.sem_alloc : memref<!tpu.dma_semaphore, #tpu.memory_space<semaphore_mem>>
        %dma_start3A = tpu.memref_slice %arg2[%multiple_of3A] : memref<323584xi32, #tpu.memory_space<hbm>> -> memref<128xi32, #tpu.memory_space<hbm>>
        %dma_start3A_23 = tpu.memref_slice %arg2[%multiple_of3A] : memref<323584xi32, #tpu.memory_space<hbm>> -> memref<128xi32, #tpu.memory_space<hbm>>
        tpu.enqueue_dma source(%dma_start3A_23 : memref<128xi32, #tpu.memory_space<hbm>>) target(%arg9 : memref<128xi32, #tpu.memory_space<vmem>>) target_semaphore(%run_scoped3A : memref<!tpu.dma_semaphore, #tpu.memory_space<semaphore_mem>>)
        %dma_wait3A = tpu.memref_slice %arg2[%multiple_of3A] : memref<323584xi32, #tpu.memory_space<hbm>> -> memref<128xi32, #tpu.memory_space<hbm>>
        %dma_wait3A_24 = tpu.memref_slice %arg2[%multiple_of3A] : memref<323584xi32, #tpu.memory_space<hbm>> -> memref<128xi32, #tpu.memory_space<hbm>>
        tpu.wait_dma2 semaphore(%run_scoped3A : memref<!tpu.dma_semaphore, #tpu.memory_space<semaphore_mem>>) src(%dma_wait3A_24 : memref<128xi32, #tpu.memory_space<hbm>>) dst(%arg9 : memref<128xi32, #tpu.memory_space<vmem>>)
        tpu.yield
      }) : () -> ()
      "tpu.region"() ({
        %run_scoped3A = tpu.sem_alloc : memref<!tpu.dma_semaphore, #tpu.memory_space<semaphore_mem>>
        %dma_start3A = arith.constant 0 : i32
        %dma_start3A_23 = arith.constant 0 : i32
        %dma_start3A_24 = tpu.memref_slice %arg8[%dma_start3A, %dma_start3A_23] : memref<10112x128xf32, #tpu.memory_space<vmem_shared>> -> memref<10112x128xf32, #tpu.memory_space<vmem_shared>>
        tpu.enqueue_indirect_dma source(%arg10 : memref<128x128xf32, #tpu.memory_space<vmem>>) target(%dma_start3A_24 : memref<10112x128xf32, #tpu.memory_space<vmem_shared>>) offsets(%arg9 : memref<128xi32, #tpu.memory_space<vmem>>) semaphore(%run_scoped3A : memref<!tpu.dma_semaphore, #tpu.memory_space<semaphore_mem>>) {add = true}
        %dma_wait3A = arith.constant 0 : i32
        %dma_wait3A_25 = arith.constant 0 : i32
        %dma_wait3A_26 = tpu.memref_slice %arg8[%dma_wait3A, %dma_wait3A_25] : memref<10112x128xf32, #tpu.memory_space<vmem_shared>> -> memref<10112x128xf32, #tpu.memory_space<vmem_shared>>
        tpu.wait_indirect_dma semaphore(%run_scoped3A : memref<!tpu.dma_semaphore, #tpu.memory_space<semaphore_mem>>) src(%arg10 : memref<128x128xf32, #tpu.memory_space<vmem>>) dst(%dma_wait3A_26 : memref<10112x128xf32, #tpu.memory_space<vmem_shared>>)
        tpu.yield
      }) : () -> ()
    }
    %scan3A_7 = arith.constant 79 : i32
    %barrier3A_8 = arith.constant 0 : index
    tpu.barrier barrier_id(%barrier3A_8)
    "tpu.region"() ({
      %run_scoped3A = tpu.sem_alloc : memref<!tpu.dma_semaphore, #tpu.memory_space<semaphore_mem>>
      %dma_start3A = arith.constant 0 : i32
      %dma_start3A_17 = tpu.memref_slice %arg6[%arg0, %mul3A_2, %dma_start3A] : memref<2x10112x128xf32, #tpu.memory_space<hbm>> -> memref<1x632x128xf32, #tpu.memory_space<hbm>>
      %dma_start3A_18 = tpu.memref_squeeze %dma_start3A_17 : memref<1x632x128xf32, #tpu.memory_space<hbm>> -> memref<632x128xf32, #tpu.memory_space<hbm>>
      %dma_start3A_19 = arith.constant 0 : i32
      %dma_start3A_20 = tpu.memref_slice %arg8[%mul3A_2, %dma_start3A_19] : memref<10112x128xf32, #tpu.memory_space<vmem_shared>> -> memref<632x128xf32, #tpu.memory_space<vmem_shared>>
      tpu.enqueue_dma source(%dma_start3A_20 : memref<632x128xf32, #tpu.memory_space<vmem_shared>>) target(%dma_start3A_18 : memref<632x128xf32, #tpu.memory_space<hbm>>) target_semaphore(%run_scoped3A : memref<!tpu.dma_semaphore, #tpu.memory_space<semaphore_mem>>)
      %dma_wait3A = arith.constant 0 : i32
      %dma_wait3A_21 = tpu.memref_slice %arg6[%arg0, %mul3A_2, %dma_wait3A] : memref<2x10112x128xf32, #tpu.memory_space<hbm>> -> memref<1x632x128xf32, #tpu.memory_space<hbm>>
      %dma_wait3A_22 = tpu.memref_squeeze %dma_wait3A_21 : memref<1x632x128xf32, #tpu.memory_space<hbm>> -> memref<632x128xf32, #tpu.memory_space<hbm>>
      %dma_wait3A_23 = arith.constant 0 : i32
      %dma_wait3A_24 = tpu.memref_slice %arg8[%mul3A_2, %dma_wait3A_23] : memref<10112x128xf32, #tpu.memory_space<vmem_shared>> -> memref<632x128xf32, #tpu.memory_space<vmem_shared>>
      tpu.wait_dma2 semaphore(%run_scoped3A : memref<!tpu.dma_semaphore, #tpu.memory_space<semaphore_mem>>) src(%dma_wait3A_24 : memref<632x128xf32, #tpu.memory_space<vmem_shared>>) dst(%dma_wait3A_22 : memref<632x128xf32, #tpu.memory_space<hbm>>)
      tpu.yield
    }) : () -> ()
    "tpu.region"() ({
      %run_scoped3A = tpu.sem_alloc : memref<!tpu.dma_semaphore, #tpu.memory_space<semaphore_mem>>
      %dma_start3A = arith.constant 0 : i32
      %dma_start3A_17 = tpu.memref_slice %arg8[%mul3A_2, %dma_start3A] : memref<10112x128xf32, #tpu.memory_space<vmem_shared>> -> memref<632x128xf32, #tpu.memory_space<vmem_shared>>
      tpu.enqueue_dma source(%arg5 : memref<632x128xf32, #tpu.memory_space<hbm>>) target(%dma_start3A_17 : memref<632x128xf32, #tpu.memory_space<vmem_shared>>) target_semaphore(%run_scoped3A : memref<!tpu.dma_semaphore, #tpu.memory_space<semaphore_mem>>)
      %dma_wait3A = arith.constant 0 : i32
      %dma_wait3A_18 = tpu.memref_slice %arg8[%mul3A_2, %dma_wait3A] : memref<10112x128xf32, #tpu.memory_space<vmem_shared>> -> memref<632x128xf32, #tpu.memory_space<vmem_shared>>
      tpu.wait_dma2 semaphore(%run_scoped3A : memref<!tpu.dma_semaphore, #tpu.memory_space<semaphore_mem>>) src(%arg5 : memref<632x128xf32, #tpu.memory_space<hbm>>) dst(%dma_wait3A_18 : memref<632x128xf32, #tpu.memory_space<vmem_shared>>)
      tpu.yield
    }) : () -> ()
    %barrier3A_9 = arith.constant 0 : index
    tpu.barrier barrier_id(%barrier3A_9)
    %scan3A_10 = arith.constant 0 : i32
    %scan3A_11 = arith.constant 0 : i32
    %scan3A_12 = arith.constant 79 : i32
    %scan3A_13 = arith.addi %scan3A_11, %scan3A_12 : i32
    %scan3A_14 = arith.constant 1 : i32
    scf.for %scan3A_17 = %scan3A_11 to %scan3A_13 step %scan3A_14  : i32 {
      %mul3A_18 = arith.constant 10112 : i32
      %mul3A_19 = arith.muli %add3A, %mul3A_18 : i32
      %mul3A_20 = arith.constant 128 : i32
      %mul3A_21 = arith.muli %scan3A_17, %mul3A_20 : i32
      %add3A_22 = arith.addi %mul3A_19, %mul3A_21 : i32
      %multiple_of3A = tpu.assume_multiple %add3A_22, 128 : i32
      "tpu.region"() ({
        %run_scoped3A = tpu.sem_alloc : memref<!tpu.dma_semaphore, #tpu.memory_space<semaphore_mem>>
        %dma_start3A = tpu.memref_slice %arg3[%multiple_of3A] : memref<323584xi32, #tpu.memory_space<hbm>> -> memref<128xi32, #tpu.memory_space<hbm>>
        %dma_start3A_23 = tpu.memref_slice %arg3[%multiple_of3A] : memref<323584xi32, #tpu.memory_space<hbm>> -> memref<128xi32, #tpu.memory_space<hbm>>
        tpu.enqueue_dma source(%dma_start3A_23 : memref<128xi32, #tpu.memory_space<hbm>>) target(%arg9 : memref<128xi32, #tpu.memory_space<vmem>>) target_semaphore(%run_scoped3A : memref<!tpu.dma_semaphore, #tpu.memory_space<semaphore_mem>>)
        %dma_wait3A = tpu.memref_slice %arg3[%multiple_of3A] : memref<323584xi32, #tpu.memory_space<hbm>> -> memref<128xi32, #tpu.memory_space<hbm>>
        %dma_wait3A_24 = tpu.memref_slice %arg3[%multiple_of3A] : memref<323584xi32, #tpu.memory_space<hbm>> -> memref<128xi32, #tpu.memory_space<hbm>>
        tpu.wait_dma2 semaphore(%run_scoped3A : memref<!tpu.dma_semaphore, #tpu.memory_space<semaphore_mem>>) src(%dma_wait3A_24 : memref<128xi32, #tpu.memory_space<hbm>>) dst(%arg9 : memref<128xi32, #tpu.memory_space<vmem>>)
        tpu.yield
      }) : () -> ()
      "tpu.region"() ({
        %run_scoped3A = tpu.sem_alloc : memref<!tpu.dma_semaphore, #tpu.memory_space<semaphore_mem>>
        %dma_start3A = arith.constant 0 : i32
        %dma_start3A_23 = arith.constant 0 : i32
        %dma_start3A_24 = tpu.memref_slice %arg8[%dma_start3A, %dma_start3A_23] : memref<10112x128xf32, #tpu.memory_space<vmem_shared>> -> memref<10112x128xf32, #tpu.memory_space<vmem_shared>>
        tpu.enqueue_indirect_dma source(%arg10 : memref<128x128xf32, #tpu.memory_space<vmem>>) target(%dma_start3A_24 : memref<10112x128xf32, #tpu.memory_space<vmem_shared>>) offsets(%arg9 : memref<128xi32, #tpu.memory_space<vmem>>) semaphore(%run_scoped3A : memref<!tpu.dma_semaphore, #tpu.memory_space<semaphore_mem>>) {add = true}
        %dma_wait3A = arith.constant 0 : i32
        %dma_wait3A_25 = arith.constant 0 : i32
        %dma_wait3A_26 = tpu.memref_slice %arg8[%dma_wait3A, %dma_wait3A_25] : memref<10112x128xf32, #tpu.memory_space<vmem_shared>> -> memref<10112x128xf32, #tpu.memory_space<vmem_shared>>
        tpu.wait_indirect_dma semaphore(%run_scoped3A : memref<!tpu.dma_semaphore, #tpu.memory_space<semaphore_mem>>) src(%arg10 : memref<128x128xf32, #tpu.memory_space<vmem>>) dst(%dma_wait3A_26 : memref<10112x128xf32, #tpu.memory_space<vmem_shared>>)
        tpu.yield
      }) : () -> ()
    }
    %scan3A_15 = arith.constant 79 : i32
    %barrier3A_16 = arith.constant 0 : index
    tpu.barrier barrier_id(%barrier3A_16)
    "tpu.region"() ({
      %run_scoped3A = tpu.sem_alloc : memref<!tpu.dma_semaphore, #tpu.memory_space<semaphore_mem>>
      %dma_start3A = arith.constant 0 : i32
      %dma_start3A_17 = tpu.memref_slice %arg7[%arg0, %mul3A_2, %dma_start3A] : memref<2x10112x128xf32, #tpu.memory_space<hbm>> -> memref<1x632x128xf32, #tpu.memory_space<hbm>>
      %dma_start3A_18 = tpu.memref_squeeze %dma_start3A_17 : memref<1x632x128xf32, #tpu.memory_space<hbm>> -> memref<632x128xf32, #tpu.memory_space<hbm>>
      %dma_start3A_19 = arith.constant 0 : i32
      %dma_start3A_20 = tpu.memref_slice %arg8[%mul3A_2, %dma_start3A_19] : memref<10112x128xf32, #tpu.memory_space<vmem_shared>> -> memref<632x128xf32, #tpu.memory_space<vmem_shared>>
      tpu.enqueue_dma source(%dma_start3A_20 : memref<632x128xf32, #tpu.memory_space<vmem_shared>>) target(%dma_start3A_18 : memref<632x128xf32, #tpu.memory_space<hbm>>) target_semaphore(%run_scoped3A : memref<!tpu.dma_semaphore, #tpu.memory_space<semaphore_mem>>)
      %dma_wait3A = arith.constant 0 : i32
      %dma_wait3A_21 = tpu.memref_slice %arg7[%arg0, %mul3A_2, %dma_wait3A] : memref<2x10112x128xf32, #tpu.memory_space<hbm>> -> memref<1x632x128xf32, #tpu.memory_space<hbm>>
      %dma_wait3A_22 = tpu.memref_squeeze %dma_wait3A_21 : memref<1x632x128xf32, #tpu.memory_space<hbm>> -> memref<632x128xf32, #tpu.memory_space<hbm>>
      %dma_wait3A_23 = arith.constant 0 : i32
      %dma_wait3A_24 = tpu.memref_slice %arg8[%mul3A_2, %dma_wait3A_23] : memref<10112x128xf32, #tpu.memory_space<vmem_shared>> -> memref<632x128xf32, #tpu.memory_space<vmem_shared>>
      tpu.wait_dma2 semaphore(%run_scoped3A : memref<!tpu.dma_semaphore, #tpu.memory_space<semaphore_mem>>) src(%dma_wait3A_24 : memref<632x128xf32, #tpu.memory_space<vmem_shared>>) dst(%dma_wait3A_22 : memref<632x128xf32, #tpu.memory_space<hbm>>)
      tpu.yield
    }) : () -> ()
    return
  }
}

#map = affine_map<(d0, d1) -> (0, 0)>
#map1 = affine_map<(d0, d1) -> (0, 0, 0)>
module attributes {stable_mosaic.version = 14 : i64} {
  func.func @body(%arg0: i32, %arg1: i32, %arg2: memref<10000x128xf32, #tpu.memory_space<hbm>>, %arg3: memref<2528x2x128xi32, #tpu.memory_space<hbm>>, %arg4: memref<632x128xf32, #tpu.memory_space<hbm>>, %arg5: memref<2x10112x128xf32, #tpu.memory_space<hbm>>, %arg6: memref<10112x128xf32, #tpu.memory_space<vmem_shared>>, %arg7: memref<2x128xi32, #tpu.memory_space<vmem>>, %arg8: memref<128x128xf32, #tpu.memory_space<vmem>>, %arg9: memref<!tpu.dma_semaphore, #tpu.memory_space<semaphore_mem>>, %arg10: memref<!tpu.dma_semaphore, #tpu.memory_space<semaphore_mem>>) attributes {dimension_semantics = [#tpu.dimension_semantics<core_parallel>, #tpu.dimension_semantics<subcore_parallel>], iteration_bounds = array<i64: 2, 16>, scalar_prefetch = 0 : i64, scratch_operands = 5 : i64, tpu.core_type = #tpu.core_type<sc_vector_subcore>, window_params = [{transform_indices = #map}, {transform_indices = #map1}, {transform_indices = #map}, {transform_indices = #map1}]} {
    %mul3A = arith.constant 16 : i32
    %mul3A_0 = arith.muli %arg0, %mul3A : i32
    %add3A = arith.addi %mul3A_0, %arg1 : i32
    %mul3A_1 = arith.constant 632 : i32
    %mul3A_2 = arith.muli %arg1, %mul3A_1 : i32
    "tpu.region"() ({
      %run_scoped3A = tpu.sem_alloc : memref<!tpu.dma_semaphore, #tpu.memory_space<semaphore_mem>>
      %dma_start3A = arith.constant 0 : i32
      %dma_start3A_11 = tpu.memref_slice %arg6[%mul3A_2, %dma_start3A] : memref<10112x128xf32, #tpu.memory_space<vmem_shared>> -> memref<632x128xf32, #tpu.memory_space<vmem_shared>>
      tpu.enqueue_dma source(%arg4 : memref<632x128xf32, #tpu.memory_space<hbm>>) target(%dma_start3A_11 : memref<632x128xf32, #tpu.memory_space<vmem_shared>>) target_semaphore(%run_scoped3A : memref<!tpu.dma_semaphore, #tpu.memory_space<semaphore_mem>>)
      %dma_wait3A = arith.constant 0 : i32
      %dma_wait3A_12 = tpu.memref_slice %arg6[%mul3A_2, %dma_wait3A] : memref<10112x128xf32, #tpu.memory_space<vmem_shared>> -> memref<632x128xf32, #tpu.memory_space<vmem_shared>>
      tpu.wait_dma2 semaphore(%run_scoped3A : memref<!tpu.dma_semaphore, #tpu.memory_space<semaphore_mem>>) src(%arg4 : memref<632x128xf32, #tpu.memory_space<hbm>>) dst(%dma_wait3A_12 : memref<632x128xf32, #tpu.memory_space<vmem_shared>>)
      tpu.yield
    }) : () -> ()
    %barrier3A = arith.constant 0 : index
    tpu.barrier barrier_id(%barrier3A)
    %mul3A_3 = arith.constant 79 : i32
    %mul3A_4 = arith.muli %add3A, %mul3A_3 : i32
    %scan3A = arith.constant 0 : i32
    %scan3A_5 = arith.constant 0 : i32
    %scan3A_6 = arith.constant 79 : i32
    %scan3A_7 = arith.addi %scan3A_5, %scan3A_6 : i32
    %scan3A_8 = arith.constant 1 : i32
    scf.for %scan3A_11 = %scan3A_5 to %scan3A_7 step %scan3A_8  : i32 {
      %add3A_12 = arith.addi %mul3A_4, %scan3A_11 : i32
      "tpu.region"() ({
        %run_scoped3A_51 = tpu.sem_alloc : memref<!tpu.dma_semaphore, #tpu.memory_space<semaphore_mem>>
        %dma_start3A_52 = arith.constant 0 : i32
        %dma_start3A_53 = arith.constant 0 : i32
        %dma_start3A_54 = tpu.memref_slice %arg3[%add3A_12, %dma_start3A_52, %dma_start3A_53] : memref<2528x2x128xi32, #tpu.memory_space<hbm>> -> memref<1x2x128xi32, #tpu.memory_space<hbm>>
        %dma_start3A_55 = tpu.memref_squeeze %dma_start3A_54 : memref<1x2x128xi32, #tpu.memory_space<hbm>> -> memref<2x128xi32, #tpu.memory_space<hbm>>
        %dma_start3A_56 = arith.constant 0 : i32
        %dma_start3A_57 = arith.constant 0 : i32
        %dma_start3A_58 = tpu.memref_slice %arg3[%add3A_12, %dma_start3A_56, %dma_start3A_57] : memref<2528x2x128xi32, #tpu.memory_space<hbm>> -> memref<1x2x128xi32, #tpu.memory_space<hbm>>
        %dma_start3A_59 = tpu.memref_squeeze %dma_start3A_58 : memref<1x2x128xi32, #tpu.memory_space<hbm>> -> memref<2x128xi32, #tpu.memory_space<hbm>>
        tpu.enqueue_dma source(%dma_start3A_59 : memref<2x128xi32, #tpu.memory_space<hbm>>) target(%arg7 : memref<2x128xi32, #tpu.memory_space<vmem>>) target_semaphore(%run_scoped3A_51 : memref<!tpu.dma_semaphore, #tpu.memory_space<semaphore_mem>>)
        %dma_wait3A_60 = arith.constant 0 : i32
        %dma_wait3A_61 = arith.constant 0 : i32
        %dma_wait3A_62 = tpu.memref_slice %arg3[%add3A_12, %dma_wait3A_60, %dma_wait3A_61] : memref<2528x2x128xi32, #tpu.memory_space<hbm>> -> memref<1x2x128xi32, #tpu.memory_space<hbm>>
        %dma_wait3A_63 = tpu.memref_squeeze %dma_wait3A_62 : memref<1x2x128xi32, #tpu.memory_space<hbm>> -> memref<2x128xi32, #tpu.memory_space<hbm>>
        %dma_wait3A_64 = arith.constant 0 : i32
        %dma_wait3A_65 = arith.constant 0 : i32
        %dma_wait3A_66 = tpu.memref_slice %arg3[%add3A_12, %dma_wait3A_64, %dma_wait3A_65] : memref<2528x2x128xi32, #tpu.memory_space<hbm>> -> memref<1x2x128xi32, #tpu.memory_space<hbm>>
        %dma_wait3A_67 = tpu.memref_squeeze %dma_wait3A_66 : memref<1x2x128xi32, #tpu.memory_space<hbm>> -> memref<2x128xi32, #tpu.memory_space<hbm>>
        tpu.wait_dma2 semaphore(%run_scoped3A_51 : memref<!tpu.dma_semaphore, #tpu.memory_space<semaphore_mem>>) src(%dma_wait3A_67 : memref<2x128xi32, #tpu.memory_space<hbm>>) dst(%arg7 : memref<2x128xi32, #tpu.memory_space<vmem>>)
        tpu.yield
      }) : () -> ()
      %dma_start3A = arith.constant 0 : i32
      %dma_start3A_13 = arith.constant 0 : i32
      %dma_start3A_14 = arith.constant 0 : i32
      %dma_start3A_15 = tpu.memref_slice %arg8[%dma_start3A_13, %dma_start3A_14] : memref<128x128xf32, #tpu.memory_space<vmem>> -> memref<64x128xf32, #tpu.memory_space<vmem>>
      %dma_start3A_16 = arith.constant 0 : i32
      %dma_start3A_17 = tpu.memref_slice %arg7[%dma_start3A, %dma_start3A_16] : memref<2x128xi32, #tpu.memory_space<vmem>> -> memref<1x64xi32, #tpu.memory_space<vmem>>
      %dma_start3A_18 = tpu.memref_squeeze %dma_start3A_17 : memref<1x64xi32, #tpu.memory_space<vmem>> -> memref<64xi32, #tpu.memory_space<vmem>>
      %dma_start3A_19 = arith.constant 0 : i32
      %dma_start3A_20 = arith.constant 0 : i32
      %dma_start3A_21 = tpu.memref_slice %arg2[%dma_start3A_19, %dma_start3A_20] : memref<10000x128xf32, #tpu.memory_space<hbm>> -> memref<10000x128xf32, #tpu.memory_space<hbm>>
      tpu.enqueue_indirect_dma source(%dma_start3A_21 : memref<10000x128xf32, #tpu.memory_space<hbm>>) target(%dma_start3A_15 : memref<64x128xf32, #tpu.memory_space<vmem>>) offsets(%dma_start3A_18 : memref<64xi32, #tpu.memory_space<vmem>>) semaphore(%arg9 : memref<!tpu.dma_semaphore, #tpu.memory_space<semaphore_mem>>)
      %dma_start3A_22 = arith.constant 0 : i32
      %dma_start3A_23 = arith.constant 64 : i32
      %dma_start3A_24 = arith.constant 0 : i32
      %dma_start3A_25 = tpu.memref_slice %arg8[%dma_start3A_23, %dma_start3A_24] : memref<128x128xf32, #tpu.memory_space<vmem>> -> memref<64x128xf32, #tpu.memory_space<vmem>>
      %dma_start3A_26 = arith.constant 64 : i32
      %dma_start3A_27 = tpu.memref_slice %arg7[%dma_start3A_22, %dma_start3A_26] : memref<2x128xi32, #tpu.memory_space<vmem>> -> memref<1x64xi32, #tpu.memory_space<vmem>>
      %dma_start3A_28 = tpu.memref_squeeze %dma_start3A_27 : memref<1x64xi32, #tpu.memory_space<vmem>> -> memref<64xi32, #tpu.memory_space<vmem>>
      %dma_start3A_29 = arith.constant 0 : i32
      %dma_start3A_30 = arith.constant 0 : i32
      %dma_start3A_31 = tpu.memref_slice %arg2[%dma_start3A_29, %dma_start3A_30] : memref<10000x128xf32, #tpu.memory_space<hbm>> -> memref<10000x128xf32, #tpu.memory_space<hbm>>
      tpu.enqueue_indirect_dma source(%dma_start3A_31 : memref<10000x128xf32, #tpu.memory_space<hbm>>) target(%dma_start3A_25 : memref<64x128xf32, #tpu.memory_space<vmem>>) offsets(%dma_start3A_28 : memref<64xi32, #tpu.memory_space<vmem>>) semaphore(%arg10 : memref<!tpu.dma_semaphore, #tpu.memory_space<semaphore_mem>>)
      %dma_wait3A = arith.constant 0 : i32
      %dma_wait3A_32 = arith.constant 0 : i32
      %dma_wait3A_33 = arith.constant 0 : i32
      %dma_wait3A_34 = tpu.memref_slice %arg8[%dma_wait3A_32, %dma_wait3A_33] : memref<128x128xf32, #tpu.memory_space<vmem>> -> memref<64x128xf32, #tpu.memory_space<vmem>>
      %dma_wait3A_35 = arith.constant 0 : i32
      %dma_wait3A_36 = tpu.memref_slice %arg7[%dma_wait3A, %dma_wait3A_35] : memref<2x128xi32, #tpu.memory_space<vmem>> -> memref<1x64xi32, #tpu.memory_space<vmem>>
      %dma_wait3A_37 = tpu.memref_squeeze %dma_wait3A_36 : memref<1x64xi32, #tpu.memory_space<vmem>> -> memref<64xi32, #tpu.memory_space<vmem>>
      %dma_wait3A_38 = arith.constant 0 : i32
      %dma_wait3A_39 = arith.constant 0 : i32
      %dma_wait3A_40 = tpu.memref_slice %arg2[%dma_wait3A_38, %dma_wait3A_39] : memref<10000x128xf32, #tpu.memory_space<hbm>> -> memref<10000x128xf32, #tpu.memory_space<hbm>>
      tpu.wait_indirect_dma semaphore(%arg9 : memref<!tpu.dma_semaphore, #tpu.memory_space<semaphore_mem>>) src(%dma_wait3A_40 : memref<10000x128xf32, #tpu.memory_space<hbm>>) dst(%dma_wait3A_34 : memref<64x128xf32, #tpu.memory_space<vmem>>)
      %dma_wait3A_41 = arith.constant 0 : i32
      %dma_wait3A_42 = arith.constant 64 : i32
      %dma_wait3A_43 = arith.constant 0 : i32
      %dma_wait3A_44 = tpu.memref_slice %arg8[%dma_wait3A_42, %dma_wait3A_43] : memref<128x128xf32, #tpu.memory_space<vmem>> -> memref<64x128xf32, #tpu.memory_space<vmem>>
      %dma_wait3A_45 = arith.constant 64 : i32
      %dma_wait3A_46 = tpu.memref_slice %arg7[%dma_wait3A_41, %dma_wait3A_45] : memref<2x128xi32, #tpu.memory_space<vmem>> -> memref<1x64xi32, #tpu.memory_space<vmem>>
      %dma_wait3A_47 = tpu.memref_squeeze %dma_wait3A_46 : memref<1x64xi32, #tpu.memory_space<vmem>> -> memref<64xi32, #tpu.memory_space<vmem>>
      %dma_wait3A_48 = arith.constant 0 : i32
      %dma_wait3A_49 = arith.constant 0 : i32
      %dma_wait3A_50 = tpu.memref_slice %arg2[%dma_wait3A_48, %dma_wait3A_49] : memref<10000x128xf32, #tpu.memory_space<hbm>> -> memref<10000x128xf32, #tpu.memory_space<hbm>>
      tpu.wait_indirect_dma semaphore(%arg10 : memref<!tpu.dma_semaphore, #tpu.memory_space<semaphore_mem>>) src(%dma_wait3A_50 : memref<10000x128xf32, #tpu.memory_space<hbm>>) dst(%dma_wait3A_44 : memref<64x128xf32, #tpu.memory_space<vmem>>)
      %run_scoped3A = arith.constant 1 : i32
      "tpu.region"() ({
        %run_scoped3A_51 = tpu.sem_alloc : memref<!tpu.dma_semaphore, #tpu.memory_space<semaphore_mem>>
        %dma_start3A_52 = arith.constant 0 : i32
        %dma_start3A_53 = tpu.memref_slice %arg7[%run_scoped3A, %dma_start3A_52] : memref<2x128xi32, #tpu.memory_space<vmem>> -> memref<1x128xi32, #tpu.memory_space<vmem>>
        %dma_start3A_54 = tpu.memref_squeeze %dma_start3A_53 : memref<1x128xi32, #tpu.memory_space<vmem>> -> memref<128xi32, #tpu.memory_space<vmem>>
        %dma_start3A_55 = arith.constant 0 : i32
        %dma_start3A_56 = arith.constant 0 : i32
        %dma_start3A_57 = tpu.memref_slice %arg6[%dma_start3A_55, %dma_start3A_56] : memref<10112x128xf32, #tpu.memory_space<vmem_shared>> -> memref<10112x128xf32, #tpu.memory_space<vmem_shared>>
        tpu.enqueue_indirect_dma source(%arg8 : memref<128x128xf32, #tpu.memory_space<vmem>>) target(%dma_start3A_57 : memref<10112x128xf32, #tpu.memory_space<vmem_shared>>) offsets(%dma_start3A_54 : memref<128xi32, #tpu.memory_space<vmem>>) semaphore(%run_scoped3A_51 : memref<!tpu.dma_semaphore, #tpu.memory_space<semaphore_mem>>) {add = true}
        %dma_wait3A_58 = arith.constant 0 : i32
        %dma_wait3A_59 = tpu.memref_slice %arg7[%run_scoped3A, %dma_wait3A_58] : memref<2x128xi32, #tpu.memory_space<vmem>> -> memref<1x128xi32, #tpu.memory_space<vmem>>
        %dma_wait3A_60 = tpu.memref_squeeze %dma_wait3A_59 : memref<1x128xi32, #tpu.memory_space<vmem>> -> memref<128xi32, #tpu.memory_space<vmem>>
        %dma_wait3A_61 = arith.constant 0 : i32
        %dma_wait3A_62 = arith.constant 0 : i32
        %dma_wait3A_63 = tpu.memref_slice %arg6[%dma_wait3A_61, %dma_wait3A_62] : memref<10112x128xf32, #tpu.memory_space<vmem_shared>> -> memref<10112x128xf32, #tpu.memory_space<vmem_shared>>
        tpu.wait_indirect_dma semaphore(%run_scoped3A_51 : memref<!tpu.dma_semaphore, #tpu.memory_space<semaphore_mem>>) src(%arg8 : memref<128x128xf32, #tpu.memory_space<vmem>>) dst(%dma_wait3A_63 : memref<10112x128xf32, #tpu.memory_space<vmem_shared>>)
        tpu.yield
      }) : () -> ()
    }
    %scan3A_9 = arith.constant 79 : i32
    %barrier3A_10 = arith.constant 0 : index
    tpu.barrier barrier_id(%barrier3A_10)
    "tpu.region"() ({
      %run_scoped3A = tpu.sem_alloc : memref<!tpu.dma_semaphore, #tpu.memory_space<semaphore_mem>>
      %dma_start3A = arith.constant 0 : i32
      %dma_start3A_11 = tpu.memref_slice %arg5[%arg0, %mul3A_2, %dma_start3A] : memref<2x10112x128xf32, #tpu.memory_space<hbm>> -> memref<1x632x128xf32, #tpu.memory_space<hbm>>
      %dma_start3A_12 = tpu.memref_squeeze %dma_start3A_11 : memref<1x632x128xf32, #tpu.memory_space<hbm>> -> memref<632x128xf32, #tpu.memory_space<hbm>>
      %dma_start3A_13 = arith.constant 0 : i32
      %dma_start3A_14 = tpu.memref_slice %arg6[%mul3A_2, %dma_start3A_13] : memref<10112x128xf32, #tpu.memory_space<vmem_shared>> -> memref<632x128xf32, #tpu.memory_space<vmem_shared>>
      tpu.enqueue_dma source(%dma_start3A_14 : memref<632x128xf32, #tpu.memory_space<vmem_shared>>) target(%dma_start3A_12 : memref<632x128xf32, #tpu.memory_space<hbm>>) target_semaphore(%run_scoped3A : memref<!tpu.dma_semaphore, #tpu.memory_space<semaphore_mem>>)
      %dma_wait3A = arith.constant 0 : i32
      %dma_wait3A_15 = tpu.memref_slice %arg5[%arg0, %mul3A_2, %dma_wait3A] : memref<2x10112x128xf32, #tpu.memory_space<hbm>> -> memref<1x632x128xf32, #tpu.memory_space<hbm>>
      %dma_wait3A_16 = tpu.memref_squeeze %dma_wait3A_15 : memref<1x632x128xf32, #tpu.memory_space<hbm>> -> memref<632x128xf32, #tpu.memory_space<hbm>>
      %dma_wait3A_17 = arith.constant 0 : i32
      %dma_wait3A_18 = tpu.memref_slice %arg6[%mul3A_2, %dma_wait3A_17] : memref<10112x128xf32, #tpu.memory_space<vmem_shared>> -> memref<632x128xf32, #tpu.memory_space<vmem_shared>>
      tpu.wait_dma2 semaphore(%run_scoped3A : memref<!tpu.dma_semaphore, #tpu.memory_space<semaphore_mem>>) src(%dma_wait3A_18 : memref<632x128xf32, #tpu.memory_space<vmem_shared>>) dst(%dma_wait3A_16 : memref<632x128xf32, #tpu.memory_space<hbm>>)
      tpu.yield
    }) : () -> ()
    return
  }
}

#map = affine_map<(d0, d1) -> (0, 0)>
#map1 = affine_map<(d0, d1) -> (0, 0, 0)>
module attributes {stable_mosaic.version = 14 : i64} {
  func.func @body(%arg0: i32, %arg1: i32, %arg2: memref<10000x128xf32, #tpu.memory_space<hbm>>, %arg3: memref<2528x2x128xi32, #tpu.memory_space<hbm>>, %arg4: memref<632x128xf32, #tpu.memory_space<hbm>>, %arg5: memref<2x10112x128xf32, #tpu.memory_space<hbm>>, %arg6: memref<10112x128xf32, #tpu.memory_space<vmem_shared>>, %arg7: memref<2x128xi32, #tpu.memory_space<vmem>>, %arg8: memref<128x128xf32, #tpu.memory_space<vmem>>, %arg9: memref<!tpu.dma_semaphore, #tpu.memory_space<semaphore_mem>>, %arg10: memref<!tpu.dma_semaphore, #tpu.memory_space<semaphore_mem>>) attributes {dimension_semantics = [#tpu.dimension_semantics<core_parallel>, #tpu.dimension_semantics<subcore_parallel>], iteration_bounds = array<i64: 2, 16>, scalar_prefetch = 0 : i64, scratch_operands = 5 : i64, tpu.core_type = #tpu.core_type<sc_vector_subcore>, window_params = [{transform_indices = #map}, {transform_indices = #map1}, {transform_indices = #map}, {transform_indices = #map1}]} {
    %mul3A = arith.constant 16 : i32
    %mul3A_0 = arith.muli %arg0, %mul3A : i32
    %add3A = arith.addi %mul3A_0, %arg1 : i32
    %mul3A_1 = arith.constant 632 : i32
    %mul3A_2 = arith.muli %arg1, %mul3A_1 : i32
    "tpu.region"() ({
      %run_scoped3A = tpu.sem_alloc : memref<!tpu.dma_semaphore, #tpu.memory_space<semaphore_mem>>
      %dma_start3A = arith.constant 0 : i32
      %dma_start3A_11 = tpu.memref_slice %arg6[%mul3A_2, %dma_start3A] : memref<10112x128xf32, #tpu.memory_space<vmem_shared>> -> memref<632x128xf32, #tpu.memory_space<vmem_shared>>
      tpu.enqueue_dma source(%arg4 : memref<632x128xf32, #tpu.memory_space<hbm>>) target(%dma_start3A_11 : memref<632x128xf32, #tpu.memory_space<vmem_shared>>) target_semaphore(%run_scoped3A : memref<!tpu.dma_semaphore, #tpu.memory_space<semaphore_mem>>)
      %dma_wait3A = arith.constant 0 : i32
      %dma_wait3A_12 = tpu.memref_slice %arg6[%mul3A_2, %dma_wait3A] : memref<10112x128xf32, #tpu.memory_space<vmem_shared>> -> memref<632x128xf32, #tpu.memory_space<vmem_shared>>
      tpu.wait_dma2 semaphore(%run_scoped3A : memref<!tpu.dma_semaphore, #tpu.memory_space<semaphore_mem>>) src(%arg4 : memref<632x128xf32, #tpu.memory_space<hbm>>) dst(%dma_wait3A_12 : memref<632x128xf32, #tpu.memory_space<vmem_shared>>)
      tpu.yield
    }) : () -> ()
    %barrier3A = arith.constant 0 : index
    tpu.barrier barrier_id(%barrier3A)
    %mul3A_3 = arith.constant 79 : i32
    %mul3A_4 = arith.muli %add3A, %mul3A_3 : i32
    %scan3A = arith.constant 0 : i32
    %scan3A_5 = arith.constant 0 : i32
    %scan3A_6 = arith.constant 79 : i32
    %scan3A_7 = arith.addi %scan3A_5, %scan3A_6 : i32
    %scan3A_8 = arith.constant 1 : i32
    scf.for %scan3A_11 = %scan3A_5 to %scan3A_7 step %scan3A_8  : i32 {
      %add3A_12 = arith.addi %mul3A_4, %scan3A_11 : i32
      "tpu.region"() ({
        %run_scoped3A_51 = tpu.sem_alloc : memref<!tpu.dma_semaphore, #tpu.memory_space<semaphore_mem>>
        %dma_start3A_52 = arith.constant 0 : i32
        %dma_start3A_53 = arith.constant 0 : i32
        %dma_start3A_54 = tpu.memref_slice %arg3[%add3A_12, %dma_start3A_52, %dma_start3A_53] : memref<2528x2x128xi32, #tpu.memory_space<hbm>> -> memref<1x2x128xi32, #tpu.memory_space<hbm>>
        %dma_start3A_55 = tpu.memref_squeeze %dma_start3A_54 : memref<1x2x128xi32, #tpu.memory_space<hbm>> -> memref<2x128xi32, #tpu.memory_space<hbm>>
        %dma_start3A_56 = arith.constant 0 : i32
        %dma_start3A_57 = arith.constant 0 : i32
        %dma_start3A_58 = tpu.memref_slice %arg3[%add3A_12, %dma_start3A_56, %dma_start3A_57] : memref<2528x2x128xi32, #tpu.memory_space<hbm>> -> memref<1x2x128xi32, #tpu.memory_space<hbm>>
        %dma_start3A_59 = tpu.memref_squeeze %dma_start3A_58 : memref<1x2x128xi32, #tpu.memory_space<hbm>> -> memref<2x128xi32, #tpu.memory_space<hbm>>
        tpu.enqueue_dma source(%dma_start3A_59 : memref<2x128xi32, #tpu.memory_space<hbm>>) target(%arg7 : memref<2x128xi32, #tpu.memory_space<vmem>>) target_semaphore(%run_scoped3A_51 : memref<!tpu.dma_semaphore, #tpu.memory_space<semaphore_mem>>)
        %dma_wait3A_60 = arith.constant 0 : i32
        %dma_wait3A_61 = arith.constant 0 : i32
        %dma_wait3A_62 = tpu.memref_slice %arg3[%add3A_12, %dma_wait3A_60, %dma_wait3A_61] : memref<2528x2x128xi32, #tpu.memory_space<hbm>> -> memref<1x2x128xi32, #tpu.memory_space<hbm>>
        %dma_wait3A_63 = tpu.memref_squeeze %dma_wait3A_62 : memref<1x2x128xi32, #tpu.memory_space<hbm>> -> memref<2x128xi32, #tpu.memory_space<hbm>>
        %dma_wait3A_64 = arith.constant 0 : i32
        %dma_wait3A_65 = arith.constant 0 : i32
        %dma_wait3A_66 = tpu.memref_slice %arg3[%add3A_12, %dma_wait3A_64, %dma_wait3A_65] : memref<2528x2x128xi32, #tpu.memory_space<hbm>> -> memref<1x2x128xi32, #tpu.memory_space<hbm>>
        %dma_wait3A_67 = tpu.memref_squeeze %dma_wait3A_66 : memref<1x2x128xi32, #tpu.memory_space<hbm>> -> memref<2x128xi32, #tpu.memory_space<hbm>>
        tpu.wait_dma2 semaphore(%run_scoped3A_51 : memref<!tpu.dma_semaphore, #tpu.memory_space<semaphore_mem>>) src(%dma_wait3A_67 : memref<2x128xi32, #tpu.memory_space<hbm>>) dst(%arg7 : memref<2x128xi32, #tpu.memory_space<vmem>>)
        tpu.yield
      }) : () -> ()
      %dma_start3A = arith.constant 0 : i32
      %dma_start3A_13 = arith.constant 0 : i32
      %dma_start3A_14 = arith.constant 0 : i32
      %dma_start3A_15 = tpu.memref_slice %arg8[%dma_start3A_13, %dma_start3A_14] : memref<128x128xf32, #tpu.memory_space<vmem>> -> memref<64x128xf32, #tpu.memory_space<vmem>>
      %dma_start3A_16 = arith.constant 0 : i32
      %dma_start3A_17 = tpu.memref_slice %arg7[%dma_start3A, %dma_start3A_16] : memref<2x128xi32, #tpu.memory_space<vmem>> -> memref<1x64xi32, #tpu.memory_space<vmem>>
      %dma_start3A_18 = tpu.memref_squeeze %dma_start3A_17 : memref<1x64xi32, #tpu.memory_space<vmem>> -> memref<64xi32, #tpu.memory_space<vmem>>
      %dma_start3A_19 = arith.constant 0 : i32
      %dma_start3A_20 = arith.constant 0 : i32
      %dma_start3A_21 = tpu.memref_slice %arg2[%dma_start3A_19, %dma_start3A_20] : memref<10000x128xf32, #tpu.memory_space<hbm>> -> memref<10000x128xf32, #tpu.memory_space<hbm>>
      tpu.enqueue_indirect_dma source(%dma_start3A_21 : memref<10000x128xf32, #tpu.memory_space<hbm>>) target(%dma_start3A_15 : memref<64x128xf32, #tpu.memory_space<vmem>>) offsets(%dma_start3A_18 : memref<64xi32, #tpu.memory_space<vmem>>) semaphore(%arg9 : memref<!tpu.dma_semaphore, #tpu.memory_space<semaphore_mem>>)
      %dma_start3A_22 = arith.constant 0 : i32
      %dma_start3A_23 = arith.constant 64 : i32
      %dma_start3A_24 = arith.constant 0 : i32
      %dma_start3A_25 = tpu.memref_slice %arg8[%dma_start3A_23, %dma_start3A_24] : memref<128x128xf32, #tpu.memory_space<vmem>> -> memref<64x128xf32, #tpu.memory_space<vmem>>
      %dma_start3A_26 = arith.constant 64 : i32
      %dma_start3A_27 = tpu.memref_slice %arg7[%dma_start3A_22, %dma_start3A_26] : memref<2x128xi32, #tpu.memory_space<vmem>> -> memref<1x64xi32, #tpu.memory_space<vmem>>
      %dma_start3A_28 = tpu.memref_squeeze %dma_start3A_27 : memref<1x64xi32, #tpu.memory_space<vmem>> -> memref<64xi32, #tpu.memory_space<vmem>>
      %dma_start3A_29 = arith.constant 0 : i32
      %dma_start3A_30 = arith.constant 0 : i32
      %dma_start3A_31 = tpu.memref_slice %arg2[%dma_start3A_29, %dma_start3A_30] : memref<10000x128xf32, #tpu.memory_space<hbm>> -> memref<10000x128xf32, #tpu.memory_space<hbm>>
      tpu.enqueue_indirect_dma source(%dma_start3A_31 : memref<10000x128xf32, #tpu.memory_space<hbm>>) target(%dma_start3A_25 : memref<64x128xf32, #tpu.memory_space<vmem>>) offsets(%dma_start3A_28 : memref<64xi32, #tpu.memory_space<vmem>>) semaphore(%arg10 : memref<!tpu.dma_semaphore, #tpu.memory_space<semaphore_mem>>)
      %dma_wait3A = arith.constant 0 : i32
      %dma_wait3A_32 = arith.constant 0 : i32
      %dma_wait3A_33 = arith.constant 0 : i32
      %dma_wait3A_34 = tpu.memref_slice %arg8[%dma_wait3A_32, %dma_wait3A_33] : memref<128x128xf32, #tpu.memory_space<vmem>> -> memref<64x128xf32, #tpu.memory_space<vmem>>
      %dma_wait3A_35 = arith.constant 0 : i32
      %dma_wait3A_36 = tpu.memref_slice %arg7[%dma_wait3A, %dma_wait3A_35] : memref<2x128xi32, #tpu.memory_space<vmem>> -> memref<1x64xi32, #tpu.memory_space<vmem>>
      %dma_wait3A_37 = tpu.memref_squeeze %dma_wait3A_36 : memref<1x64xi32, #tpu.memory_space<vmem>> -> memref<64xi32, #tpu.memory_space<vmem>>
      %dma_wait3A_38 = arith.constant 0 : i32
      %dma_wait3A_39 = arith.constant 0 : i32
      %dma_wait3A_40 = tpu.memref_slice %arg2[%dma_wait3A_38, %dma_wait3A_39] : memref<10000x128xf32, #tpu.memory_space<hbm>> -> memref<10000x128xf32, #tpu.memory_space<hbm>>
      tpu.wait_indirect_dma semaphore(%arg9 : memref<!tpu.dma_semaphore, #tpu.memory_space<semaphore_mem>>) src(%dma_wait3A_40 : memref<10000x128xf32, #tpu.memory_space<hbm>>) dst(%dma_wait3A_34 : memref<64x128xf32, #tpu.memory_space<vmem>>)
      %dma_wait3A_41 = arith.constant 0 : i32
      %dma_wait3A_42 = arith.constant 64 : i32
      %dma_wait3A_43 = arith.constant 0 : i32
      %dma_wait3A_44 = tpu.memref_slice %arg8[%dma_wait3A_42, %dma_wait3A_43] : memref<128x128xf32, #tpu.memory_space<vmem>> -> memref<64x128xf32, #tpu.memory_space<vmem>>
      %dma_wait3A_45 = arith.constant 64 : i32
      %dma_wait3A_46 = tpu.memref_slice %arg7[%dma_wait3A_41, %dma_wait3A_45] : memref<2x128xi32, #tpu.memory_space<vmem>> -> memref<1x64xi32, #tpu.memory_space<vmem>>
      %dma_wait3A_47 = tpu.memref_squeeze %dma_wait3A_46 : memref<1x64xi32, #tpu.memory_space<vmem>> -> memref<64xi32, #tpu.memory_space<vmem>>
      %dma_wait3A_48 = arith.constant 0 : i32
      %dma_wait3A_49 = arith.constant 0 : i32
      %dma_wait3A_50 = tpu.memref_slice %arg2[%dma_wait3A_48, %dma_wait3A_49] : memref<10000x128xf32, #tpu.memory_space<hbm>> -> memref<10000x128xf32, #tpu.memory_space<hbm>>
      tpu.wait_indirect_dma semaphore(%arg10 : memref<!tpu.dma_semaphore, #tpu.memory_space<semaphore_mem>>) src(%dma_wait3A_50 : memref<10000x128xf32, #tpu.memory_space<hbm>>) dst(%dma_wait3A_44 : memref<64x128xf32, #tpu.memory_space<vmem>>)
      %run_scoped3A = arith.constant 1 : i32
      "tpu.region"() ({
        %run_scoped3A_51 = tpu.sem_alloc : memref<!tpu.dma_semaphore, #tpu.memory_space<semaphore_mem>>
        %dma_start3A_52 = arith.constant 0 : i32
        %dma_start3A_53 = tpu.memref_slice %arg7[%run_scoped3A, %dma_start3A_52] : memref<2x128xi32, #tpu.memory_space<vmem>> -> memref<1x128xi32, #tpu.memory_space<vmem>>
        %dma_start3A_54 = tpu.memref_squeeze %dma_start3A_53 : memref<1x128xi32, #tpu.memory_space<vmem>> -> memref<128xi32, #tpu.memory_space<vmem>>
        %dma_start3A_55 = arith.constant 0 : i32
        %dma_start3A_56 = arith.constant 0 : i32
        %dma_start3A_57 = tpu.memref_slice %arg6[%dma_start3A_55, %dma_start3A_56] : memref<10112x128xf32, #tpu.memory_space<vmem_shared>> -> memref<10112x128xf32, #tpu.memory_space<vmem_shared>>
        tpu.enqueue_indirect_dma source(%arg8 : memref<128x128xf32, #tpu.memory_space<vmem>>) target(%dma_start3A_57 : memref<10112x128xf32, #tpu.memory_space<vmem_shared>>) offsets(%dma_start3A_54 : memref<128xi32, #tpu.memory_space<vmem>>) semaphore(%run_scoped3A_51 : memref<!tpu.dma_semaphore, #tpu.memory_space<semaphore_mem>>) {add = true}
        %dma_wait3A_58 = arith.constant 0 : i32
        %dma_wait3A_59 = tpu.memref_slice %arg7[%run_scoped3A, %dma_wait3A_58] : memref<2x128xi32, #tpu.memory_space<vmem>> -> memref<1x128xi32, #tpu.memory_space<vmem>>
        %dma_wait3A_60 = tpu.memref_squeeze %dma_wait3A_59 : memref<1x128xi32, #tpu.memory_space<vmem>> -> memref<128xi32, #tpu.memory_space<vmem>>
        %dma_wait3A_61 = arith.constant 0 : i32
        %dma_wait3A_62 = arith.constant 0 : i32
        %dma_wait3A_63 = tpu.memref_slice %arg6[%dma_wait3A_61, %dma_wait3A_62] : memref<10112x128xf32, #tpu.memory_space<vmem_shared>> -> memref<10112x128xf32, #tpu.memory_space<vmem_shared>>
        tpu.wait_indirect_dma semaphore(%run_scoped3A_51 : memref<!tpu.dma_semaphore, #tpu.memory_space<semaphore_mem>>) src(%arg8 : memref<128x128xf32, #tpu.memory_space<vmem>>) dst(%dma_wait3A_63 : memref<10112x128xf32, #tpu.memory_space<vmem_shared>>)
        tpu.yield
      }) : () -> ()
    }
    %scan3A_9 = arith.constant 79 : i32
    %barrier3A_10 = arith.constant 0 : index
    tpu.barrier barrier_id(%barrier3A_10)
    "tpu.region"() ({
      %run_scoped3A = tpu.sem_alloc : memref<!tpu.dma_semaphore, #tpu.memory_space<semaphore_mem>>
      %dma_start3A = arith.constant 0 : i32
      %dma_start3A_11 = tpu.memref_slice %arg5[%arg0, %mul3A_2, %dma_start3A] : memref<2x10112x128xf32, #tpu.memory_space<hbm>> -> memref<1x632x128xf32, #tpu.memory_space<hbm>>
      %dma_start3A_12 = tpu.memref_squeeze %dma_start3A_11 : memref<1x632x128xf32, #tpu.memory_space<hbm>> -> memref<632x128xf32, #tpu.memory_space<hbm>>
      %dma_start3A_13 = arith.constant 0 : i32
      %dma_start3A_14 = tpu.memref_slice %arg6[%mul3A_2, %dma_start3A_13] : memref<10112x128xf32, #tpu.memory_space<vmem_shared>> -> memref<632x128xf32, #tpu.memory_space<vmem_shared>>
      tpu.enqueue_dma source(%dma_start3A_14 : memref<632x128xf32, #tpu.memory_space<vmem_shared>>) target(%dma_start3A_12 : memref<632x128xf32, #tpu.memory_space<hbm>>) target_semaphore(%run_scoped3A : memref<!tpu.dma_semaphore, #tpu.memory_space<semaphore_mem>>)
      %dma_wait3A = arith.constant 0 : i32
      %dma_wait3A_15 = tpu.memref_slice %arg5[%arg0, %mul3A_2, %dma_wait3A] : memref<2x10112x128xf32, #tpu.memory_space<hbm>> -> memref<1x632x128xf32, #tpu.memory_space<hbm>>
      %dma_wait3A_16 = tpu.memref_squeeze %dma_wait3A_15 : memref<1x632x128xf32, #tpu.memory_space<hbm>> -> memref<632x128xf32, #tpu.memory_space<hbm>>
      %dma_wait3A_17 = arith.constant 0 : i32
      %dma_wait3A_18 = tpu.memref_slice %arg6[%mul3A_2, %dma_wait3A_17] : memref<10112x128xf32, #tpu.memory_space<vmem_shared>> -> memref<632x128xf32, #tpu.memory_space<vmem_shared>>
      tpu.wait_dma2 semaphore(%run_scoped3A : memref<!tpu.dma_semaphore, #tpu.memory_space<semaphore_mem>>) src(%dma_wait3A_18 : memref<632x128xf32, #tpu.memory_space<vmem_shared>>) dst(%dma_wait3A_16 : memref<632x128xf32, #tpu.memory_space<hbm>>)
      tpu.yield
    }) : () -> ()
    return
  }
}

#map = affine_map<(d0, d1) -> (0, 0)>
#map1 = affine_map<(d0, d1) -> (0, 0, 0)>
module attributes {stable_mosaic.version = 14 : i64} {
  func.func @body(%arg0: i32, %arg1: i32, %arg2: memref<10112x128xf32, #tpu.memory_space<hbm>>, %arg3: memref<2528x2x128xi32, #tpu.memory_space<hbm>>, %arg4: memref<632x128xf32, #tpu.memory_space<hbm>>, %arg5: memref<2x10112x128xf32, #tpu.memory_space<hbm>>, %arg6: memref<10112x128xf32, #tpu.memory_space<vmem_shared>>, %arg7: memref<2x128xi32, #tpu.memory_space<vmem>>, %arg8: memref<128x128xf32, #tpu.memory_space<vmem>>, %arg9: memref<!tpu.dma_semaphore, #tpu.memory_space<semaphore_mem>>, %arg10: memref<!tpu.dma_semaphore, #tpu.memory_space<semaphore_mem>>) attributes {dimension_semantics = [#tpu.dimension_semantics<core_parallel>, #tpu.dimension_semantics<subcore_parallel>], iteration_bounds = array<i64: 2, 16>, scalar_prefetch = 0 : i64, scratch_operands = 5 : i64, tpu.core_type = #tpu.core_type<sc_vector_subcore>, window_params = [{transform_indices = #map}, {transform_indices = #map1}, {transform_indices = #map}, {transform_indices = #map1}]} {
    %mul3A = arith.constant 16 : i32
    %mul3A_0 = arith.muli %arg0, %mul3A : i32
    %add3A = arith.addi %mul3A_0, %arg1 : i32
    %mul3A_1 = arith.constant 632 : i32
    %mul3A_2 = arith.muli %arg1, %mul3A_1 : i32
    "tpu.region"() ({
      %run_scoped3A = tpu.sem_alloc : memref<!tpu.dma_semaphore, #tpu.memory_space<semaphore_mem>>
      %dma_start3A = arith.constant 0 : i32
      %dma_start3A_11 = tpu.memref_slice %arg6[%mul3A_2, %dma_start3A] : memref<10112x128xf32, #tpu.memory_space<vmem_shared>> -> memref<632x128xf32, #tpu.memory_space<vmem_shared>>
      tpu.enqueue_dma source(%arg4 : memref<632x128xf32, #tpu.memory_space<hbm>>) target(%dma_start3A_11 : memref<632x128xf32, #tpu.memory_space<vmem_shared>>) target_semaphore(%run_scoped3A : memref<!tpu.dma_semaphore, #tpu.memory_space<semaphore_mem>>)
      %dma_wait3A = arith.constant 0 : i32
      %dma_wait3A_12 = tpu.memref_slice %arg6[%mul3A_2, %dma_wait3A] : memref<10112x128xf32, #tpu.memory_space<vmem_shared>> -> memref<632x128xf32, #tpu.memory_space<vmem_shared>>
      tpu.wait_dma2 semaphore(%run_scoped3A : memref<!tpu.dma_semaphore, #tpu.memory_space<semaphore_mem>>) src(%arg4 : memref<632x128xf32, #tpu.memory_space<hbm>>) dst(%dma_wait3A_12 : memref<632x128xf32, #tpu.memory_space<vmem_shared>>)
      tpu.yield
    }) : () -> ()
    %barrier3A = arith.constant 0 : index
    tpu.barrier barrier_id(%barrier3A)
    %mul3A_3 = arith.constant 79 : i32
    %mul3A_4 = arith.muli %add3A, %mul3A_3 : i32
    %scan3A = arith.constant 0 : i32
    %scan3A_5 = arith.constant 0 : i32
    %scan3A_6 = arith.constant 79 : i32
    %scan3A_7 = arith.addi %scan3A_5, %scan3A_6 : i32
    %scan3A_8 = arith.constant 1 : i32
    scf.for %scan3A_11 = %scan3A_5 to %scan3A_7 step %scan3A_8  : i32 {
      %add3A_12 = arith.addi %mul3A_4, %scan3A_11 : i32
      "tpu.region"() ({
        %run_scoped3A_51 = tpu.sem_alloc : memref<!tpu.dma_semaphore, #tpu.memory_space<semaphore_mem>>
        %dma_start3A_52 = arith.constant 0 : i32
        %dma_start3A_53 = arith.constant 0 : i32
        %dma_start3A_54 = tpu.memref_slice %arg3[%add3A_12, %dma_start3A_52, %dma_start3A_53] : memref<2528x2x128xi32, #tpu.memory_space<hbm>> -> memref<1x2x128xi32, #tpu.memory_space<hbm>>
        %dma_start3A_55 = tpu.memref_squeeze %dma_start3A_54 : memref<1x2x128xi32, #tpu.memory_space<hbm>> -> memref<2x128xi32, #tpu.memory_space<hbm>>
        %dma_start3A_56 = arith.constant 0 : i32
        %dma_start3A_57 = arith.constant 0 : i32
        %dma_start3A_58 = tpu.memref_slice %arg3[%add3A_12, %dma_start3A_56, %dma_start3A_57] : memref<2528x2x128xi32, #tpu.memory_space<hbm>> -> memref<1x2x128xi32, #tpu.memory_space<hbm>>
        %dma_start3A_59 = tpu.memref_squeeze %dma_start3A_58 : memref<1x2x128xi32, #tpu.memory_space<hbm>> -> memref<2x128xi32, #tpu.memory_space<hbm>>
        tpu.enqueue_dma source(%dma_start3A_59 : memref<2x128xi32, #tpu.memory_space<hbm>>) target(%arg7 : memref<2x128xi32, #tpu.memory_space<vmem>>) target_semaphore(%run_scoped3A_51 : memref<!tpu.dma_semaphore, #tpu.memory_space<semaphore_mem>>)
        %dma_wait3A_60 = arith.constant 0 : i32
        %dma_wait3A_61 = arith.constant 0 : i32
        %dma_wait3A_62 = tpu.memref_slice %arg3[%add3A_12, %dma_wait3A_60, %dma_wait3A_61] : memref<2528x2x128xi32, #tpu.memory_space<hbm>> -> memref<1x2x128xi32, #tpu.memory_space<hbm>>
        %dma_wait3A_63 = tpu.memref_squeeze %dma_wait3A_62 : memref<1x2x128xi32, #tpu.memory_space<hbm>> -> memref<2x128xi32, #tpu.memory_space<hbm>>
        %dma_wait3A_64 = arith.constant 0 : i32
        %dma_wait3A_65 = arith.constant 0 : i32
        %dma_wait3A_66 = tpu.memref_slice %arg3[%add3A_12, %dma_wait3A_64, %dma_wait3A_65] : memref<2528x2x128xi32, #tpu.memory_space<hbm>> -> memref<1x2x128xi32, #tpu.memory_space<hbm>>
        %dma_wait3A_67 = tpu.memref_squeeze %dma_wait3A_66 : memref<1x2x128xi32, #tpu.memory_space<hbm>> -> memref<2x128xi32, #tpu.memory_space<hbm>>
        tpu.wait_dma2 semaphore(%run_scoped3A_51 : memref<!tpu.dma_semaphore, #tpu.memory_space<semaphore_mem>>) src(%dma_wait3A_67 : memref<2x128xi32, #tpu.memory_space<hbm>>) dst(%arg7 : memref<2x128xi32, #tpu.memory_space<vmem>>)
        tpu.yield
      }) : () -> ()
      %dma_start3A = arith.constant 0 : i32
      %dma_start3A_13 = arith.constant 0 : i32
      %dma_start3A_14 = arith.constant 0 : i32
      %dma_start3A_15 = tpu.memref_slice %arg8[%dma_start3A_13, %dma_start3A_14] : memref<128x128xf32, #tpu.memory_space<vmem>> -> memref<64x128xf32, #tpu.memory_space<vmem>>
      %dma_start3A_16 = arith.constant 0 : i32
      %dma_start3A_17 = tpu.memref_slice %arg7[%dma_start3A, %dma_start3A_16] : memref<2x128xi32, #tpu.memory_space<vmem>> -> memref<1x64xi32, #tpu.memory_space<vmem>>
      %dma_start3A_18 = tpu.memref_squeeze %dma_start3A_17 : memref<1x64xi32, #tpu.memory_space<vmem>> -> memref<64xi32, #tpu.memory_space<vmem>>
      %dma_start3A_19 = arith.constant 0 : i32
      %dma_start3A_20 = arith.constant 0 : i32
      %dma_start3A_21 = tpu.memref_slice %arg2[%dma_start3A_19, %dma_start3A_20] : memref<10112x128xf32, #tpu.memory_space<hbm>> -> memref<10112x128xf32, #tpu.memory_space<hbm>>
      tpu.enqueue_indirect_dma source(%dma_start3A_21 : memref<10112x128xf32, #tpu.memory_space<hbm>>) target(%dma_start3A_15 : memref<64x128xf32, #tpu.memory_space<vmem>>) offsets(%dma_start3A_18 : memref<64xi32, #tpu.memory_space<vmem>>) semaphore(%arg9 : memref<!tpu.dma_semaphore, #tpu.memory_space<semaphore_mem>>)
      %dma_start3A_22 = arith.constant 0 : i32
      %dma_start3A_23 = arith.constant 64 : i32
      %dma_start3A_24 = arith.constant 0 : i32
      %dma_start3A_25 = tpu.memref_slice %arg8[%dma_start3A_23, %dma_start3A_24] : memref<128x128xf32, #tpu.memory_space<vmem>> -> memref<64x128xf32, #tpu.memory_space<vmem>>
      %dma_start3A_26 = arith.constant 64 : i32
      %dma_start3A_27 = tpu.memref_slice %arg7[%dma_start3A_22, %dma_start3A_26] : memref<2x128xi32, #tpu.memory_space<vmem>> -> memref<1x64xi32, #tpu.memory_space<vmem>>
      %dma_start3A_28 = tpu.memref_squeeze %dma_start3A_27 : memref<1x64xi32, #tpu.memory_space<vmem>> -> memref<64xi32, #tpu.memory_space<vmem>>
      %dma_start3A_29 = arith.constant 0 : i32
      %dma_start3A_30 = arith.constant 0 : i32
      %dma_start3A_31 = tpu.memref_slice %arg2[%dma_start3A_29, %dma_start3A_30] : memref<10112x128xf32, #tpu.memory_space<hbm>> -> memref<10112x128xf32, #tpu.memory_space<hbm>>
      tpu.enqueue_indirect_dma source(%dma_start3A_31 : memref<10112x128xf32, #tpu.memory_space<hbm>>) target(%dma_start3A_25 : memref<64x128xf32, #tpu.memory_space<vmem>>) offsets(%dma_start3A_28 : memref<64xi32, #tpu.memory_space<vmem>>) semaphore(%arg10 : memref<!tpu.dma_semaphore, #tpu.memory_space<semaphore_mem>>)
      %dma_wait3A = arith.constant 0 : i32
      %dma_wait3A_32 = arith.constant 0 : i32
      %dma_wait3A_33 = arith.constant 0 : i32
      %dma_wait3A_34 = tpu.memref_slice %arg8[%dma_wait3A_32, %dma_wait3A_33] : memref<128x128xf32, #tpu.memory_space<vmem>> -> memref<64x128xf32, #tpu.memory_space<vmem>>
      %dma_wait3A_35 = arith.constant 0 : i32
      %dma_wait3A_36 = tpu.memref_slice %arg7[%dma_wait3A, %dma_wait3A_35] : memref<2x128xi32, #tpu.memory_space<vmem>> -> memref<1x64xi32, #tpu.memory_space<vmem>>
      %dma_wait3A_37 = tpu.memref_squeeze %dma_wait3A_36 : memref<1x64xi32, #tpu.memory_space<vmem>> -> memref<64xi32, #tpu.memory_space<vmem>>
      %dma_wait3A_38 = arith.constant 0 : i32
      %dma_wait3A_39 = arith.constant 0 : i32
      %dma_wait3A_40 = tpu.memref_slice %arg2[%dma_wait3A_38, %dma_wait3A_39] : memref<10112x128xf32, #tpu.memory_space<hbm>> -> memref<10112x128xf32, #tpu.memory_space<hbm>>
      tpu.wait_indirect_dma semaphore(%arg9 : memref<!tpu.dma_semaphore, #tpu.memory_space<semaphore_mem>>) src(%dma_wait3A_40 : memref<10112x128xf32, #tpu.memory_space<hbm>>) dst(%dma_wait3A_34 : memref<64x128xf32, #tpu.memory_space<vmem>>)
      %dma_wait3A_41 = arith.constant 0 : i32
      %dma_wait3A_42 = arith.constant 64 : i32
      %dma_wait3A_43 = arith.constant 0 : i32
      %dma_wait3A_44 = tpu.memref_slice %arg8[%dma_wait3A_42, %dma_wait3A_43] : memref<128x128xf32, #tpu.memory_space<vmem>> -> memref<64x128xf32, #tpu.memory_space<vmem>>
      %dma_wait3A_45 = arith.constant 64 : i32
      %dma_wait3A_46 = tpu.memref_slice %arg7[%dma_wait3A_41, %dma_wait3A_45] : memref<2x128xi32, #tpu.memory_space<vmem>> -> memref<1x64xi32, #tpu.memory_space<vmem>>
      %dma_wait3A_47 = tpu.memref_squeeze %dma_wait3A_46 : memref<1x64xi32, #tpu.memory_space<vmem>> -> memref<64xi32, #tpu.memory_space<vmem>>
      %dma_wait3A_48 = arith.constant 0 : i32
      %dma_wait3A_49 = arith.constant 0 : i32
      %dma_wait3A_50 = tpu.memref_slice %arg2[%dma_wait3A_48, %dma_wait3A_49] : memref<10112x128xf32, #tpu.memory_space<hbm>> -> memref<10112x128xf32, #tpu.memory_space<hbm>>
      tpu.wait_indirect_dma semaphore(%arg10 : memref<!tpu.dma_semaphore, #tpu.memory_space<semaphore_mem>>) src(%dma_wait3A_50 : memref<10112x128xf32, #tpu.memory_space<hbm>>) dst(%dma_wait3A_44 : memref<64x128xf32, #tpu.memory_space<vmem>>)
      %run_scoped3A = arith.constant 1 : i32
      "tpu.region"() ({
        %run_scoped3A_51 = tpu.sem_alloc : memref<!tpu.dma_semaphore, #tpu.memory_space<semaphore_mem>>
        %dma_start3A_52 = arith.constant 0 : i32
        %dma_start3A_53 = tpu.memref_slice %arg7[%run_scoped3A, %dma_start3A_52] : memref<2x128xi32, #tpu.memory_space<vmem>> -> memref<1x128xi32, #tpu.memory_space<vmem>>
        %dma_start3A_54 = tpu.memref_squeeze %dma_start3A_53 : memref<1x128xi32, #tpu.memory_space<vmem>> -> memref<128xi32, #tpu.memory_space<vmem>>
        %dma_start3A_55 = arith.constant 0 : i32
        %dma_start3A_56 = arith.constant 0 : i32
        %dma_start3A_57 = tpu.memref_slice %arg6[%dma_start3A_55, %dma_start3A_56] : memref<10112x128xf32, #tpu.memory_space<vmem_shared>> -> memref<10112x128xf32, #tpu.memory_space<vmem_shared>>
        tpu.enqueue_indirect_dma source(%arg8 : memref<128x128xf32, #tpu.memory_space<vmem>>) target(%dma_start3A_57 : memref<10112x128xf32, #tpu.memory_space<vmem_shared>>) offsets(%dma_start3A_54 : memref<128xi32, #tpu.memory_space<vmem>>) semaphore(%run_scoped3A_51 : memref<!tpu.dma_semaphore, #tpu.memory_space<semaphore_mem>>) {add = true}
        %dma_wait3A_58 = arith.constant 0 : i32
        %dma_wait3A_59 = tpu.memref_slice %arg7[%run_scoped3A, %dma_wait3A_58] : memref<2x128xi32, #tpu.memory_space<vmem>> -> memref<1x128xi32, #tpu.memory_space<vmem>>
        %dma_wait3A_60 = tpu.memref_squeeze %dma_wait3A_59 : memref<1x128xi32, #tpu.memory_space<vmem>> -> memref<128xi32, #tpu.memory_space<vmem>>
        %dma_wait3A_61 = arith.constant 0 : i32
        %dma_wait3A_62 = arith.constant 0 : i32
        %dma_wait3A_63 = tpu.memref_slice %arg6[%dma_wait3A_61, %dma_wait3A_62] : memref<10112x128xf32, #tpu.memory_space<vmem_shared>> -> memref<10112x128xf32, #tpu.memory_space<vmem_shared>>
        tpu.wait_indirect_dma semaphore(%run_scoped3A_51 : memref<!tpu.dma_semaphore, #tpu.memory_space<semaphore_mem>>) src(%arg8 : memref<128x128xf32, #tpu.memory_space<vmem>>) dst(%dma_wait3A_63 : memref<10112x128xf32, #tpu.memory_space<vmem_shared>>)
        tpu.yield
      }) : () -> ()
    }
    %scan3A_9 = arith.constant 79 : i32
    %barrier3A_10 = arith.constant 0 : index
    tpu.barrier barrier_id(%barrier3A_10)
    "tpu.region"() ({
      %run_scoped3A = tpu.sem_alloc : memref<!tpu.dma_semaphore, #tpu.memory_space<semaphore_mem>>
      %dma_start3A = arith.constant 0 : i32
      %dma_start3A_11 = tpu.memref_slice %arg5[%arg0, %mul3A_2, %dma_start3A] : memref<2x10112x128xf32, #tpu.memory_space<hbm>> -> memref<1x632x128xf32, #tpu.memory_space<hbm>>
      %dma_start3A_12 = tpu.memref_squeeze %dma_start3A_11 : memref<1x632x128xf32, #tpu.memory_space<hbm>> -> memref<632x128xf32, #tpu.memory_space<hbm>>
      %dma_start3A_13 = arith.constant 0 : i32
      %dma_start3A_14 = tpu.memref_slice %arg6[%mul3A_2, %dma_start3A_13] : memref<10112x128xf32, #tpu.memory_space<vmem_shared>> -> memref<632x128xf32, #tpu.memory_space<vmem_shared>>
      tpu.enqueue_dma source(%dma_start3A_14 : memref<632x128xf32, #tpu.memory_space<vmem_shared>>) target(%dma_start3A_12 : memref<632x128xf32, #tpu.memory_space<hbm>>) target_semaphore(%run_scoped3A : memref<!tpu.dma_semaphore, #tpu.memory_space<semaphore_mem>>)
      %dma_wait3A = arith.constant 0 : i32
      %dma_wait3A_15 = tpu.memref_slice %arg5[%arg0, %mul3A_2, %dma_wait3A] : memref<2x10112x128xf32, #tpu.memory_space<hbm>> -> memref<1x632x128xf32, #tpu.memory_space<hbm>>
      %dma_wait3A_16 = tpu.memref_squeeze %dma_wait3A_15 : memref<1x632x128xf32, #tpu.memory_space<hbm>> -> memref<632x128xf32, #tpu.memory_space<hbm>>
      %dma_wait3A_17 = arith.constant 0 : i32
      %dma_wait3A_18 = tpu.memref_slice %arg6[%mul3A_2, %dma_wait3A_17] : memref<10112x128xf32, #tpu.memory_space<vmem_shared>> -> memref<632x128xf32, #tpu.memory_space<vmem_shared>>
      tpu.wait_dma2 semaphore(%run_scoped3A : memref<!tpu.dma_semaphore, #tpu.memory_space<semaphore_mem>>) src(%dma_wait3A_18 : memref<632x128xf32, #tpu.memory_space<vmem_shared>>) dst(%dma_wait3A_16 : memref<632x128xf32, #tpu.memory_space<hbm>>)
      tpu.yield
    }) : () -> ()
    return
  }
}

module attributes {stable_mosaic.version = 14 : i64} {
  func.func @kern(%arg0: i32, %arg1: memref<1264x128xf32, #tpu.memory_space<vmem>>, %arg2: memref<1264x128xf32, #tpu.memory_space<vmem>>, %arg3: memref<1264x128xf32, #tpu.memory_space<vmem>>) attributes {dimension_semantics = [#tpu.dimension_semantics<arbitrary>], iteration_bounds = array<i64: 8>, scalar_prefetch = 0 : i64, scratch_operands = 0 : i64, tpu.core_type = #tpu.core_type<tc>, window_params = [{transform_indices = @transform_0, window_bounds = array<i64: 1264, 128>}, {transform_indices = @transform_1, window_bounds = array<i64: 1264, 128>}, {transform_indices = @transform_2, window_bounds = array<i64: 1264, 128>}]} {
    %get3A = arith.constant 0 : index
    %get3A_0 = arith.constant 0 : index
    %get3A_1 = vector.load %arg1[%get3A, %get3A_0] : memref<1264x128xf32, #tpu.memory_space<vmem>>, vector<1264x128xf32>
    %get3A_2 = arith.constant 0 : index
    %get3A_3 = arith.constant 0 : index
    %get3A_4 = vector.load %arg2[%get3A_2, %get3A_3] : memref<1264x128xf32, #tpu.memory_space<vmem>>, vector<1264x128xf32>
    %add3A = arith.addf %get3A_1, %get3A_4 : vector<1264x128xf32>
    %add3A_5 = arith.constant 1.000000e+00 : f32
    %add3A_6 = vector.broadcast %add3A_5 : f32 to vector<1264x128xf32>
    %add3A_7 = arith.addf %add3A, %add3A_6 : vector<1264x128xf32>
    %rsqrt3A = math.rsqrt %add3A_7 : vector<1264x128xf32>
    %swap3A = arith.constant 0 : index
    %swap3A_8 = arith.constant 0 : index
    %swap3A_9 = vector.load %arg3[%swap3A, %swap3A_8] : memref<1264x128xf32, #tpu.memory_space<vmem>>, vector<1264x128xf32>
    tpu.vector_store %arg3[%swap3A, %swap3A_8], %rsqrt3A {strides = array<i32>} : memref<1264x128xf32, #tpu.memory_space<vmem>>, vector<1264x128xf32>,
    return
  }
  func.func @transform_0(%arg0: i32) -> (i32, i32) {
    %c0_i32 = arith.constant 0 : i32
    %c0_i32_0 = arith.constant 0 : i32
    return %arg0, %c0_i32 : i32, i32
  }
  func.func @transform_1(%arg0: i32) -> (i32, i32) {
    %c0_i32 = arith.constant 0 : i32
    %c0_i32_0 = arith.constant 0 : i32
    return %arg0, %c0_i32 : i32, i32
  }
  func.func @transform_2(%arg0: i32) -> (i32, i32) {
    %c0_i32 = arith.constant 0 : i32
    %c0_i32_0 = arith.constant 0 : i32
    return %arg0, %c0_i32 : i32, i32
  }
}

module attributes {stable_mosaic.version = 14 : i64} {
  func.func @kern(%arg0: i32, %arg1: i32, %arg2: i32, %arg3: memref<2000x512xf32, #tpu.memory_space<vmem>>, %arg4: memref<512x128xf32, #tpu.memory_space<vmem>>, %arg5: memref<2000x128xf32, #tpu.memory_space<vmem>>, %arg6: memref<2000x128xf32, #tpu.memory_space<vmem>>) attributes {dimension_semantics = [#tpu.dimension_semantics<parallel>, #tpu.dimension_semantics<parallel>, #tpu.dimension_semantics<arbitrary>], iteration_bounds = array<i64: 5, 1, 10>, scalar_prefetch = 0 : i64, scratch_operands = 0 : i64, tpu.core_type = #tpu.core_type<tc>, window_params = [{transform_indices = @transform_0, window_bounds = array<i64: 2000, 512>}, {transform_indices = @transform_1, window_bounds = array<i64: 512, 128>}, {transform_indices = @transform_2, window_bounds = array<i64: 2000, 128>}, {transform_indices = @transform_3, window_bounds = array<i64: 2000, 128>}]} {
    %eq3A = arith.constant 0 : i32
    %eq3A_0 = arith.cmpi eq, %arg2, %eq3A : i32
    %convert_element_type3A = arith.extui %eq3A_0 : i1 to i32
    %cond3A = arith.constant 0 : i32
    %cond3A_1 = arith.cmpi ne, %convert_element_type3A, %cond3A : i32
    scf.if %cond3A_1 {
      %broadcast_in_dim3A_24 = arith.constant 0.000000e+00 : f32
      %broadcast_in_dim3A_25 = vector.broadcast %broadcast_in_dim3A_24 : f32 to vector<2000x128xf32>
      %swap3A_26 = arith.constant 0 : index
      %swap3A_27 = arith.constant 0 : index
      %swap3A_28 = vector.load %arg6[%swap3A_26, %swap3A_27] : memref<2000x128xf32, #tpu.memory_space<vmem>>, vector<2000x128xf32>
      tpu.vector_store %arg6[%swap3A_26, %swap3A_27], %broadcast_in_dim3A_25 {strides = array<i32>} : memref<2000x128xf32, #tpu.memory_space<vmem>>, vector<2000x128xf32>,
    } else {
    }
    %get3A = arith.constant 0 : index
    %get3A_2 = arith.constant 0 : index
    %get3A_3 = vector.load %arg3[%get3A, %get3A_2] : memref<2000x512xf32, #tpu.memory_space<vmem>>, vector<2000x512xf32>
    %get3A_4 = arith.constant 0 : index
    %get3A_5 = arith.constant 0 : index
    %get3A_6 = vector.load %arg4[%get3A_4, %get3A_5] : memref<512x128xf32, #tpu.memory_space<vmem>>, vector<512x128xf32>
    %eq3A_7 = arith.constant 9 : i32
    %eq3A_8 = arith.cmpi eq, %arg2, %eq3A_7 : i32
    %jit3A = arith.constant 392 : i32
    %jit3A_9 = arith.constant 512 : i32
    %select_n3A = arith.select %eq3A_8, %jit3A, %jit3A_9 : i32
    %iota3A = tpu.iota {dimensions = array<i32: 1>} : vector<2000x512xi32>
    %lt3A = vector.broadcast %select_n3A : i32 to vector<2000x512xi32>
    %lt3A_10 = arith.cmpi slt, %iota3A, %lt3A : vector<2000x512xi32>
    %jit3A_11 = arith.constant 0.000000e+00 : f32
    %broadcast_in_dim3A = vector.broadcast %jit3A_11 : f32 to vector<2000x512xf32>
    %select_n3A_12 = arith.select %lt3A_10, %get3A_3, %broadcast_in_dim3A : vector<2000x512xi1>, vector<2000x512xf32>
    %get3A_13 = arith.constant 0 : index
    %get3A_14 = arith.constant 0 : index
    %get3A_15 = vector.load %arg6[%get3A_13, %get3A_14] : memref<2000x128xf32, #tpu.memory_space<vmem>>, vector<2000x128xf32>
    %dot_general3A = arith.constant dense<0.000000e+00> : vector<2000x128xf32>
    %dot_general3A_16 = tpu.matmul %select_n3A_12, %get3A_6, %dot_general3A {dimension_numbers = #tpu.dot_dimension_numbers<[1], [0], [0], [1], [0, 0, 1, 1], [], []>, transpose_lhs_hint = false} : vector<2000x512xf32>, vector<512x128xf32>, vector<2000x128xf32> -> vector<2000x128xf32>
    %add3A = arith.addf %get3A_15, %dot_general3A_16 : vector<2000x128xf32>
    %swap3A = arith.constant 0 : index
    %swap3A_17 = arith.constant 0 : index
    %swap3A_18 = vector.load %arg6[%swap3A, %swap3A_17] : memref<2000x128xf32, #tpu.memory_space<vmem>>, vector<2000x128xf32>
    tpu.vector_store %arg6[%swap3A, %swap3A_17], %add3A {strides = array<i32>} : memref<2000x128xf32, #tpu.memory_space<vmem>>, vector<2000x128xf32>,
    %eq3A_19 = arith.constant 9 : i32
    %eq3A_20 = arith.cmpi eq, %arg2, %eq3A_19 : i32
    %convert_element_type3A_21 = arith.extui %eq3A_20 : i1 to i32
    %cond3A_22 = arith.constant 0 : i32
    %cond3A_23 = arith.cmpi ne, %convert_element_type3A_21, %cond3A_22 : i32
    scf.if %cond3A_23 {
      %get3A_24 = arith.constant 0 : index
      %get3A_25 = arith.constant 0 : index
      %get3A_26 = vector.load %arg6[%get3A_24, %get3A_25] : memref<2000x128xf32, #tpu.memory_space<vmem>>, vector<2000x128xf32>
      %get3A_27 = arith.constant 0 : index
      %get3A_28 = arith.constant 0 : index
      %get3A_29 = vector.load %arg5[%get3A_27, %get3A_28] : memref<2000x128xf32, #tpu.memory_space<vmem>>, vector<2000x128xf32>
      %slice3A = vector.extract_strided_slice %get3A_29 {offsets = [0, 0], sizes = [2000, 1], strides = [1, 1]} : vector<2000x128xf32> to vector<2000x1xf32>
      %mul3A = vector.broadcast %slice3A : vector<2000x1xf32> to vector<2000x128xf32>
      %mul3A_30 = arith.mulf %get3A_26, %mul3A : vector<2000x128xf32>
      %swap3A_31 = arith.constant 0 : index
      %swap3A_32 = arith.constant 0 : index
      %swap3A_33 = vector.load %arg6[%swap3A_31, %swap3A_32] : memref<2000x128xf32, #tpu.memory_space<vmem>>, vector<2000x128xf32>
      tpu.vector_store %arg6[%swap3A_31, %swap3A_32], %mul3A_30 {strides = array<i32>} : memref<2000x128xf32, #tpu.memory_space<vmem>>, vector<2000x128xf32>,
    } else {
    }
    return
  }
  func.func @transform_0(%arg0: i32, %arg1: i32, %arg2: i32) -> (i32, i32) {
    %c0_i32 = arith.constant 0 : i32
    return %arg0, %arg2 : i32, i32
  }
  func.func @transform_1(%arg0: i32, %arg1: i32, %arg2: i32) -> (i32, i32) {
    %c0_i32 = arith.constant 0 : i32
    return %arg2, %arg1 : i32, i32
  }
  func.func @transform_2(%arg0: i32, %arg1: i32, %arg2: i32) -> (i32, i32) {
    %c0_i32 = arith.constant 0 : i32
    %c0_i32_0 = arith.constant 0 : i32
    return %arg0, %c0_i32 : i32, i32
  }
  func.func @transform_3(%arg0: i32, %arg1: i32, %arg2: i32) -> (i32, i32) {
    %c0_i32 = arith.constant 0 : i32
    return %arg0, %arg1 : i32, i32
  }
}

module attributes {stable_mosaic.version = 14 : i64} {
  func.func @kern(%arg0: i32, %arg1: memref<1264x128xf32, #tpu.memory_space<vmem>>, %arg2: memref<1264x128xf32, #tpu.memory_space<vmem>>, %arg3: memref<1264x128xf32, #tpu.memory_space<vmem>>, %arg4: memref<1264x128xf32, #tpu.memory_space<vmem>>, %arg5: memref<1x128xf32, #tpu.memory_space<vmem>>, %arg6: memref<1264x128xf32, #tpu.memory_space<vmem>>) attributes {dimension_semantics = [#tpu.dimension_semantics<arbitrary>], iteration_bounds = array<i64: 8>, scalar_prefetch = 0 : i64, scratch_operands = 0 : i64, tpu.core_type = #tpu.core_type<tc>, window_params = [{transform_indices = @transform_0, window_bounds = array<i64: 1264, 128>}, {transform_indices = @transform_1, window_bounds = array<i64: 1264, 128>}, {transform_indices = @transform_2, window_bounds = array<i64: 1264, 128>}, {transform_indices = @transform_3, window_bounds = array<i64: 1264, 128>}, {pipeline_mode = #tpu.pipeline_mode<synchronous>, transform_indices = @transform_4, window_bounds = array<i64: 1, 128>}, {transform_indices = @transform_5, window_bounds = array<i64: 1264, 128>}]} {
    %get3A = arith.constant 0 : index
    %get3A_0 = arith.constant 0 : index
    %get3A_1 = vector.load %arg1[%get3A, %get3A_0] : memref<1264x128xf32, #tpu.memory_space<vmem>>, vector<1264x128xf32>
    %get3A_2 = arith.constant 0 : index
    %get3A_3 = arith.constant 0 : index
    %get3A_4 = vector.load %arg2[%get3A_2, %get3A_3] : memref<1264x128xf32, #tpu.memory_space<vmem>>, vector<1264x128xf32>
    %add3A = arith.addf %get3A_1, %get3A_4 : vector<1264x128xf32>
    %get3A_5 = arith.constant 0 : index
    %get3A_6 = arith.constant 0 : index
    %get3A_7 = vector.load %arg3[%get3A_5, %get3A_6] : memref<1264x128xf32, #tpu.memory_space<vmem>>, vector<1264x128xf32>
    %add3A_8 = arith.addf %add3A, %get3A_7 : vector<1264x128xf32>
    %get3A_9 = arith.constant 0 : index
    %get3A_10 = arith.constant 0 : index
    %get3A_11 = vector.load %arg4[%get3A_9, %get3A_10] : memref<1264x128xf32, #tpu.memory_space<vmem>>, vector<1264x128xf32>
    %mul3A = arith.mulf %add3A_8, %get3A_11 : vector<1264x128xf32>
    %get3A_12 = arith.constant 0 : index
    %get3A_13 = arith.constant 0 : index
    %get3A_14 = vector.load %arg5[%get3A_12, %get3A_13] : memref<1x128xf32, #tpu.memory_space<vmem>>, vector<1x128xf32>
    %add3A_15 = vector.broadcast %get3A_14 : vector<1x128xf32> to vector<1264x128xf32>
    %add3A_16 = arith.addf %mul3A, %add3A_15 : vector<1264x128xf32>
    %max3A = arith.constant 0.000000e+00 : f32
    %max3A_17 = vector.broadcast %max3A : f32 to vector<1264x128xf32>
    %max3A_18 = arith.maximumf %add3A_16, %max3A_17 : vector<1264x128xf32>
    %iota3A = tpu.iota {dimensions = array<i32: 0>} : vector<1264x128xi32>
    %mul3A_19 = arith.constant 1264 : i32
    %mul3A_20 = arith.muli %arg0, %mul3A_19 : i32
    %add3A_21 = vector.broadcast %mul3A_20 : i32 to vector<1264x128xi32>
    %add3A_22 = arith.addi %iota3A, %add3A_21 : vector<1264x128xi32>
    %lt3A = arith.constant 10000 : i32
    %lt3A_23 = vector.broadcast %lt3A : i32 to vector<1264x128xi32>
    %lt3A_24 = arith.cmpi slt, %add3A_22, %lt3A_23 : vector<1264x128xi32>
    %jit3A = arith.constant 0.000000e+00 : f32
    %broadcast_in_dim3A = vector.broadcast %jit3A : f32 to vector<1264x128xf32>
    %select_n3A = arith.select %lt3A_24, %max3A_18, %broadcast_in_dim3A : vector<1264x128xi1>, vector<1264x128xf32>
    %swap3A = arith.constant 0 : index
    %swap3A_25 = arith.constant 0 : index
    %swap3A_26 = vector.load %arg6[%swap3A, %swap3A_25] : memref<1264x128xf32, #tpu.memory_space<vmem>>, vector<1264x128xf32>
    tpu.vector_store %arg6[%swap3A, %swap3A_25], %select_n3A {strides = array<i32>} : memref<1264x128xf32, #tpu.memory_space<vmem>>, vector<1264x128xf32>,
    return
  }
  func.func @transform_0(%arg0: i32) -> (i32, i32) {
    %c0_i32 = arith.constant 0 : i32
    %c0_i32_0 = arith.constant 0 : i32
    return %arg0, %c0_i32 : i32, i32
  }
  func.func @transform_1(%arg0: i32) -> (i32, i32) {
    %c0_i32 = arith.constant 0 : i32
    %c0_i32_0 = arith.constant 0 : i32
    return %arg0, %c0_i32 : i32, i32
  }
  func.func @transform_2(%arg0: i32) -> (i32, i32) {
    %c0_i32 = arith.constant 0 : i32
    %c0_i32_0 = arith.constant 0 : i32
    return %arg0, %c0_i32 : i32, i32
  }
  func.func @transform_3(%arg0: i32) -> (i32, i32) {
    %c0_i32 = arith.constant 0 : i32
    %c0_i32_0 = arith.constant 0 : i32
    return %arg0, %c0_i32 : i32, i32
  }
  func.func @transform_4(%arg0: i32) -> (i32, i32) {
    %c0_i32 = arith.constant 0 : i32
    %c0_i32_0 = arith.constant 0 : i32
    %c0_i32_1 = arith.constant 0 : i32
    return %c0_i32, %c0_i32_0 : i32, i32
  }
  func.func @transform_5(%arg0: i32) -> (i32, i32) {
    %c0_i32 = arith.constant 0 : i32
    %c0_i32_0 = arith.constant 0 : i32
    return %arg0, %c0_i32 : i32, i32
  }
}

module attributes {stable_mosaic.version = 14 : i64} {
  func.func @kern(%arg0: i32, %arg1: i32, %arg2: i32, %arg3: memref<1264x128xf32, #tpu.memory_space<vmem>>, %arg4: memref<128x128xf32, #tpu.memory_space<vmem>>, %arg5: memref<1264x128xf32, #tpu.memory_space<vmem>>, %arg6: memref<1264x128xf32, #tpu.memory_space<vmem>>) attributes {dimension_semantics = [#tpu.dimension_semantics<parallel>, #tpu.dimension_semantics<parallel>, #tpu.dimension_semantics<arbitrary>], iteration_bounds = array<i64: 8, 1, 1>, scalar_prefetch = 0 : i64, scratch_operands = 0 : i64, tpu.core_type = #tpu.core_type<tc>, window_params = [{transform_indices = @transform_0, window_bounds = array<i64: 1264, 128>}, {transform_indices = @transform_1, window_bounds = array<i64: 128, 128>}, {transform_indices = @transform_2, window_bounds = array<i64: 1264, 128>}, {transform_indices = @transform_3, window_bounds = array<i64: 1264, 128>}]} {
    %eq3A = arith.constant 0 : i32
    %eq3A_0 = arith.cmpi eq, %arg2, %eq3A : i32
    %convert_element_type3A = arith.extui %eq3A_0 : i1 to i32
    %cond3A = arith.constant 0 : i32
    %cond3A_1 = arith.cmpi ne, %convert_element_type3A, %cond3A : i32
    scf.if %cond3A_1 {
      %broadcast_in_dim3A = arith.constant 0.000000e+00 : f32
      %broadcast_in_dim3A_18 = vector.broadcast %broadcast_in_dim3A : f32 to vector<1264x128xf32>
      %swap3A_19 = arith.constant 0 : index
      %swap3A_20 = arith.constant 0 : index
      %swap3A_21 = vector.load %arg6[%swap3A_19, %swap3A_20] : memref<1264x128xf32, #tpu.memory_space<vmem>>, vector<1264x128xf32>
      tpu.vector_store %arg6[%swap3A_19, %swap3A_20], %broadcast_in_dim3A_18 {strides = array<i32>} : memref<1264x128xf32, #tpu.memory_space<vmem>>, vector<1264x128xf32>,
    } else {
    }
    %get3A = arith.constant 0 : index
    %get3A_2 = arith.constant 0 : index
    %get3A_3 = vector.load %arg3[%get3A, %get3A_2] : memref<1264x128xf32, #tpu.memory_space<vmem>>, vector<1264x128xf32>
    %get3A_4 = arith.constant 0 : index
    %get3A_5 = arith.constant 0 : index
    %get3A_6 = vector.load %arg4[%get3A_4, %get3A_5] : memref<128x128xf32, #tpu.memory_space<vmem>>, vector<128x128xf32>
    %get3A_7 = arith.constant 0 : index
    %get3A_8 = arith.constant 0 : index
    %get3A_9 = vector.load %arg6[%get3A_7, %get3A_8] : memref<1264x128xf32, #tpu.memory_space<vmem>>, vector<1264x128xf32>
    %dot_general3A = arith.constant dense<0.000000e+00> : vector<1264x128xf32>
    %dot_general3A_10 = tpu.matmul %get3A_3, %get3A_6, %dot_general3A {dimension_numbers = #tpu.dot_dimension_numbers<[1], [0], [0], [1], [0, 0, 1, 1], [], []>, transpose_lhs_hint = false} : vector<1264x128xf32>, vector<128x128xf32>, vector<1264x128xf32> -> vector<1264x128xf32>
    %add3A = arith.addf %get3A_9, %dot_general3A_10 : vector<1264x128xf32>
    %swap3A = arith.constant 0 : index
    %swap3A_11 = arith.constant 0 : index
    %swap3A_12 = vector.load %arg6[%swap3A, %swap3A_11] : memref<1264x128xf32, #tpu.memory_space<vmem>>, vector<1264x128xf32>
    tpu.vector_store %arg6[%swap3A, %swap3A_11], %add3A {strides = array<i32>} : memref<1264x128xf32, #tpu.memory_space<vmem>>, vector<1264x128xf32>,
    %eq3A_13 = arith.constant 0 : i32
    %eq3A_14 = arith.cmpi eq, %arg2, %eq3A_13 : i32
    %convert_element_type3A_15 = arith.extui %eq3A_14 : i1 to i32
    %cond3A_16 = arith.constant 0 : i32
    %cond3A_17 = arith.cmpi ne, %convert_element_type3A_15, %cond3A_16 : i32
    scf.if %cond3A_17 {
      %get3A_18 = arith.constant 0 : index
      %get3A_19 = arith.constant 0 : index
      %get3A_20 = vector.load %arg6[%get3A_18, %get3A_19] : memref<1264x128xf32, #tpu.memory_space<vmem>>, vector<1264x128xf32>
      %get3A_21 = arith.constant 0 : index
      %get3A_22 = arith.constant 0 : index
      %get3A_23 = vector.load %arg5[%get3A_21, %get3A_22] : memref<1264x128xf32, #tpu.memory_space<vmem>>, vector<1264x128xf32>
      %slice3A = vector.extract_strided_slice %get3A_23 {offsets = [0, 0], sizes = [1264, 1], strides = [1, 1]} : vector<1264x128xf32> to vector<1264x1xf32>
      %mul3A = vector.broadcast %slice3A : vector<1264x1xf32> to vector<1264x128xf32>
      %mul3A_24 = arith.mulf %get3A_20, %mul3A : vector<1264x128xf32>
      %swap3A_25 = arith.constant 0 : index
      %swap3A_26 = arith.constant 0 : index
      %swap3A_27 = vector.load %arg6[%swap3A_25, %swap3A_26] : memref<1264x128xf32, #tpu.memory_space<vmem>>, vector<1264x128xf32>
      tpu.vector_store %arg6[%swap3A_25, %swap3A_26], %mul3A_24 {strides = array<i32>} : memref<1264x128xf32, #tpu.memory_space<vmem>>, vector<1264x128xf32>,
    } else {
    }
    return
  }
  func.func @transform_0(%arg0: i32, %arg1: i32, %arg2: i32) -> (i32, i32) {
    %c0_i32 = arith.constant 0 : i32
    return %arg0, %arg2 : i32, i32
  }
  func.func @transform_1(%arg0: i32, %arg1: i32, %arg2: i32) -> (i32, i32) {
    %c0_i32 = arith.constant 0 : i32
    return %arg2, %arg1 : i32, i32
  }
  func.func @transform_2(%arg0: i32, %arg1: i32, %arg2: i32) -> (i32, i32) {
    %c0_i32 = arith.constant 0 : i32
    %c0_i32_0 = arith.constant 0 : i32
    return %arg0, %c0_i32 : i32, i32
  }
  func.func @transform_3(%arg0: i32, %arg1: i32, %arg2: i32) -> (i32, i32) {
    %c0_i32 = arith.constant 0 : i32
    return %arg0, %arg1 : i32, i32
  }
}

module attributes {stable_mosaic.version = 14 : i64} {
  func.func @kern(%arg0: i32, %arg1: i32, %arg2: i32, %arg3: memref<2000x128xf32, #tpu.memory_space<vmem>>, %arg4: memref<128x128xf32, #tpu.memory_space<vmem>>, %arg5: memref<2000x128xf32, #tpu.memory_space<vmem>>, %arg6: memref<2000x128xf32, #tpu.memory_space<vmem>>) attributes {dimension_semantics = [#tpu.dimension_semantics<parallel>, #tpu.dimension_semantics<parallel>, #tpu.dimension_semantics<arbitrary>], iteration_bounds = array<i64: 5, 1, 1>, scalar_prefetch = 0 : i64, scratch_operands = 0 : i64, tpu.core_type = #tpu.core_type<tc>, window_params = [{transform_indices = @transform_0, window_bounds = array<i64: 2000, 128>}, {transform_indices = @transform_1, window_bounds = array<i64: 128, 128>}, {transform_indices = @transform_2, window_bounds = array<i64: 2000, 128>}, {transform_indices = @transform_3, window_bounds = array<i64: 2000, 128>}]} {
    %eq3A = arith.constant 0 : i32
    %eq3A_0 = arith.cmpi eq, %arg2, %eq3A : i32
    %convert_element_type3A = arith.extui %eq3A_0 : i1 to i32
    %cond3A = arith.constant 0 : i32
    %cond3A_1 = arith.cmpi ne, %convert_element_type3A, %cond3A : i32
    scf.if %cond3A_1 {
      %broadcast_in_dim3A = arith.constant 0.000000e+00 : f32
      %broadcast_in_dim3A_18 = vector.broadcast %broadcast_in_dim3A : f32 to vector<2000x128xf32>
      %swap3A_19 = arith.constant 0 : index
      %swap3A_20 = arith.constant 0 : index
      %swap3A_21 = vector.load %arg6[%swap3A_19, %swap3A_20] : memref<2000x128xf32, #tpu.memory_space<vmem>>, vector<2000x128xf32>
      tpu.vector_store %arg6[%swap3A_19, %swap3A_20], %broadcast_in_dim3A_18 {strides = array<i32>} : memref<2000x128xf32, #tpu.memory_space<vmem>>, vector<2000x128xf32>,
    } else {
    }
    %get3A = arith.constant 0 : index
    %get3A_2 = arith.constant 0 : index
    %get3A_3 = vector.load %arg3[%get3A, %get3A_2] : memref<2000x128xf32, #tpu.memory_space<vmem>>, vector<2000x128xf32>
    %get3A_4 = arith.constant 0 : index
    %get3A_5 = arith.constant 0 : index
    %get3A_6 = vector.load %arg4[%get3A_4, %get3A_5] : memref<128x128xf32, #tpu.memory_space<vmem>>, vector<128x128xf32>
    %get3A_7 = arith.constant 0 : index
    %get3A_8 = arith.constant 0 : index
    %get3A_9 = vector.load %arg6[%get3A_7, %get3A_8] : memref<2000x128xf32, #tpu.memory_space<vmem>>, vector<2000x128xf32>
    %dot_general3A = arith.constant dense<0.000000e+00> : vector<2000x128xf32>
    %dot_general3A_10 = tpu.matmul %get3A_3, %get3A_6, %dot_general3A {dimension_numbers = #tpu.dot_dimension_numbers<[1], [0], [0], [1], [0, 0, 1, 1], [], []>, transpose_lhs_hint = false} : vector<2000x128xf32>, vector<128x128xf32>, vector<2000x128xf32> -> vector<2000x128xf32>
    %add3A = arith.addf %get3A_9, %dot_general3A_10 : vector<2000x128xf32>
    %swap3A = arith.constant 0 : index
    %swap3A_11 = arith.constant 0 : index
    %swap3A_12 = vector.load %arg6[%swap3A, %swap3A_11] : memref<2000x128xf32, #tpu.memory_space<vmem>>, vector<2000x128xf32>
    tpu.vector_store %arg6[%swap3A, %swap3A_11], %add3A {strides = array<i32>} : memref<2000x128xf32, #tpu.memory_space<vmem>>, vector<2000x128xf32>,
    %eq3A_13 = arith.constant 0 : i32
    %eq3A_14 = arith.cmpi eq, %arg2, %eq3A_13 : i32
    %convert_element_type3A_15 = arith.extui %eq3A_14 : i1 to i32
    %cond3A_16 = arith.constant 0 : i32
    %cond3A_17 = arith.cmpi ne, %convert_element_type3A_15, %cond3A_16 : i32
    scf.if %cond3A_17 {
      %get3A_18 = arith.constant 0 : index
      %get3A_19 = arith.constant 0 : index
      %get3A_20 = vector.load %arg6[%get3A_18, %get3A_19] : memref<2000x128xf32, #tpu.memory_space<vmem>>, vector<2000x128xf32>
      %get3A_21 = arith.constant 0 : index
      %get3A_22 = arith.constant 0 : index
      %get3A_23 = vector.load %arg5[%get3A_21, %get3A_22] : memref<2000x128xf32, #tpu.memory_space<vmem>>, vector<2000x128xf32>
      %slice3A = vector.extract_strided_slice %get3A_23 {offsets = [0, 0], sizes = [2000, 1], strides = [1, 1]} : vector<2000x128xf32> to vector<2000x1xf32>
      %mul3A = vector.broadcast %slice3A : vector<2000x1xf32> to vector<2000x128xf32>
      %mul3A_24 = arith.mulf %get3A_20, %mul3A : vector<2000x128xf32>
      %swap3A_25 = arith.constant 0 : index
      %swap3A_26 = arith.constant 0 : index
      %swap3A_27 = vector.load %arg6[%swap3A_25, %swap3A_26] : memref<2000x128xf32, #tpu.memory_space<vmem>>, vector<2000x128xf32>
      tpu.vector_store %arg6[%swap3A_25, %swap3A_26], %mul3A_24 {strides = array<i32>} : memref<2000x128xf32, #tpu.memory_space<vmem>>, vector<2000x128xf32>,
    } else {
    }
    return
  }
  func.func @transform_0(%arg0: i32, %arg1: i32, %arg2: i32) -> (i32, i32) {
    %c0_i32 = arith.constant 0 : i32
    return %arg0, %arg2 : i32, i32
  }
  func.func @transform_1(%arg0: i32, %arg1: i32, %arg2: i32) -> (i32, i32) {
    %c0_i32 = arith.constant 0 : i32
    return %arg2, %arg1 : i32, i32
  }
  func.func @transform_2(%arg0: i32, %arg1: i32, %arg2: i32) -> (i32, i32) {
    %c0_i32 = arith.constant 0 : i32
    %c0_i32_0 = arith.constant 0 : i32
    return %arg0, %c0_i32 : i32, i32
  }
  func.func @transform_3(%arg0: i32, %arg1: i32, %arg2: i32) -> (i32, i32) {
    %c0_i32 = arith.constant 0 : i32
    return %arg0, %arg1 : i32, i32
  }
}

module attributes {stable_mosaic.version = 14 : i64} {
  func.func @kern(%arg0: i32, %arg1: memref<1264x128xf32, #tpu.memory_space<vmem>>, %arg2: memref<1264x128xf32, #tpu.memory_space<vmem>>, %arg3: memref<1264x128xf32, #tpu.memory_space<vmem>>, %arg4: memref<1264x128xf32, #tpu.memory_space<vmem>>, %arg5: memref<1x128xf32, #tpu.memory_space<vmem>>, %arg6: memref<1264x128xf32, #tpu.memory_space<vmem>>) attributes {dimension_semantics = [#tpu.dimension_semantics<arbitrary>], iteration_bounds = array<i64: 8>, scalar_prefetch = 0 : i64, scratch_operands = 0 : i64, tpu.core_type = #tpu.core_type<tc>, window_params = [{transform_indices = @transform_0, window_bounds = array<i64: 1264, 128>}, {transform_indices = @transform_1, window_bounds = array<i64: 1264, 128>}, {transform_indices = @transform_2, window_bounds = array<i64: 1264, 128>}, {transform_indices = @transform_3, window_bounds = array<i64: 1264, 128>}, {pipeline_mode = #tpu.pipeline_mode<synchronous>, transform_indices = @transform_4, window_bounds = array<i64: 1, 128>}, {transform_indices = @transform_5, window_bounds = array<i64: 1264, 128>}]} {
    %get3A = arith.constant 0 : index
    %get3A_0 = arith.constant 0 : index
    %get3A_1 = vector.load %arg1[%get3A, %get3A_0] : memref<1264x128xf32, #tpu.memory_space<vmem>>, vector<1264x128xf32>
    %get3A_2 = arith.constant 0 : index
    %get3A_3 = arith.constant 0 : index
    %get3A_4 = vector.load %arg2[%get3A_2, %get3A_3] : memref<1264x128xf32, #tpu.memory_space<vmem>>, vector<1264x128xf32>
    %add3A = arith.addf %get3A_1, %get3A_4 : vector<1264x128xf32>
    %get3A_5 = arith.constant 0 : index
    %get3A_6 = arith.constant 0 : index
    %get3A_7 = vector.load %arg3[%get3A_5, %get3A_6] : memref<1264x128xf32, #tpu.memory_space<vmem>>, vector<1264x128xf32>
    %add3A_8 = arith.addf %add3A, %get3A_7 : vector<1264x128xf32>
    %get3A_9 = arith.constant 0 : index
    %get3A_10 = arith.constant 0 : index
    %get3A_11 = vector.load %arg4[%get3A_9, %get3A_10] : memref<1264x128xf32, #tpu.memory_space<vmem>>, vector<1264x128xf32>
    %mul3A = arith.mulf %add3A_8, %get3A_11 : vector<1264x128xf32>
    %get3A_12 = arith.constant 0 : index
    %get3A_13 = arith.constant 0 : index
    %get3A_14 = vector.load %arg5[%get3A_12, %get3A_13] : memref<1x128xf32, #tpu.memory_space<vmem>>, vector<1x128xf32>
    %add3A_15 = vector.broadcast %get3A_14 : vector<1x128xf32> to vector<1264x128xf32>
    %add3A_16 = arith.addf %mul3A, %add3A_15 : vector<1264x128xf32>
    %max3A = arith.constant 0.000000e+00 : f32
    %max3A_17 = vector.broadcast %max3A : f32 to vector<1264x128xf32>
    %max3A_18 = arith.maximumf %add3A_16, %max3A_17 : vector<1264x128xf32>
    %iota3A = tpu.iota {dimensions = array<i32: 0>} : vector<1264x128xi32>
    %mul3A_19 = arith.constant 1264 : i32
    %mul3A_20 = arith.muli %arg0, %mul3A_19 : i32
    %add3A_21 = vector.broadcast %mul3A_20 : i32 to vector<1264x128xi32>
    %add3A_22 = arith.addi %iota3A, %add3A_21 : vector<1264x128xi32>
    %lt3A = arith.constant 10000 : i32
    %lt3A_23 = vector.broadcast %lt3A : i32 to vector<1264x128xi32>
    %lt3A_24 = arith.cmpi slt, %add3A_22, %lt3A_23 : vector<1264x128xi32>
    %jit3A = arith.constant 0.000000e+00 : f32
    %broadcast_in_dim3A = vector.broadcast %jit3A : f32 to vector<1264x128xf32>
    %select_n3A = arith.select %lt3A_24, %max3A_18, %broadcast_in_dim3A : vector<1264x128xi1>, vector<1264x128xf32>
    %swap3A = arith.constant 0 : index
    %swap3A_25 = arith.constant 0 : index
    %swap3A_26 = vector.load %arg6[%swap3A, %swap3A_25] : memref<1264x128xf32, #tpu.memory_space<vmem>>, vector<1264x128xf32>
    tpu.vector_store %arg6[%swap3A, %swap3A_25], %select_n3A {strides = array<i32>} : memref<1264x128xf32, #tpu.memory_space<vmem>>, vector<1264x128xf32>,
    return
  }
  func.func @transform_0(%arg0: i32) -> (i32, i32) {
    %c0_i32 = arith.constant 0 : i32
    %c0_i32_0 = arith.constant 0 : i32
    return %arg0, %c0_i32 : i32, i32
  }
  func.func @transform_1(%arg0: i32) -> (i32, i32) {
    %c0_i32 = arith.constant 0 : i32
    %c0_i32_0 = arith.constant 0 : i32
    return %arg0, %c0_i32 : i32, i32
  }
  func.func @transform_2(%arg0: i32) -> (i32, i32) {
    %c0_i32 = arith.constant 0 : i32
    %c0_i32_0 = arith.constant 0 : i32
    return %arg0, %c0_i32 : i32, i32
  }
  func.func @transform_3(%arg0: i32) -> (i32, i32) {
    %c0_i32 = arith.constant 0 : i32
    %c0_i32_0 = arith.constant 0 : i32
    return %arg0, %c0_i32 : i32, i32
  }
  func.func @transform_4(%arg0: i32) -> (i32, i32) {
    %c0_i32 = arith.constant 0 : i32
    %c0_i32_0 = arith.constant 0 : i32
    %c0_i32_1 = arith.constant 0 : i32
    return %c0_i32, %c0_i32_0 : i32, i32
  }
  func.func @transform_5(%arg0: i32) -> (i32, i32) {
    %c0_i32 = arith.constant 0 : i32
    %c0_i32_0 = arith.constant 0 : i32
    return %arg0, %c0_i32 : i32, i32
  }
}

module attributes {stable_mosaic.version = 14 : i64} {
  func.func @kern(%arg0: i32, %arg1: memref<1x128xi32, #tpu.memory_space<vmem>>, %arg2: memref<16x128xf32, #tpu.memory_space<vmem>>, %arg3: memref<16x128xf32, #tpu.memory_space<vmem>>) attributes {dimension_semantics = [#tpu.dimension_semantics<arbitrary>], iteration_bounds = array<i64: 79>, scalar_prefetch = 0 : i64, scratch_operands = 0 : i64, tpu.core_type = #tpu.core_type<tc>, window_params = [{transform_indices = @transform_0, window_bounds = array<i64: 1, 128>}, {transform_indices = @transform_1, window_bounds = array<i64: 16, 128>}, {pipeline_mode = #tpu.pipeline_mode<synchronous>, transform_indices = @transform_2, window_bounds = array<i64: 16, 128>}]} {
    %get3A = arith.constant 0 : index
    %get3A_0 = arith.constant 0 : index
    %get3A_1 = vector.load %arg1[%get3A, %get3A_0] : memref<1x128xi32, #tpu.memory_space<vmem>>, vector<1x128xi32>
    %iota3A = tpu.iota {dimensions = array<i32: 0>} : vector<16x128xi32>
    %eq3A = vector.broadcast %get3A_1 : vector<1x128xi32> to vector<16x128xi32>
    %eq3A_2 = arith.cmpi eq, %eq3A, %iota3A : vector<16x128xi32>
    %convert_element_type3A = arith.extui %eq3A_2 : vector<16x128xi1> to vector<16x128xi32>
    %convert_element_type3A_3 = arith.sitofp %convert_element_type3A : vector<16x128xi32> to vector<16x128xf32>
    %swap3A = arith.constant 0 : index
    %swap3A_4 = arith.constant 0 : index
    %swap3A_5 = vector.load %arg2[%swap3A, %swap3A_4] : memref<16x128xf32, #tpu.memory_space<vmem>>, vector<16x128xf32>
    tpu.vector_store %arg2[%swap3A, %swap3A_4], %convert_element_type3A_3 {strides = array<i32>} : memref<16x128xf32, #tpu.memory_space<vmem>>, vector<16x128xf32>,
    %eq3A_6 = arith.constant 0 : i32
    %eq3A_7 = arith.cmpi eq, %arg0, %eq3A_6 : i32
    %convert_element_type3A_8 = arith.extui %eq3A_7 : i1 to i32
    %cond3A = arith.constant 0 : i32
    %cond3A_9 = arith.cmpi ne, %convert_element_type3A_8, %cond3A : i32
    scf.if %cond3A_9 {
      %broadcast_in_dim3A_23 = arith.constant 0.000000e+00 : f32
      %broadcast_in_dim3A_24 = vector.broadcast %broadcast_in_dim3A_23 : f32 to vector<16x128xf32>
      %swap3A_25 = arith.constant 0 : index
      %swap3A_26 = arith.constant 0 : index
      %swap3A_27 = vector.load %arg3[%swap3A_25, %swap3A_26] : memref<16x128xf32, #tpu.memory_space<vmem>>, vector<16x128xf32>
      tpu.vector_store %arg3[%swap3A_25, %swap3A_26], %broadcast_in_dim3A_24 {strides = array<i32>} : memref<16x128xf32, #tpu.memory_space<vmem>>, vector<16x128xf32>,
    } else {
    }
    %get3A_10 = arith.constant 0 : index
    %get3A_11 = arith.constant 0 : index
    %get3A_12 = vector.load %arg3[%get3A_10, %get3A_11] : memref<16x128xf32, #tpu.memory_space<vmem>>, vector<16x128xf32>
    %reduce_sum3A = arith.constant dense<0.000000e+00> : vector<16xf32>
    %reduce_sum3A_13 = vector.multi_reduction <add>, %convert_element_type3A_3, %reduce_sum3A [1] : vector<16x128xf32> to vector<16xf32>
    %broadcast_in_dim3A = vector.shape_cast %reduce_sum3A_13 : vector<16xf32> to vector<16x1xf32>
    %add3A = vector.broadcast %broadcast_in_dim3A : vector<16x1xf32> to vector<16x128xf32>
    %add3A_14 = arith.addf %get3A_12, %add3A : vector<16x128xf32>
    %swap3A_15 = arith.constant 0 : index
    %swap3A_16 = arith.constant 0 : index
    %swap3A_17 = vector.load %arg3[%swap3A_15, %swap3A_16] : memref<16x128xf32, #tpu.memory_space<vmem>>, vector<16x128xf32>
    tpu.vector_store %arg3[%swap3A_15, %swap3A_16], %add3A_14 {strides = array<i32>} : memref<16x128xf32, #tpu.memory_space<vmem>>, vector<16x128xf32>,
    %eq3A_18 = arith.constant 78 : i32
    %eq3A_19 = arith.cmpi eq, %arg0, %eq3A_18 : i32
    %convert_element_type3A_20 = arith.extui %eq3A_19 : i1 to i32
    %cond3A_21 = arith.constant 0 : i32
    %cond3A_22 = arith.cmpi ne, %convert_element_type3A_20, %cond3A_21 : i32
    scf.if %cond3A_22 {
      %get3A_23 = arith.constant 0 : index
      %get3A_24 = arith.constant 0 : index
      %get3A_25 = vector.load %arg3[%get3A_23, %get3A_24] : memref<16x128xf32, #tpu.memory_space<vmem>>, vector<16x128xf32>
      %max3A = arith.constant 1.000000e+00 : f32
      %max3A_26 = vector.broadcast %max3A : f32 to vector<16x128xf32>
      %max3A_27 = arith.maximumf %get3A_25, %max3A_26 : vector<16x128xf32>
      %div3A = arith.constant 1.000000e+00 : f32
      %div3A_28 = vector.broadcast %div3A : f32 to vector<16x128xf32>
      %div3A_29 = arith.divf %div3A_28, %max3A_27 : vector<16x128xf32>
      %swap3A_30 = arith.constant 0 : index
      %swap3A_31 = arith.constant 0 : index
      %swap3A_32 = vector.load %arg3[%swap3A_30, %swap3A_31] : memref<16x128xf32, #tpu.memory_space<vmem>>, vector<16x128xf32>
      tpu.vector_store %arg3[%swap3A_30, %swap3A_31], %div3A_29 {strides = array<i32>} : memref<16x128xf32, #tpu.memory_space<vmem>>, vector<16x128xf32>,
    } else {
    }
    return
  }
  func.func @transform_0(%arg0: i32) -> (i32, i32) {
    %c0_i32 = arith.constant 0 : i32
    %c0_i32_0 = arith.constant 0 : i32
    return %c0_i32, %arg0 : i32, i32
  }
  func.func @transform_1(%arg0: i32) -> (i32, i32) {
    %c0_i32 = arith.constant 0 : i32
    %c0_i32_0 = arith.constant 0 : i32
    return %c0_i32, %arg0 : i32, i32
  }
  func.func @transform_2(%arg0: i32) -> (i32, i32) {
    %c0_i32 = arith.constant 0 : i32
    %c0_i32_0 = arith.constant 0 : i32
    %c0_i32_1 = arith.constant 0 : i32
    return %c0_i32, %c0_i32_0 : i32, i32
  }
}

module attributes {stable_mosaic.version = 14 : i64} {
  func.func @kern(%arg0: i32, %arg1: memref<1x128xi32, #tpu.memory_space<vmem>>, %arg2: memref<16x128xf32, #tpu.memory_space<vmem>>, %arg3: memref<16x128xf32, #tpu.memory_space<vmem>>) attributes {dimension_semantics = [#tpu.dimension_semantics<arbitrary>], iteration_bounds = array<i64: 79>, scalar_prefetch = 0 : i64, scratch_operands = 0 : i64, tpu.core_type = #tpu.core_type<tc>, window_params = [{transform_indices = @transform_0, window_bounds = array<i64: 1, 128>}, {transform_indices = @transform_1, window_bounds = array<i64: 16, 128>}, {pipeline_mode = #tpu.pipeline_mode<synchronous>, transform_indices = @transform_2, window_bounds = array<i64: 16, 128>}]} {
    %get3A = arith.constant 0 : index
    %get3A_0 = arith.constant 0 : index
    %get3A_1 = vector.load %arg1[%get3A, %get3A_0] : memref<1x128xi32, #tpu.memory_space<vmem>>, vector<1x128xi32>
    %iota3A = tpu.iota {dimensions = array<i32: 0>} : vector<16x128xi32>
    %eq3A = vector.broadcast %get3A_1 : vector<1x128xi32> to vector<16x128xi32>
    %eq3A_2 = arith.cmpi eq, %eq3A, %iota3A : vector<16x128xi32>
    %convert_element_type3A = arith.extui %eq3A_2 : vector<16x128xi1> to vector<16x128xi32>
    %convert_element_type3A_3 = arith.sitofp %convert_element_type3A : vector<16x128xi32> to vector<16x128xf32>
    %swap3A = arith.constant 0 : index
    %swap3A_4 = arith.constant 0 : index
    %swap3A_5 = vector.load %arg2[%swap3A, %swap3A_4] : memref<16x128xf32, #tpu.memory_space<vmem>>, vector<16x128xf32>
    tpu.vector_store %arg2[%swap3A, %swap3A_4], %convert_element_type3A_3 {strides = array<i32>} : memref<16x128xf32, #tpu.memory_space<vmem>>, vector<16x128xf32>,
    %eq3A_6 = arith.constant 0 : i32
    %eq3A_7 = arith.cmpi eq, %arg0, %eq3A_6 : i32
    %convert_element_type3A_8 = arith.extui %eq3A_7 : i1 to i32
    %cond3A = arith.constant 0 : i32
    %cond3A_9 = arith.cmpi ne, %convert_element_type3A_8, %cond3A : i32
    scf.if %cond3A_9 {
      %broadcast_in_dim3A_23 = arith.constant 0.000000e+00 : f32
      %broadcast_in_dim3A_24 = vector.broadcast %broadcast_in_dim3A_23 : f32 to vector<16x128xf32>
      %swap3A_25 = arith.constant 0 : index
      %swap3A_26 = arith.constant 0 : index
      %swap3A_27 = vector.load %arg3[%swap3A_25, %swap3A_26] : memref<16x128xf32, #tpu.memory_space<vmem>>, vector<16x128xf32>
      tpu.vector_store %arg3[%swap3A_25, %swap3A_26], %broadcast_in_dim3A_24 {strides = array<i32>} : memref<16x128xf32, #tpu.memory_space<vmem>>, vector<16x128xf32>,
    } else {
    }
    %get3A_10 = arith.constant 0 : index
    %get3A_11 = arith.constant 0 : index
    %get3A_12 = vector.load %arg3[%get3A_10, %get3A_11] : memref<16x128xf32, #tpu.memory_space<vmem>>, vector<16x128xf32>
    %reduce_sum3A = arith.constant dense<0.000000e+00> : vector<16xf32>
    %reduce_sum3A_13 = vector.multi_reduction <add>, %convert_element_type3A_3, %reduce_sum3A [1] : vector<16x128xf32> to vector<16xf32>
    %broadcast_in_dim3A = vector.shape_cast %reduce_sum3A_13 : vector<16xf32> to vector<16x1xf32>
    %add3A = vector.broadcast %broadcast_in_dim3A : vector<16x1xf32> to vector<16x128xf32>
    %add3A_14 = arith.addf %get3A_12, %add3A : vector<16x128xf32>
    %swap3A_15 = arith.constant 0 : index
    %swap3A_16 = arith.constant 0 : index
    %swap3A_17 = vector.load %arg3[%swap3A_15, %swap3A_16] : memref<16x128xf32, #tpu.memory_space<vmem>>, vector<16x128xf32>
    tpu.vector_store %arg3[%swap3A_15, %swap3A_16], %add3A_14 {strides = array<i32>} : memref<16x128xf32, #tpu.memory_space<vmem>>, vector<16x128xf32>,
    %eq3A_18 = arith.constant 78 : i32
    %eq3A_19 = arith.cmpi eq, %arg0, %eq3A_18 : i32
    %convert_element_type3A_20 = arith.extui %eq3A_19 : i1 to i32
    %cond3A_21 = arith.constant 0 : i32
    %cond3A_22 = arith.cmpi ne, %convert_element_type3A_20, %cond3A_21 : i32
    scf.if %cond3A_22 {
      %get3A_23 = arith.constant 0 : index
      %get3A_24 = arith.constant 0 : index
      %get3A_25 = vector.load %arg3[%get3A_23, %get3A_24] : memref<16x128xf32, #tpu.memory_space<vmem>>, vector<16x128xf32>
      %max3A = arith.constant 1.000000e+00 : f32
      %max3A_26 = vector.broadcast %max3A : f32 to vector<16x128xf32>
      %max3A_27 = arith.maximumf %get3A_25, %max3A_26 : vector<16x128xf32>
      %div3A = arith.constant 1.000000e+00 : f32
      %div3A_28 = vector.broadcast %div3A : f32 to vector<16x128xf32>
      %div3A_29 = arith.divf %div3A_28, %max3A_27 : vector<16x128xf32>
      %swap3A_30 = arith.constant 0 : index
      %swap3A_31 = arith.constant 0 : index
      %swap3A_32 = vector.load %arg3[%swap3A_30, %swap3A_31] : memref<16x128xf32, #tpu.memory_space<vmem>>, vector<16x128xf32>
      tpu.vector_store %arg3[%swap3A_30, %swap3A_31], %div3A_29 {strides = array<i32>} : memref<16x128xf32, #tpu.memory_space<vmem>>, vector<16x128xf32>,
    } else {
    }
    return
  }
  func.func @transform_0(%arg0: i32) -> (i32, i32) {
    %c0_i32 = arith.constant 0 : i32
    %c0_i32_0 = arith.constant 0 : i32
    return %c0_i32, %arg0 : i32, i32
  }
  func.func @transform_1(%arg0: i32) -> (i32, i32) {
    %c0_i32 = arith.constant 0 : i32
    %c0_i32_0 = arith.constant 0 : i32
    return %c0_i32, %arg0 : i32, i32
  }
  func.func @transform_2(%arg0: i32) -> (i32, i32) {
    %c0_i32 = arith.constant 0 : i32
    %c0_i32_0 = arith.constant 0 : i32
    %c0_i32_1 = arith.constant 0 : i32
    return %c0_i32, %c0_i32_0 : i32, i32
  }
}

module attributes {stable_mosaic.version = 14 : i64} {
  func.func @kern(%arg0: i32, %arg1: memref<1x16xi32, #tpu.memory_space<smem>>, %arg2: memref<16x128xf32, #tpu.memory_space<vmem>>) attributes {dimension_semantics = [#tpu.dimension_semantics<arbitrary>], iteration_bounds = array<i64: 79>, scalar_prefetch = 0 : i64, scratch_operands = 0 : i64, tpu.core_type = #tpu.core_type<tc>, window_params = [{transform_indices = @transform_0, window_bounds = array<i64: 1, 16>}, {transform_indices = @transform_1, window_bounds = array<i64: 16, 128>}]} {
    %get3A = arith.constant 0 : index
    %get3A_0 = arith.constant 0 : index
    %get3A_1 = memref.load %arg1[%get3A, %get3A_0] : memref<1x16xi32, #tpu.memory_space<smem>>
    %get3A_2 = arith.constant 0 : index
    %get3A_3 = arith.constant 1 : index
    %get3A_4 = memref.load %arg1[%get3A_2, %get3A_3] : memref<1x16xi32, #tpu.memory_space<smem>>
    %get3A_5 = arith.constant 0 : index
    %get3A_6 = arith.constant 2 : index
    %get3A_7 = memref.load %arg1[%get3A_5, %get3A_6] : memref<1x16xi32, #tpu.memory_space<smem>>
    %get3A_8 = arith.constant 0 : index
    %get3A_9 = arith.constant 3 : index
    %get3A_10 = memref.load %arg1[%get3A_8, %get3A_9] : memref<1x16xi32, #tpu.memory_space<smem>>
    %get3A_11 = arith.constant 0 : index
    %get3A_12 = arith.constant 4 : index
    %get3A_13 = memref.load %arg1[%get3A_11, %get3A_12] : memref<1x16xi32, #tpu.memory_space<smem>>
    %get3A_14 = arith.constant 0 : index
    %get3A_15 = arith.constant 5 : index
    %get3A_16 = memref.load %arg1[%get3A_14, %get3A_15] : memref<1x16xi32, #tpu.memory_space<smem>>
    %get3A_17 = arith.constant 0 : index
    %get3A_18 = arith.constant 6 : index
    %get3A_19 = memref.load %arg1[%get3A_17, %get3A_18] : memref<1x16xi32, #tpu.memory_space<smem>>
    %get3A_20 = arith.constant 0 : index
    %get3A_21 = arith.constant 7 : index
    %get3A_22 = memref.load %arg1[%get3A_20, %get3A_21] : memref<1x16xi32, #tpu.memory_space<smem>>
    %get3A_23 = arith.constant 0 : index
    %get3A_24 = arith.constant 8 : index
    %get3A_25 = memref.load %arg1[%get3A_23, %get3A_24] : memref<1x16xi32, #tpu.memory_space<smem>>
    %get3A_26 = arith.constant 0 : index
    %get3A_27 = arith.constant 9 : index
    %get3A_28 = memref.load %arg1[%get3A_26, %get3A_27] : memref<1x16xi32, #tpu.memory_space<smem>>
    %get3A_29 = arith.constant 0 : index
    %get3A_30 = arith.constant 10 : index
    %get3A_31 = memref.load %arg1[%get3A_29, %get3A_30] : memref<1x16xi32, #tpu.memory_space<smem>>
    %get3A_32 = arith.constant 0 : index
    %get3A_33 = arith.constant 11 : index
    %get3A_34 = memref.load %arg1[%get3A_32, %get3A_33] : memref<1x16xi32, #tpu.memory_space<smem>>
    %get3A_35 = arith.constant 0 : index
    %get3A_36 = arith.constant 12 : index
    %get3A_37 = memref.load %arg1[%get3A_35, %get3A_36] : memref<1x16xi32, #tpu.memory_space<smem>>
    %get3A_38 = arith.constant 0 : index
    %get3A_39 = arith.constant 13 : index
    %get3A_40 = memref.load %arg1[%get3A_38, %get3A_39] : memref<1x16xi32, #tpu.memory_space<smem>>
    %get3A_41 = arith.constant 0 : index
    %get3A_42 = arith.constant 14 : index
    %get3A_43 = memref.load %arg1[%get3A_41, %get3A_42] : memref<1x16xi32, #tpu.memory_space<smem>>
    %get3A_44 = arith.constant 0 : index
    %get3A_45 = arith.constant 15 : index
    %get3A_46 = memref.load %arg1[%get3A_44, %get3A_45] : memref<1x16xi32, #tpu.memory_space<smem>>
    %stack3A = vector.broadcast %get3A_1 : i32 to vector<1xi32>
    %stack3A_47 = vector.broadcast %get3A_4 : i32 to vector<1xi32>
    %stack3A_48 = vector.broadcast %get3A_7 : i32 to vector<1xi32>
    %stack3A_49 = vector.broadcast %get3A_10 : i32 to vector<1xi32>
    %stack3A_50 = vector.broadcast %get3A_13 : i32 to vector<1xi32>
    %stack3A_51 = vector.broadcast %get3A_16 : i32 to vector<1xi32>
    %stack3A_52 = vector.broadcast %get3A_19 : i32 to vector<1xi32>
    %stack3A_53 = vector.broadcast %get3A_22 : i32 to vector<1xi32>
    %stack3A_54 = vector.broadcast %get3A_25 : i32 to vector<1xi32>
    %stack3A_55 = vector.broadcast %get3A_28 : i32 to vector<1xi32>
    %stack3A_56 = vector.broadcast %get3A_31 : i32 to vector<1xi32>
    %stack3A_57 = vector.broadcast %get3A_34 : i32 to vector<1xi32>
    %stack3A_58 = vector.broadcast %get3A_37 : i32 to vector<1xi32>
    %stack3A_59 = vector.broadcast %get3A_40 : i32 to vector<1xi32>
    %stack3A_60 = vector.broadcast %get3A_43 : i32 to vector<1xi32>
    %stack3A_61 = vector.broadcast %get3A_46 : i32 to vector<1xi32>
    %stack3A_62 = tpu.concatenate %stack3A, %stack3A_47, %stack3A_48, %stack3A_49, %stack3A_50, %stack3A_51, %stack3A_52, %stack3A_53, %stack3A_54, %stack3A_55, %stack3A_56, %stack3A_57, %stack3A_58, %stack3A_59, %stack3A_60, %stack3A_61 in 0 : vector<1xi32>, vector<1xi32>, vector<1xi32>, vector<1xi32>, vector<1xi32>, vector<1xi32>, vector<1xi32>, vector<1xi32>, vector<1xi32>, vector<1xi32>, vector<1xi32>, vector<1xi32>, vector<1xi32>, vector<1xi32>, vector<1xi32>, vector<1xi32> -> vector<16xi32>
    %iota3A = tpu.iota {dimensions = array<i32: 1>} : vector<16x128xi32>
    %mul3A = arith.constant 128 : i32
    %mul3A_63 = arith.muli %arg0, %mul3A : i32
    %add3A = vector.broadcast %mul3A_63 : i32 to vector<16x128xi32>
    %add3A_64 = arith.addi %iota3A, %add3A : vector<16x128xi32>
    %broadcast_in_dim3A = vector.shape_cast %stack3A_62 : vector<16xi32> to vector<16x1xi32>
    %eq3A = vector.broadcast %broadcast_in_dim3A : vector<16x1xi32> to vector<16x128xi32>
    %eq3A_65 = arith.cmpi eq, %add3A_64, %eq3A : vector<16x128xi32>
    %convert_element_type3A = arith.extui %eq3A_65 : vector<16x128xi1> to vector<16x128xi32>
    %convert_element_type3A_66 = arith.sitofp %convert_element_type3A : vector<16x128xi32> to vector<16x128xf32>
    %swap3A = arith.constant 0 : index
    %swap3A_67 = arith.constant 0 : index
    %swap3A_68 = vector.load %arg2[%swap3A, %swap3A_67] : memref<16x128xf32, #tpu.memory_space<vmem>>, vector<16x128xf32>
    tpu.vector_store %arg2[%swap3A, %swap3A_67], %convert_element_type3A_66 {strides = array<i32>} : memref<16x128xf32, #tpu.memory_space<vmem>>, vector<16x128xf32>,
    return
  }
  func.func @transform_0(%arg0: i32) -> (i32, i32) {
    %c0_i32 = arith.constant 0 : i32
    %c0_i32_0 = arith.constant 0 : i32
    %c0_i32_1 = arith.constant 0 : i32
    return %c0_i32, %c0_i32_0 : i32, i32
  }
  func.func @transform_1(%arg0: i32) -> (i32, i32) {
    %c0_i32 = arith.constant 0 : i32
    %c0_i32_0 = arith.constant 0 : i32
    return %c0_i32, %arg0 : i32, i32
  }
}

module attributes {stable_mosaic.version = 14 : i64} {
  func.func @kern(%arg0: i32, %arg1: i32, %arg2: i32, %arg3: memref<32x128xf32, #tpu.memory_space<vmem>>, %arg4: memref<128x512xf32, #tpu.memory_space<vmem>>, %arg5: memref<32x128xf32, #tpu.memory_space<vmem>>, %arg6: memref<32x512xf32, #tpu.memory_space<vmem>>) attributes {dimension_semantics = [#tpu.dimension_semantics<parallel>, #tpu.dimension_semantics<parallel>, #tpu.dimension_semantics<arbitrary>], iteration_bounds = array<i64: 1, 10, 79>, scalar_prefetch = 0 : i64, scratch_operands = 0 : i64, tpu.core_type = #tpu.core_type<tc>, window_params = [{transform_indices = @transform_0, window_bounds = array<i64: 32, 128>}, {transform_indices = @transform_1, window_bounds = array<i64: 128, 512>}, {transform_indices = @transform_2, window_bounds = array<i64: 32, 128>}, {transform_indices = @transform_3, window_bounds = array<i64: 32, 512>}]} {
    %eq3A = arith.constant 0 : i32
    %eq3A_0 = arith.cmpi eq, %arg2, %eq3A : i32
    %convert_element_type3A = arith.extui %eq3A_0 : i1 to i32
    %cond3A = arith.constant 0 : i32
    %cond3A_1 = arith.cmpi ne, %convert_element_type3A, %cond3A : i32
    scf.if %cond3A_1 {
      %broadcast_in_dim3A_24 = arith.constant 0.000000e+00 : f32
      %broadcast_in_dim3A_25 = vector.broadcast %broadcast_in_dim3A_24 : f32 to vector<32x512xf32>
      %swap3A_26 = arith.constant 0 : index
      %swap3A_27 = arith.constant 0 : index
      %swap3A_28 = vector.load %arg6[%swap3A_26, %swap3A_27] : memref<32x512xf32, #tpu.memory_space<vmem>>, vector<32x512xf32>
      tpu.vector_store %arg6[%swap3A_26, %swap3A_27], %broadcast_in_dim3A_25 {strides = array<i32>} : memref<32x512xf32, #tpu.memory_space<vmem>>, vector<32x512xf32>,
    } else {
    }
    %get3A = arith.constant 0 : index
    %get3A_2 = arith.constant 0 : index
    %get3A_3 = vector.load %arg3[%get3A, %get3A_2] : memref<32x128xf32, #tpu.memory_space<vmem>>, vector<32x128xf32>
    %get3A_4 = arith.constant 0 : index
    %get3A_5 = arith.constant 0 : index
    %get3A_6 = vector.load %arg4[%get3A_4, %get3A_5] : memref<128x512xf32, #tpu.memory_space<vmem>>, vector<128x512xf32>
    %eq3A_7 = arith.constant 78 : i32
    %eq3A_8 = arith.cmpi eq, %arg2, %eq3A_7 : i32
    %jit3A = arith.constant 16 : i32
    %jit3A_9 = arith.constant 128 : i32
    %select_n3A = arith.select %eq3A_8, %jit3A, %jit3A_9 : i32
    %iota3A = tpu.iota {dimensions = array<i32: 0>} : vector<128x512xi32>
    %lt3A = vector.broadcast %select_n3A : i32 to vector<128x512xi32>
    %lt3A_10 = arith.cmpi slt, %iota3A, %lt3A : vector<128x512xi32>
    %jit3A_11 = arith.constant 0.000000e+00 : f32
    %broadcast_in_dim3A = vector.broadcast %jit3A_11 : f32 to vector<128x512xf32>
    %select_n3A_12 = arith.select %lt3A_10, %get3A_6, %broadcast_in_dim3A : vector<128x512xi1>, vector<128x512xf32>
    %get3A_13 = arith.constant 0 : index
    %get3A_14 = arith.constant 0 : index
    %get3A_15 = vector.load %arg6[%get3A_13, %get3A_14] : memref<32x512xf32, #tpu.memory_space<vmem>>, vector<32x512xf32>
    %dot_general3A = arith.constant dense<0.000000e+00> : vector<32x512xf32>
    %dot_general3A_16 = tpu.matmul %get3A_3, %select_n3A_12, %dot_general3A {dimension_numbers = #tpu.dot_dimension_numbers<[1], [0], [0], [1], [0, 0, 1, 1], [], []>, transpose_lhs_hint = false} : vector<32x128xf32>, vector<128x512xf32>, vector<32x512xf32> -> vector<32x512xf32>
    %add3A = arith.addf %get3A_15, %dot_general3A_16 : vector<32x512xf32>
    %swap3A = arith.constant 0 : index
    %swap3A_17 = arith.constant 0 : index
    %swap3A_18 = vector.load %arg6[%swap3A, %swap3A_17] : memref<32x512xf32, #tpu.memory_space<vmem>>, vector<32x512xf32>
    tpu.vector_store %arg6[%swap3A, %swap3A_17], %add3A {strides = array<i32>} : memref<32x512xf32, #tpu.memory_space<vmem>>, vector<32x512xf32>,
    %eq3A_19 = arith.constant 78 : i32
    %eq3A_20 = arith.cmpi eq, %arg2, %eq3A_19 : i32
    %convert_element_type3A_21 = arith.extui %eq3A_20 : i1 to i32
    %cond3A_22 = arith.constant 0 : i32
    %cond3A_23 = arith.cmpi ne, %convert_element_type3A_21, %cond3A_22 : i32
    scf.if %cond3A_23 {
      %get3A_24 = arith.constant 0 : index
      %get3A_25 = arith.constant 0 : index
      %get3A_26 = vector.load %arg6[%get3A_24, %get3A_25] : memref<32x512xf32, #tpu.memory_space<vmem>>, vector<32x512xf32>
      %get3A_27 = arith.constant 0 : index
      %get3A_28 = arith.constant 0 : index
      %get3A_29 = vector.load %arg5[%get3A_27, %get3A_28] : memref<32x128xf32, #tpu.memory_space<vmem>>, vector<32x128xf32>
      %slice3A = vector.extract_strided_slice %get3A_29 {offsets = [0, 0], sizes = [32, 1], strides = [1, 1]} : vector<32x128xf32> to vector<32x1xf32>
      %mul3A = vector.broadcast %slice3A : vector<32x1xf32> to vector<32x512xf32>
      %mul3A_30 = arith.mulf %get3A_26, %mul3A : vector<32x512xf32>
      %swap3A_31 = arith.constant 0 : index
      %swap3A_32 = arith.constant 0 : index
      %swap3A_33 = vector.load %arg6[%swap3A_31, %swap3A_32] : memref<32x512xf32, #tpu.memory_space<vmem>>, vector<32x512xf32>
      tpu.vector_store %arg6[%swap3A_31, %swap3A_32], %mul3A_30 {strides = array<i32>} : memref<32x512xf32, #tpu.memory_space<vmem>>, vector<32x512xf32>,
    } else {
    }
    return
  }
  func.func @transform_0(%arg0: i32, %arg1: i32, %arg2: i32) -> (i32, i32) {
    %c0_i32 = arith.constant 0 : i32
    return %arg0, %arg2 : i32, i32
  }
  func.func @transform_1(%arg0: i32, %arg1: i32, %arg2: i32) -> (i32, i32) {
    %c0_i32 = arith.constant 0 : i32
    return %arg2, %arg1 : i32, i32
  }
  func.func @transform_2(%arg0: i32, %arg1: i32, %arg2: i32) -> (i32, i32) {
    %c0_i32 = arith.constant 0 : i32
    %c0_i32_0 = arith.constant 0 : i32
    return %arg0, %c0_i32 : i32, i32
  }
  func.func @transform_3(%arg0: i32, %arg1: i32, %arg2: i32) -> (i32, i32) {
    %c0_i32 = arith.constant 0 : i32
    return %arg0, %arg1 : i32, i32
  }
}

module attributes {stable_mosaic.version = 14 : i64} {
  func.func @kern(%arg0: i32, %arg1: i32, %arg2: i32, %arg3: memref<1x1xf32, #tpu.memory_space<smem>>, %arg4: memref<16x128xf32, #tpu.memory_space<vmem>>, %arg5: memref<128x256xf32, #tpu.memory_space<vmem>>, %arg6: memref<1x256xf32, #tpu.memory_space<vmem>>, %arg7: memref<16x256xf32, #tpu.memory_space<vmem>>) attributes {dimension_semantics = [#tpu.dimension_semantics<parallel>, #tpu.dimension_semantics<parallel>, #tpu.dimension_semantics<arbitrary>], iteration_bounds = array<i64: 1, 1, 79>, scalar_prefetch = 0 : i64, scratch_operands = 0 : i64, tpu.core_type = #tpu.core_type<tc>, window_params = [{transform_indices = @transform_0, window_bounds = array<i64: 1, 1>}, {transform_indices = @transform_1, window_bounds = array<i64: 16, 128>}, {transform_indices = @transform_2, window_bounds = array<i64: 128, 256>}, {transform_indices = @transform_3, window_bounds = array<i64: 1, 256>}, {transform_indices = @transform_4, window_bounds = array<i64: 16, 256>}]} {
    %eq3A = arith.constant 0 : i32
    %eq3A_0 = arith.cmpi eq, %arg2, %eq3A : i32
    %convert_element_type3A = arith.extui %eq3A_0 : i1 to i32
    %cond3A = arith.constant 0 : i32
    %cond3A_1 = arith.cmpi ne, %convert_element_type3A, %cond3A : i32
    scf.if %cond3A_1 {
      %broadcast_in_dim3A_35 = arith.constant 0.000000e+00 : f32
      %broadcast_in_dim3A_36 = vector.broadcast %broadcast_in_dim3A_35 : f32 to vector<16x256xf32>
      %swap3A_37 = arith.constant 0 : index
      %swap3A_38 = arith.constant 0 : index
      %swap3A_39 = vector.load %arg7[%swap3A_37, %swap3A_38] : memref<16x256xf32, #tpu.memory_space<vmem>>, vector<16x256xf32>
      tpu.vector_store %arg7[%swap3A_37, %swap3A_38], %broadcast_in_dim3A_36 {strides = array<i32>} : memref<16x256xf32, #tpu.memory_space<vmem>>, vector<16x256xf32>,
    } else {
    }
    %get3A = arith.constant 0 : index
    %get3A_2 = arith.constant 0 : index
    %get3A_3 = vector.load %arg4[%get3A, %get3A_2] : memref<16x128xf32, #tpu.memory_space<vmem>>, vector<16x128xf32>
    %get3A_4 = arith.constant 0 : index
    %get3A_5 = arith.constant 0 : index
    %get3A_6 = vector.load %arg5[%get3A_4, %get3A_5] : memref<128x256xf32, #tpu.memory_space<vmem>>, vector<128x256xf32>
    %eq3A_7 = arith.constant 78 : i32
    %eq3A_8 = arith.cmpi eq, %arg2, %eq3A_7 : i32
    %jit3A = arith.constant 16 : i32
    %jit3A_9 = arith.constant 128 : i32
    %select_n3A = arith.select %eq3A_8, %jit3A, %jit3A_9 : i32
    %iota3A = tpu.iota {dimensions = array<i32: 1>} : vector<16x128xi32>
    %lt3A = vector.broadcast %select_n3A : i32 to vector<16x128xi32>
    %lt3A_10 = arith.cmpi slt, %iota3A, %lt3A : vector<16x128xi32>
    %jit3A_11 = arith.constant 0.000000e+00 : f32
    %broadcast_in_dim3A = vector.broadcast %jit3A_11 : f32 to vector<16x128xf32>
    %select_n3A_12 = arith.select %lt3A_10, %get3A_3, %broadcast_in_dim3A : vector<16x128xi1>, vector<16x128xf32>
    %eq3A_13 = arith.constant 78 : i32
    %eq3A_14 = arith.cmpi eq, %arg2, %eq3A_13 : i32
    %jit3A_15 = arith.constant 16 : i32
    %jit3A_16 = arith.constant 128 : i32
    %select_n3A_17 = arith.select %eq3A_14, %jit3A_15, %jit3A_16 : i32
    %iota3A_18 = tpu.iota {dimensions = array<i32: 0>} : vector<128x256xi32>
    %lt3A_19 = vector.broadcast %select_n3A_17 : i32 to vector<128x256xi32>
    %lt3A_20 = arith.cmpi slt, %iota3A_18, %lt3A_19 : vector<128x256xi32>
    %jit3A_21 = arith.constant 0.000000e+00 : f32
    %broadcast_in_dim3A_22 = vector.broadcast %jit3A_21 : f32 to vector<128x256xf32>
    %select_n3A_23 = arith.select %lt3A_20, %get3A_6, %broadcast_in_dim3A_22 : vector<128x256xi1>, vector<128x256xf32>
    %get3A_24 = arith.constant 0 : index
    %get3A_25 = arith.constant 0 : index
    %get3A_26 = vector.load %arg7[%get3A_24, %get3A_25] : memref<16x256xf32, #tpu.memory_space<vmem>>, vector<16x256xf32>
    %dot_general3A = arith.constant dense<0.000000e+00> : vector<16x256xf32>
    %dot_general3A_27 = tpu.matmul %select_n3A_12, %select_n3A_23, %dot_general3A {dimension_numbers = #tpu.dot_dimension_numbers<[1], [0], [0], [1], [0, 0, 1, 1], [], []>, transpose_lhs_hint = false} : vector<16x128xf32>, vector<128x256xf32>, vector<16x256xf32> -> vector<16x256xf32>
    %add3A = arith.addf %get3A_26, %dot_general3A_27 : vector<16x256xf32>
    %swap3A = arith.constant 0 : index
    %swap3A_28 = arith.constant 0 : index
    %swap3A_29 = vector.load %arg7[%swap3A, %swap3A_28] : memref<16x256xf32, #tpu.memory_space<vmem>>, vector<16x256xf32>
    tpu.vector_store %arg7[%swap3A, %swap3A_28], %add3A {strides = array<i32>} : memref<16x256xf32, #tpu.memory_space<vmem>>, vector<16x256xf32>,
    %eq3A_30 = arith.constant 78 : i32
    %eq3A_31 = arith.cmpi eq, %arg2, %eq3A_30 : i32
    %convert_element_type3A_32 = arith.extui %eq3A_31 : i1 to i32
    %cond3A_33 = arith.constant 0 : i32
    %cond3A_34 = arith.cmpi ne, %convert_element_type3A_32, %cond3A_33 : i32
    scf.if %cond3A_34 {
      %get3A_35 = arith.constant 0 : index
      %get3A_36 = arith.constant 0 : index
      %get3A_37 = vector.load %arg7[%get3A_35, %get3A_36] : memref<16x256xf32, #tpu.memory_space<vmem>>, vector<16x256xf32>
      %get3A_38 = arith.constant 0 : index
      %get3A_39 = arith.constant 0 : index
      %get3A_40 = vector.load %arg6[%get3A_38, %get3A_39] : memref<1x256xf32, #tpu.memory_space<vmem>>, vector<1x256xf32>
      %add3A_41 = vector.broadcast %get3A_40 : vector<1x256xf32> to vector<16x256xf32>
      %add3A_42 = arith.addf %get3A_37, %add3A_41 : vector<16x256xf32>
      %get3A_43 = arith.constant 0 : index
      %get3A_44 = arith.constant 0 : index
      %get3A_45 = memref.load %arg3[%get3A_43, %get3A_44] : memref<1x1xf32, #tpu.memory_space<smem>>
      %ge3A = arith.constant 0.000000e+00 : f32
      %ge3A_46 = vector.broadcast %ge3A : f32 to vector<16x256xf32>
      %ge3A_47 = arith.cmpf oge, %add3A_42, %ge3A_46 : vector<16x256xf32>
      %mul3A = vector.broadcast %get3A_45 : f32 to vector<16x256xf32>
      %mul3A_48 = arith.mulf %mul3A, %add3A_42 : vector<16x256xf32>
      %select_n3A_49 = arith.select %ge3A_47, %add3A_42, %mul3A_48 : vector<16x256xi1>, vector<16x256xf32>
      %swap3A_50 = arith.constant 0 : index
      %swap3A_51 = arith.constant 0 : index
      %swap3A_52 = vector.load %arg7[%swap3A_50, %swap3A_51] : memref<16x256xf32, #tpu.memory_space<vmem>>, vector<16x256xf32>
      tpu.vector_store %arg7[%swap3A_50, %swap3A_51], %select_n3A_49 {strides = array<i32>} : memref<16x256xf32, #tpu.memory_space<vmem>>, vector<16x256xf32>,
    } else {
    }
    return
  }
  func.func @transform_0(%arg0: i32, %arg1: i32, %arg2: i32) -> (i32, i32) {
    %c0_i32 = arith.constant 0 : i32
    %c0_i32_0 = arith.constant 0 : i32
    %c0_i32_1 = arith.constant 0 : i32
    return %c0_i32, %c0_i32_0 : i32, i32
  }
  func.func @transform_1(%arg0: i32, %arg1: i32, %arg2: i32) -> (i32, i32) {
    %c0_i32 = arith.constant 0 : i32
    return %arg0, %arg2 : i32, i32
  }
  func.func @transform_2(%arg0: i32, %arg1: i32, %arg2: i32) -> (i32, i32) {
    %c0_i32 = arith.constant 0 : i32
    return %arg2, %arg1 : i32, i32
  }
  func.func @transform_3(%arg0: i32, %arg1: i32, %arg2: i32) -> (i32, i32) {
    %c0_i32 = arith.constant 0 : i32
    %c0_i32_0 = arith.constant 0 : i32
    return %c0_i32, %arg1 : i32, i32
  }
  func.func @transform_4(%arg0: i32, %arg1: i32, %arg2: i32) -> (i32, i32) {
    %c0_i32 = arith.constant 0 : i32
    return %arg0, %arg1 : i32, i32
  }
}

module attributes {stable_mosaic.version = 14 : i64} {
  func.func @kern(%arg0: i32, %arg1: i32, %arg2: i32, %arg3: memref<1x1xf32, #tpu.memory_space<smem>>, %arg4: memref<16x256xf32, #tpu.memory_space<vmem>>, %arg5: memref<256x128xf32, #tpu.memory_space<vmem>>, %arg6: memref<1x128xf32, #tpu.memory_space<vmem>>, %arg7: memref<16x128xf32, #tpu.memory_space<vmem>>) attributes {dimension_semantics = [#tpu.dimension_semantics<parallel>, #tpu.dimension_semantics<parallel>, #tpu.dimension_semantics<arbitrary>], iteration_bounds = array<i64: 1, 1, 1>, scalar_prefetch = 0 : i64, scratch_operands = 0 : i64, tpu.core_type = #tpu.core_type<tc>, window_params = [{transform_indices = @transform_0, window_bounds = array<i64: 1, 1>}, {transform_indices = @transform_1, window_bounds = array<i64: 16, 256>}, {transform_indices = @transform_2, window_bounds = array<i64: 256, 128>}, {transform_indices = @transform_3, window_bounds = array<i64: 1, 128>}, {transform_indices = @transform_4, window_bounds = array<i64: 16, 128>}]} {
    %eq3A = arith.constant 0 : i32
    %eq3A_0 = arith.cmpi eq, %arg2, %eq3A : i32
    %convert_element_type3A = arith.extui %eq3A_0 : i1 to i32
    %cond3A = arith.constant 0 : i32
    %cond3A_1 = arith.cmpi ne, %convert_element_type3A, %cond3A : i32
    scf.if %cond3A_1 {
      %broadcast_in_dim3A = arith.constant 0.000000e+00 : f32
      %broadcast_in_dim3A_18 = vector.broadcast %broadcast_in_dim3A : f32 to vector<16x128xf32>
      %swap3A_19 = arith.constant 0 : index
      %swap3A_20 = arith.constant 0 : index
      %swap3A_21 = vector.load %arg7[%swap3A_19, %swap3A_20] : memref<16x128xf32, #tpu.memory_space<vmem>>, vector<16x128xf32>
      tpu.vector_store %arg7[%swap3A_19, %swap3A_20], %broadcast_in_dim3A_18 {strides = array<i32>} : memref<16x128xf32, #tpu.memory_space<vmem>>, vector<16x128xf32>,
    } else {
    }
    %get3A = arith.constant 0 : index
    %get3A_2 = arith.constant 0 : index
    %get3A_3 = vector.load %arg4[%get3A, %get3A_2] : memref<16x256xf32, #tpu.memory_space<vmem>>, vector<16x256xf32>
    %get3A_4 = arith.constant 0 : index
    %get3A_5 = arith.constant 0 : index
    %get3A_6 = vector.load %arg5[%get3A_4, %get3A_5] : memref<256x128xf32, #tpu.memory_space<vmem>>, vector<256x128xf32>
    %get3A_7 = arith.constant 0 : index
    %get3A_8 = arith.constant 0 : index
    %get3A_9 = vector.load %arg7[%get3A_7, %get3A_8] : memref<16x128xf32, #tpu.memory_space<vmem>>, vector<16x128xf32>
    %dot_general3A = arith.constant dense<0.000000e+00> : vector<16x128xf32>
    %dot_general3A_10 = tpu.matmul %get3A_3, %get3A_6, %dot_general3A {dimension_numbers = #tpu.dot_dimension_numbers<[1], [0], [0], [1], [0, 0, 1, 1], [], []>, transpose_lhs_hint = false} : vector<16x256xf32>, vector<256x128xf32>, vector<16x128xf32> -> vector<16x128xf32>
    %add3A = arith.addf %get3A_9, %dot_general3A_10 : vector<16x128xf32>
    %swap3A = arith.constant 0 : index
    %swap3A_11 = arith.constant 0 : index
    %swap3A_12 = vector.load %arg7[%swap3A, %swap3A_11] : memref<16x128xf32, #tpu.memory_space<vmem>>, vector<16x128xf32>
    tpu.vector_store %arg7[%swap3A, %swap3A_11], %add3A {strides = array<i32>} : memref<16x128xf32, #tpu.memory_space<vmem>>, vector<16x128xf32>,
    %eq3A_13 = arith.constant 0 : i32
    %eq3A_14 = arith.cmpi eq, %arg2, %eq3A_13 : i32
    %convert_element_type3A_15 = arith.extui %eq3A_14 : i1 to i32
    %cond3A_16 = arith.constant 0 : i32
    %cond3A_17 = arith.cmpi ne, %convert_element_type3A_15, %cond3A_16 : i32
    scf.if %cond3A_17 {
      %get3A_18 = arith.constant 0 : index
      %get3A_19 = arith.constant 0 : index
      %get3A_20 = vector.load %arg7[%get3A_18, %get3A_19] : memref<16x128xf32, #tpu.memory_space<vmem>>, vector<16x128xf32>
      %get3A_21 = arith.constant 0 : index
      %get3A_22 = arith.constant 0 : index
      %get3A_23 = vector.load %arg6[%get3A_21, %get3A_22] : memref<1x128xf32, #tpu.memory_space<vmem>>, vector<1x128xf32>
      %add3A_24 = vector.broadcast %get3A_23 : vector<1x128xf32> to vector<16x128xf32>
      %add3A_25 = arith.addf %get3A_20, %add3A_24 : vector<16x128xf32>
      %get3A_26 = arith.constant 0 : index
      %get3A_27 = arith.constant 0 : index
      %get3A_28 = memref.load %arg3[%get3A_26, %get3A_27] : memref<1x1xf32, #tpu.memory_space<smem>>
      %ge3A = arith.constant 0.000000e+00 : f32
      %ge3A_29 = vector.broadcast %ge3A : f32 to vector<16x128xf32>
      %ge3A_30 = arith.cmpf oge, %add3A_25, %ge3A_29 : vector<16x128xf32>
      %mul3A = vector.broadcast %get3A_28 : f32 to vector<16x128xf32>
      %mul3A_31 = arith.mulf %mul3A, %add3A_25 : vector<16x128xf32>
      %select_n3A = arith.select %ge3A_30, %add3A_25, %mul3A_31 : vector<16x128xi1>, vector<16x128xf32>
      %swap3A_32 = arith.constant 0 : index
      %swap3A_33 = arith.constant 0 : index
      %swap3A_34 = vector.load %arg7[%swap3A_32, %swap3A_33] : memref<16x128xf32, #tpu.memory_space<vmem>>, vector<16x128xf32>
      tpu.vector_store %arg7[%swap3A_32, %swap3A_33], %select_n3A {strides = array<i32>} : memref<16x128xf32, #tpu.memory_space<vmem>>, vector<16x128xf32>,
    } else {
    }
    return
  }
  func.func @transform_0(%arg0: i32, %arg1: i32, %arg2: i32) -> (i32, i32) {
    %c0_i32 = arith.constant 0 : i32
    %c0_i32_0 = arith.constant 0 : i32
    %c0_i32_1 = arith.constant 0 : i32
    return %c0_i32, %c0_i32_0 : i32, i32
  }
  func.func @transform_1(%arg0: i32, %arg1: i32, %arg2: i32) -> (i32, i32) {
    %c0_i32 = arith.constant 0 : i32
    return %arg0, %arg2 : i32, i32
  }
  func.func @transform_2(%arg0: i32, %arg1: i32, %arg2: i32) -> (i32, i32) {
    %c0_i32 = arith.constant 0 : i32
    return %arg2, %arg1 : i32, i32
  }
  func.func @transform_3(%arg0: i32, %arg1: i32, %arg2: i32) -> (i32, i32) {
    %c0_i32 = arith.constant 0 : i32
    %c0_i32_0 = arith.constant 0 : i32
    return %c0_i32, %arg1 : i32, i32
  }
  func.func @transform_4(%arg0: i32, %arg1: i32, %arg2: i32) -> (i32, i32) {
    %c0_i32 = arith.constant 0 : i32
    return %arg0, %arg1 : i32, i32
  }
}

module attributes {stable_mosaic.version = 14 : i64} {
  func.func @kern(%arg0: i32, %arg1: i32, %arg2: i32, %arg3: memref<16x128xf32, #tpu.memory_space<vmem>>, %arg4: memref<128x128xf32, #tpu.memory_space<vmem>>, %arg5: memref<16x128xf32, #tpu.memory_space<vmem>>, %arg6: memref<16x128xf32, #tpu.memory_space<vmem>>) attributes {dimension_semantics = [#tpu.dimension_semantics<parallel>, #tpu.dimension_semantics<parallel>, #tpu.dimension_semantics<arbitrary>], iteration_bounds = array<i64: 1, 1, 79>, scalar_prefetch = 0 : i64, scratch_operands = 0 : i64, tpu.core_type = #tpu.core_type<tc>, window_params = [{transform_indices = @transform_0, window_bounds = array<i64: 16, 128>}, {transform_indices = @transform_1, window_bounds = array<i64: 128, 128>}, {transform_indices = @transform_2, window_bounds = array<i64: 16, 128>}, {transform_indices = @transform_3, window_bounds = array<i64: 16, 128>}]} {
    %eq3A = arith.constant 0 : i32
    %eq3A_0 = arith.cmpi eq, %arg2, %eq3A : i32
    %convert_element_type3A = arith.extui %eq3A_0 : i1 to i32
    %cond3A = arith.constant 0 : i32
    %cond3A_1 = arith.cmpi ne, %convert_element_type3A, %cond3A : i32
    scf.if %cond3A_1 {
      %broadcast_in_dim3A = arith.constant 0.000000e+00 : f32
      %broadcast_in_dim3A_18 = vector.broadcast %broadcast_in_dim3A : f32 to vector<16x128xf32>
      %swap3A_19 = arith.constant 0 : index
      %swap3A_20 = arith.constant 0 : index
      %swap3A_21 = vector.load %arg6[%swap3A_19, %swap3A_20] : memref<16x128xf32, #tpu.memory_space<vmem>>, vector<16x128xf32>
      tpu.vector_store %arg6[%swap3A_19, %swap3A_20], %broadcast_in_dim3A_18 {strides = array<i32>} : memref<16x128xf32, #tpu.memory_space<vmem>>, vector<16x128xf32>,
    } else {
    }
    %get3A = arith.constant 0 : index
    %get3A_2 = arith.constant 0 : index
    %get3A_3 = vector.load %arg3[%get3A, %get3A_2] : memref<16x128xf32, #tpu.memory_space<vmem>>, vector<16x128xf32>
    %get3A_4 = arith.constant 0 : index
    %get3A_5 = arith.constant 0 : index
    %get3A_6 = vector.load %arg4[%get3A_4, %get3A_5] : memref<128x128xf32, #tpu.memory_space<vmem>>, vector<128x128xf32>
    %get3A_7 = arith.constant 0 : index
    %get3A_8 = arith.constant 0 : index
    %get3A_9 = vector.load %arg6[%get3A_7, %get3A_8] : memref<16x128xf32, #tpu.memory_space<vmem>>, vector<16x128xf32>
    %dot_general3A = arith.constant dense<0.000000e+00> : vector<16x128xf32>
    %dot_general3A_10 = tpu.matmul %get3A_3, %get3A_6, %dot_general3A {dimension_numbers = #tpu.dot_dimension_numbers<[1], [0], [0], [1], [0, 0, 1, 1], [], []>, transpose_lhs_hint = false} : vector<16x128xf32>, vector<128x128xf32>, vector<16x128xf32> -> vector<16x128xf32>
    %add3A = arith.addf %get3A_9, %dot_general3A_10 : vector<16x128xf32>
    %swap3A = arith.constant 0 : index
    %swap3A_11 = arith.constant 0 : index
    %swap3A_12 = vector.load %arg6[%swap3A, %swap3A_11] : memref<16x128xf32, #tpu.memory_space<vmem>>, vector<16x128xf32>
    tpu.vector_store %arg6[%swap3A, %swap3A_11], %add3A {strides = array<i32>} : memref<16x128xf32, #tpu.memory_space<vmem>>, vector<16x128xf32>,
    %eq3A_13 = arith.constant 78 : i32
    %eq3A_14 = arith.cmpi eq, %arg2, %eq3A_13 : i32
    %convert_element_type3A_15 = arith.extui %eq3A_14 : i1 to i32
    %cond3A_16 = arith.constant 0 : i32
    %cond3A_17 = arith.cmpi ne, %convert_element_type3A_15, %cond3A_16 : i32
    scf.if %cond3A_17 {
      %get3A_18 = arith.constant 0 : index
      %get3A_19 = arith.constant 0 : index
      %get3A_20 = vector.load %arg6[%get3A_18, %get3A_19] : memref<16x128xf32, #tpu.memory_space<vmem>>, vector<16x128xf32>
      %get3A_21 = arith.constant 0 : index
      %get3A_22 = arith.constant 0 : index
      %get3A_23 = vector.load %arg5[%get3A_21, %get3A_22] : memref<16x128xf32, #tpu.memory_space<vmem>>, vector<16x128xf32>
      %slice3A = vector.extract_strided_slice %get3A_23 {offsets = [0, 0], sizes = [16, 1], strides = [1, 1]} : vector<16x128xf32> to vector<16x1xf32>
      %mul3A = vector.broadcast %slice3A : vector<16x1xf32> to vector<16x128xf32>
      %mul3A_24 = arith.mulf %get3A_20, %mul3A : vector<16x128xf32>
      %swap3A_25 = arith.constant 0 : index
      %swap3A_26 = arith.constant 0 : index
      %swap3A_27 = vector.load %arg6[%swap3A_25, %swap3A_26] : memref<16x128xf32, #tpu.memory_space<vmem>>, vector<16x128xf32>
      tpu.vector_store %arg6[%swap3A_25, %swap3A_26], %mul3A_24 {strides = array<i32>} : memref<16x128xf32, #tpu.memory_space<vmem>>, vector<16x128xf32>,
    } else {
    }
    return
  }
  func.func @transform_0(%arg0: i32, %arg1: i32, %arg2: i32) -> (i32, i32) {
    %c0_i32 = arith.constant 0 : i32
    return %arg0, %arg2 : i32, i32
  }
  func.func @transform_1(%arg0: i32, %arg1: i32, %arg2: i32) -> (i32, i32) {
    %c0_i32 = arith.constant 0 : i32
    return %arg2, %arg1 : i32, i32
  }
  func.func @transform_2(%arg0: i32, %arg1: i32, %arg2: i32) -> (i32, i32) {
    %c0_i32 = arith.constant 0 : i32
    %c0_i32_0 = arith.constant 0 : i32
    return %arg0, %c0_i32 : i32, i32
  }
  func.func @transform_3(%arg0: i32, %arg1: i32, %arg2: i32) -> (i32, i32) {
    %c0_i32 = arith.constant 0 : i32
    return %arg0, %arg1 : i32, i32
  }
}

module attributes {stable_mosaic.version = 14 : i64} {
  func.func @kern(%arg0: memref<10112x128xf32, #tpu.memory_space<vmem>>, %arg1: memref<16x10112xf32, #tpu.memory_space<vmem>>, %arg2: memref<16x128xf32, #tpu.memory_space<vmem>>) attributes {dimension_semantics = [], scalar_prefetch = 0 : i64, scratch_operands = 0 : i64, tpu.core_type = #tpu.core_type<tc>} {
    %get3A = arith.constant 0 : index
    %get3A_0 = arith.constant 0 : index
    %get3A_1 = vector.load %arg0[%get3A, %get3A_0] : memref<10112x128xf32, #tpu.memory_space<vmem>>, vector<10112x128xf32>
    %get3A_2 = arith.constant 0 : index
    %get3A_3 = arith.constant 0 : index
    %get3A_4 = vector.load %arg1[%get3A_2, %get3A_3] : memref<16x10112xf32, #tpu.memory_space<vmem>>, vector<1x10112xf32>
    %get3A_5 = vector.shape_cast %get3A_4 : vector<1x10112xf32> to vector<10112xf32>
    %broadcast_in_dim3A = vector.shape_cast %get3A_5 : vector<10112xf32> to vector<10112x1xf32>
    %gt3A = arith.constant 5.000000e-01 : f32
    %gt3A_6 = vector.broadcast %gt3A : f32 to vector<10112x1xf32>
    %gt3A_7 = arith.cmpf ogt, %broadcast_in_dim3A, %gt3A_6 : vector<10112x1xf32>
    %jit3A = arith.constant 0xFF800000 : f32
    %broadcast_in_dim3A_8 = vector.shape_cast %gt3A_7 : vector<10112x1xi1> to vector<10112x1xi1>
    %broadcast_in_dim3A_9 = vector.broadcast %broadcast_in_dim3A_8 : vector<10112x1xi1> to vector<10112x128xi1>
    %broadcast_in_dim3A_10 = vector.broadcast %jit3A : f32 to vector<10112x128xf32>
    %select_n3A = arith.select %broadcast_in_dim3A_9, %get3A_1, %broadcast_in_dim3A_10 : vector<10112x128xi1>, vector<10112x128xf32>
    %reduce_max3A = arith.constant dense<0xFF800000> : vector<128xf32>
    %reduce_max3A_11 = vector.multi_reduction <maximumf>, %select_n3A, %reduce_max3A [0] : vector<10112x128xf32> to vector<128xf32>
    %get3A_12 = arith.constant 1 : index
    %get3A_13 = arith.constant 0 : index
    %get3A_14 = vector.load %arg1[%get3A_12, %get3A_13] : memref<16x10112xf32, #tpu.memory_space<vmem>>, vector<1x10112xf32>
    %get3A_15 = vector.shape_cast %get3A_14 : vector<1x10112xf32> to vector<10112xf32>
    %broadcast_in_dim3A_16 = vector.shape_cast %get3A_15 : vector<10112xf32> to vector<10112x1xf32>
    %gt3A_17 = arith.constant 5.000000e-01 : f32
    %gt3A_18 = vector.broadcast %gt3A_17 : f32 to vector<10112x1xf32>
    %gt3A_19 = arith.cmpf ogt, %broadcast_in_dim3A_16, %gt3A_18 : vector<10112x1xf32>
    %jit3A_20 = arith.constant 0xFF800000 : f32
    %broadcast_in_dim3A_21 = vector.shape_cast %gt3A_19 : vector<10112x1xi1> to vector<10112x1xi1>
    %broadcast_in_dim3A_22 = vector.broadcast %broadcast_in_dim3A_21 : vector<10112x1xi1> to vector<10112x128xi1>
    %broadcast_in_dim3A_23 = vector.broadcast %jit3A_20 : f32 to vector<10112x128xf32>
    %select_n3A_24 = arith.select %broadcast_in_dim3A_22, %get3A_1, %broadcast_in_dim3A_23 : vector<10112x128xi1>, vector<10112x128xf32>
    %reduce_max3A_25 = arith.constant dense<0xFF800000> : vector<128xf32>
    %reduce_max3A_26 = vector.multi_reduction <maximumf>, %select_n3A_24, %reduce_max3A_25 [0] : vector<10112x128xf32> to vector<128xf32>
    %get3A_27 = arith.constant 2 : index
    %get3A_28 = arith.constant 0 : index
    %get3A_29 = vector.load %arg1[%get3A_27, %get3A_28] : memref<16x10112xf32, #tpu.memory_space<vmem>>, vector<1x10112xf32>
    %get3A_30 = vector.shape_cast %get3A_29 : vector<1x10112xf32> to vector<10112xf32>
    %broadcast_in_dim3A_31 = vector.shape_cast %get3A_30 : vector<10112xf32> to vector<10112x1xf32>
    %gt3A_32 = arith.constant 5.000000e-01 : f32
    %gt3A_33 = vector.broadcast %gt3A_32 : f32 to vector<10112x1xf32>
    %gt3A_34 = arith.cmpf ogt, %broadcast_in_dim3A_31, %gt3A_33 : vector<10112x1xf32>
    %jit3A_35 = arith.constant 0xFF800000 : f32
    %broadcast_in_dim3A_36 = vector.shape_cast %gt3A_34 : vector<10112x1xi1> to vector<10112x1xi1>
    %broadcast_in_dim3A_37 = vector.broadcast %broadcast_in_dim3A_36 : vector<10112x1xi1> to vector<10112x128xi1>
    %broadcast_in_dim3A_38 = vector.broadcast %jit3A_35 : f32 to vector<10112x128xf32>
    %select_n3A_39 = arith.select %broadcast_in_dim3A_37, %get3A_1, %broadcast_in_dim3A_38 : vector<10112x128xi1>, vector<10112x128xf32>
    %reduce_max3A_40 = arith.constant dense<0xFF800000> : vector<128xf32>
    %reduce_max3A_41 = vector.multi_reduction <maximumf>, %select_n3A_39, %reduce_max3A_40 [0] : vector<10112x128xf32> to vector<128xf32>
    %get3A_42 = arith.constant 3 : index
    %get3A_43 = arith.constant 0 : index
    %get3A_44 = vector.load %arg1[%get3A_42, %get3A_43] : memref<16x10112xf32, #tpu.memory_space<vmem>>, vector<1x10112xf32>
    %get3A_45 = vector.shape_cast %get3A_44 : vector<1x10112xf32> to vector<10112xf32>
    %broadcast_in_dim3A_46 = vector.shape_cast %get3A_45 : vector<10112xf32> to vector<10112x1xf32>
    %gt3A_47 = arith.constant 5.000000e-01 : f32
    %gt3A_48 = vector.broadcast %gt3A_47 : f32 to vector<10112x1xf32>
    %gt3A_49 = arith.cmpf ogt, %broadcast_in_dim3A_46, %gt3A_48 : vector<10112x1xf32>
    %jit3A_50 = arith.constant 0xFF800000 : f32
    %broadcast_in_dim3A_51 = vector.shape_cast %gt3A_49 : vector<10112x1xi1> to vector<10112x1xi1>
    %broadcast_in_dim3A_52 = vector.broadcast %broadcast_in_dim3A_51 : vector<10112x1xi1> to vector<10112x128xi1>
    %broadcast_in_dim3A_53 = vector.broadcast %jit3A_50 : f32 to vector<10112x128xf32>
    %select_n3A_54 = arith.select %broadcast_in_dim3A_52, %get3A_1, %broadcast_in_dim3A_53 : vector<10112x128xi1>, vector<10112x128xf32>
    %reduce_max3A_55 = arith.constant dense<0xFF800000> : vector<128xf32>
    %reduce_max3A_56 = vector.multi_reduction <maximumf>, %select_n3A_54, %reduce_max3A_55 [0] : vector<10112x128xf32> to vector<128xf32>
    %get3A_57 = arith.constant 4 : index
    %get3A_58 = arith.constant 0 : index
    %get3A_59 = vector.load %arg1[%get3A_57, %get3A_58] : memref<16x10112xf32, #tpu.memory_space<vmem>>, vector<1x10112xf32>
    %get3A_60 = vector.shape_cast %get3A_59 : vector<1x10112xf32> to vector<10112xf32>
    %broadcast_in_dim3A_61 = vector.shape_cast %get3A_60 : vector<10112xf32> to vector<10112x1xf32>
    %gt3A_62 = arith.constant 5.000000e-01 : f32
    %gt3A_63 = vector.broadcast %gt3A_62 : f32 to vector<10112x1xf32>
    %gt3A_64 = arith.cmpf ogt, %broadcast_in_dim3A_61, %gt3A_63 : vector<10112x1xf32>
    %jit3A_65 = arith.constant 0xFF800000 : f32
    %broadcast_in_dim3A_66 = vector.shape_cast %gt3A_64 : vector<10112x1xi1> to vector<10112x1xi1>
    %broadcast_in_dim3A_67 = vector.broadcast %broadcast_in_dim3A_66 : vector<10112x1xi1> to vector<10112x128xi1>
    %broadcast_in_dim3A_68 = vector.broadcast %jit3A_65 : f32 to vector<10112x128xf32>
    %select_n3A_69 = arith.select %broadcast_in_dim3A_67, %get3A_1, %broadcast_in_dim3A_68 : vector<10112x128xi1>, vector<10112x128xf32>
    %reduce_max3A_70 = arith.constant dense<0xFF800000> : vector<128xf32>
    %reduce_max3A_71 = vector.multi_reduction <maximumf>, %select_n3A_69, %reduce_max3A_70 [0] : vector<10112x128xf32> to vector<128xf32>
    %get3A_72 = arith.constant 5 : index
    %get3A_73 = arith.constant 0 : index
    %get3A_74 = vector.load %arg1[%get3A_72, %get3A_73] : memref<16x10112xf32, #tpu.memory_space<vmem>>, vector<1x10112xf32>
    %get3A_75 = vector.shape_cast %get3A_74 : vector<1x10112xf32> to vector<10112xf32>
    %broadcast_in_dim3A_76 = vector.shape_cast %get3A_75 : vector<10112xf32> to vector<10112x1xf32>
    %gt3A_77 = arith.constant 5.000000e-01 : f32
    %gt3A_78 = vector.broadcast %gt3A_77 : f32 to vector<10112x1xf32>
    %gt3A_79 = arith.cmpf ogt, %broadcast_in_dim3A_76, %gt3A_78 : vector<10112x1xf32>
    %jit3A_80 = arith.constant 0xFF800000 : f32
    %broadcast_in_dim3A_81 = vector.shape_cast %gt3A_79 : vector<10112x1xi1> to vector<10112x1xi1>
    %broadcast_in_dim3A_82 = vector.broadcast %broadcast_in_dim3A_81 : vector<10112x1xi1> to vector<10112x128xi1>
    %broadcast_in_dim3A_83 = vector.broadcast %jit3A_80 : f32 to vector<10112x128xf32>
    %select_n3A_84 = arith.select %broadcast_in_dim3A_82, %get3A_1, %broadcast_in_dim3A_83 : vector<10112x128xi1>, vector<10112x128xf32>
    %reduce_max3A_85 = arith.constant dense<0xFF800000> : vector<128xf32>
    %reduce_max3A_86 = vector.multi_reduction <maximumf>, %select_n3A_84, %reduce_max3A_85 [0] : vector<10112x128xf32> to vector<128xf32>
    %get3A_87 = arith.constant 6 : index
    %get3A_88 = arith.constant 0 : index
    %get3A_89 = vector.load %arg1[%get3A_87, %get3A_88] : memref<16x10112xf32, #tpu.memory_space<vmem>>, vector<1x10112xf32>
    %get3A_90 = vector.shape_cast %get3A_89 : vector<1x10112xf32> to vector<10112xf32>
    %broadcast_in_dim3A_91 = vector.shape_cast %get3A_90 : vector<10112xf32> to vector<10112x1xf32>
    %gt3A_92 = arith.constant 5.000000e-01 : f32
    %gt3A_93 = vector.broadcast %gt3A_92 : f32 to vector<10112x1xf32>
    %gt3A_94 = arith.cmpf ogt, %broadcast_in_dim3A_91, %gt3A_93 : vector<10112x1xf32>
    %jit3A_95 = arith.constant 0xFF800000 : f32
    %broadcast_in_dim3A_96 = vector.shape_cast %gt3A_94 : vector<10112x1xi1> to vector<10112x1xi1>
    %broadcast_in_dim3A_97 = vector.broadcast %broadcast_in_dim3A_96 : vector<10112x1xi1> to vector<10112x128xi1>
    %broadcast_in_dim3A_98 = vector.broadcast %jit3A_95 : f32 to vector<10112x128xf32>
    %select_n3A_99 = arith.select %broadcast_in_dim3A_97, %get3A_1, %broadcast_in_dim3A_98 : vector<10112x128xi1>, vector<10112x128xf32>
    %reduce_max3A_100 = arith.constant dense<0xFF800000> : vector<128xf32>
    %reduce_max3A_101 = vector.multi_reduction <maximumf>, %select_n3A_99, %reduce_max3A_100 [0] : vector<10112x128xf32> to vector<128xf32>
    %get3A_102 = arith.constant 7 : index
    %get3A_103 = arith.constant 0 : index
    %get3A_104 = vector.load %arg1[%get3A_102, %get3A_103] : memref<16x10112xf32, #tpu.memory_space<vmem>>, vector<1x10112xf32>
    %get3A_105 = vector.shape_cast %get3A_104 : vector<1x10112xf32> to vector<10112xf32>
    %broadcast_in_dim3A_106 = vector.shape_cast %get3A_105 : vector<10112xf32> to vector<10112x1xf32>
    %gt3A_107 = arith.constant 5.000000e-01 : f32
    %gt3A_108 = vector.broadcast %gt3A_107 : f32 to vector<10112x1xf32>
    %gt3A_109 = arith.cmpf ogt, %broadcast_in_dim3A_106, %gt3A_108 : vector<10112x1xf32>
    %jit3A_110 = arith.constant 0xFF800000 : f32
    %broadcast_in_dim3A_111 = vector.shape_cast %gt3A_109 : vector<10112x1xi1> to vector<10112x1xi1>
    %broadcast_in_dim3A_112 = vector.broadcast %broadcast_in_dim3A_111 : vector<10112x1xi1> to vector<10112x128xi1>
    %broadcast_in_dim3A_113 = vector.broadcast %jit3A_110 : f32 to vector<10112x128xf32>
    %select_n3A_114 = arith.select %broadcast_in_dim3A_112, %get3A_1, %broadcast_in_dim3A_113 : vector<10112x128xi1>, vector<10112x128xf32>
    %reduce_max3A_115 = arith.constant dense<0xFF800000> : vector<128xf32>
    %reduce_max3A_116 = vector.multi_reduction <maximumf>, %select_n3A_114, %reduce_max3A_115 [0] : vector<10112x128xf32> to vector<128xf32>
    %get3A_117 = arith.constant 8 : index
    %get3A_118 = arith.constant 0 : index
    %get3A_119 = vector.load %arg1[%get3A_117, %get3A_118] : memref<16x10112xf32, #tpu.memory_space<vmem>>, vector<1x10112xf32>
    %get3A_120 = vector.shape_cast %get3A_119 : vector<1x10112xf32> to vector<10112xf32>
    %broadcast_in_dim3A_121 = vector.shape_cast %get3A_120 : vector<10112xf32> to vector<10112x1xf32>
    %gt3A_122 = arith.constant 5.000000e-01 : f32
    %gt3A_123 = vector.broadcast %gt3A_122 : f32 to vector<10112x1xf32>
    %gt3A_124 = arith.cmpf ogt, %broadcast_in_dim3A_121, %gt3A_123 : vector<10112x1xf32>
    %jit3A_125 = arith.constant 0xFF800000 : f32
    %broadcast_in_dim3A_126 = vector.shape_cast %gt3A_124 : vector<10112x1xi1> to vector<10112x1xi1>
    %broadcast_in_dim3A_127 = vector.broadcast %broadcast_in_dim3A_126 : vector<10112x1xi1> to vector<10112x128xi1>
    %broadcast_in_dim3A_128 = vector.broadcast %jit3A_125 : f32 to vector<10112x128xf32>
    %select_n3A_129 = arith.select %broadcast_in_dim3A_127, %get3A_1, %broadcast_in_dim3A_128 : vector<10112x128xi1>, vector<10112x128xf32>
    %reduce_max3A_130 = arith.constant dense<0xFF800000> : vector<128xf32>
    %reduce_max3A_131 = vector.multi_reduction <maximumf>, %select_n3A_129, %reduce_max3A_130 [0] : vector<10112x128xf32> to vector<128xf32>
    %get3A_132 = arith.constant 9 : index
    %get3A_133 = arith.constant 0 : index
    %get3A_134 = vector.load %arg1[%get3A_132, %get3A_133] : memref<16x10112xf32, #tpu.memory_space<vmem>>, vector<1x10112xf32>
    %get3A_135 = vector.shape_cast %get3A_134 : vector<1x10112xf32> to vector<10112xf32>
    %broadcast_in_dim3A_136 = vector.shape_cast %get3A_135 : vector<10112xf32> to vector<10112x1xf32>
    %gt3A_137 = arith.constant 5.000000e-01 : f32
    %gt3A_138 = vector.broadcast %gt3A_137 : f32 to vector<10112x1xf32>
    %gt3A_139 = arith.cmpf ogt, %broadcast_in_dim3A_136, %gt3A_138 : vector<10112x1xf32>
    %jit3A_140 = arith.constant 0xFF800000 : f32
    %broadcast_in_dim3A_141 = vector.shape_cast %gt3A_139 : vector<10112x1xi1> to vector<10112x1xi1>
    %broadcast_in_dim3A_142 = vector.broadcast %broadcast_in_dim3A_141 : vector<10112x1xi1> to vector<10112x128xi1>
    %broadcast_in_dim3A_143 = vector.broadcast %jit3A_140 : f32 to vector<10112x128xf32>
    %select_n3A_144 = arith.select %broadcast_in_dim3A_142, %get3A_1, %broadcast_in_dim3A_143 : vector<10112x128xi1>, vector<10112x128xf32>
    %reduce_max3A_145 = arith.constant dense<0xFF800000> : vector<128xf32>
    %reduce_max3A_146 = vector.multi_reduction <maximumf>, %select_n3A_144, %reduce_max3A_145 [0] : vector<10112x128xf32> to vector<128xf32>
    %get3A_147 = arith.constant 10 : index
    %get3A_148 = arith.constant 0 : index
    %get3A_149 = vector.load %arg1[%get3A_147, %get3A_148] : memref<16x10112xf32, #tpu.memory_space<vmem>>, vector<1x10112xf32>
    %get3A_150 = vector.shape_cast %get3A_149 : vector<1x10112xf32> to vector<10112xf32>
    %broadcast_in_dim3A_151 = vector.shape_cast %get3A_150 : vector<10112xf32> to vector<10112x1xf32>
    %gt3A_152 = arith.constant 5.000000e-01 : f32
    %gt3A_153 = vector.broadcast %gt3A_152 : f32 to vector<10112x1xf32>
    %gt3A_154 = arith.cmpf ogt, %broadcast_in_dim3A_151, %gt3A_153 : vector<10112x1xf32>
    %jit3A_155 = arith.constant 0xFF800000 : f32
    %broadcast_in_dim3A_156 = vector.shape_cast %gt3A_154 : vector<10112x1xi1> to vector<10112x1xi1>
    %broadcast_in_dim3A_157 = vector.broadcast %broadcast_in_dim3A_156 : vector<10112x1xi1> to vector<10112x128xi1>
    %broadcast_in_dim3A_158 = vector.broadcast %jit3A_155 : f32 to vector<10112x128xf32>
    %select_n3A_159 = arith.select %broadcast_in_dim3A_157, %get3A_1, %broadcast_in_dim3A_158 : vector<10112x128xi1>, vector<10112x128xf32>
    %reduce_max3A_160 = arith.constant dense<0xFF800000> : vector<128xf32>
    %reduce_max3A_161 = vector.multi_reduction <maximumf>, %select_n3A_159, %reduce_max3A_160 [0] : vector<10112x128xf32> to vector<128xf32>
    %get3A_162 = arith.constant 11 : index
    %get3A_163 = arith.constant 0 : index
    %get3A_164 = vector.load %arg1[%get3A_162, %get3A_163] : memref<16x10112xf32, #tpu.memory_space<vmem>>, vector<1x10112xf32>
    %get3A_165 = vector.shape_cast %get3A_164 : vector<1x10112xf32> to vector<10112xf32>
    %broadcast_in_dim3A_166 = vector.shape_cast %get3A_165 : vector<10112xf32> to vector<10112x1xf32>
    %gt3A_167 = arith.constant 5.000000e-01 : f32
    %gt3A_168 = vector.broadcast %gt3A_167 : f32 to vector<10112x1xf32>
    %gt3A_169 = arith.cmpf ogt, %broadcast_in_dim3A_166, %gt3A_168 : vector<10112x1xf32>
    %jit3A_170 = arith.constant 0xFF800000 : f32
    %broadcast_in_dim3A_171 = vector.shape_cast %gt3A_169 : vector<10112x1xi1> to vector<10112x1xi1>
    %broadcast_in_dim3A_172 = vector.broadcast %broadcast_in_dim3A_171 : vector<10112x1xi1> to vector<10112x128xi1>
    %broadcast_in_dim3A_173 = vector.broadcast %jit3A_170 : f32 to vector<10112x128xf32>
    %select_n3A_174 = arith.select %broadcast_in_dim3A_172, %get3A_1, %broadcast_in_dim3A_173 : vector<10112x128xi1>, vector<10112x128xf32>
    %reduce_max3A_175 = arith.constant dense<0xFF800000> : vector<128xf32>
    %reduce_max3A_176 = vector.multi_reduction <maximumf>, %select_n3A_174, %reduce_max3A_175 [0] : vector<10112x128xf32> to vector<128xf32>
    %get3A_177 = arith.constant 12 : index
    %get3A_178 = arith.constant 0 : index
    %get3A_179 = vector.load %arg1[%get3A_177, %get3A_178] : memref<16x10112xf32, #tpu.memory_space<vmem>>, vector<1x10112xf32>
    %get3A_180 = vector.shape_cast %get3A_179 : vector<1x10112xf32> to vector<10112xf32>
    %broadcast_in_dim3A_181 = vector.shape_cast %get3A_180 : vector<10112xf32> to vector<10112x1xf32>
    %gt3A_182 = arith.constant 5.000000e-01 : f32
    %gt3A_183 = vector.broadcast %gt3A_182 : f32 to vector<10112x1xf32>
    %gt3A_184 = arith.cmpf ogt, %broadcast_in_dim3A_181, %gt3A_183 : vector<10112x1xf32>
    %jit3A_185 = arith.constant 0xFF800000 : f32
    %broadcast_in_dim3A_186 = vector.shape_cast %gt3A_184 : vector<10112x1xi1> to vector<10112x1xi1>
    %broadcast_in_dim3A_187 = vector.broadcast %broadcast_in_dim3A_186 : vector<10112x1xi1> to vector<10112x128xi1>
    %broadcast_in_dim3A_188 = vector.broadcast %jit3A_185 : f32 to vector<10112x128xf32>
    %select_n3A_189 = arith.select %broadcast_in_dim3A_187, %get3A_1, %broadcast_in_dim3A_188 : vector<10112x128xi1>, vector<10112x128xf32>
    %reduce_max3A_190 = arith.constant dense<0xFF800000> : vector<128xf32>
    %reduce_max3A_191 = vector.multi_reduction <maximumf>, %select_n3A_189, %reduce_max3A_190 [0] : vector<10112x128xf32> to vector<128xf32>
    %get3A_192 = arith.constant 13 : index
    %get3A_193 = arith.constant 0 : index
    %get3A_194 = vector.load %arg1[%get3A_192, %get3A_193] : memref<16x10112xf32, #tpu.memory_space<vmem>>, vector<1x10112xf32>
    %get3A_195 = vector.shape_cast %get3A_194 : vector<1x10112xf32> to vector<10112xf32>
    %broadcast_in_dim3A_196 = vector.shape_cast %get3A_195 : vector<10112xf32> to vector<10112x1xf32>
    %gt3A_197 = arith.constant 5.000000e-01 : f32
    %gt3A_198 = vector.broadcast %gt3A_197 : f32 to vector<10112x1xf32>
    %gt3A_199 = arith.cmpf ogt, %broadcast_in_dim3A_196, %gt3A_198 : vector<10112x1xf32>
    %jit3A_200 = arith.constant 0xFF800000 : f32
    %broadcast_in_dim3A_201 = vector.shape_cast %gt3A_199 : vector<10112x1xi1> to vector<10112x1xi1>
    %broadcast_in_dim3A_202 = vector.broadcast %broadcast_in_dim3A_201 : vector<10112x1xi1> to vector<10112x128xi1>
    %broadcast_in_dim3A_203 = vector.broadcast %jit3A_200 : f32 to vector<10112x128xf32>
    %select_n3A_204 = arith.select %broadcast_in_dim3A_202, %get3A_1, %broadcast_in_dim3A_203 : vector<10112x128xi1>, vector<10112x128xf32>
    %reduce_max3A_205 = arith.constant dense<0xFF800000> : vector<128xf32>
    %reduce_max3A_206 = vector.multi_reduction <maximumf>, %select_n3A_204, %reduce_max3A_205 [0] : vector<10112x128xf32> to vector<128xf32>
    %get3A_207 = arith.constant 14 : index
    %get3A_208 = arith.constant 0 : index
    %get3A_209 = vector.load %arg1[%get3A_207, %get3A_208] : memref<16x10112xf32, #tpu.memory_space<vmem>>, vector<1x10112xf32>
    %get3A_210 = vector.shape_cast %get3A_209 : vector<1x10112xf32> to vector<10112xf32>
    %broadcast_in_dim3A_211 = vector.shape_cast %get3A_210 : vector<10112xf32> to vector<10112x1xf32>
    %gt3A_212 = arith.constant 5.000000e-01 : f32
    %gt3A_213 = vector.broadcast %gt3A_212 : f32 to vector<10112x1xf32>
    %gt3A_214 = arith.cmpf ogt, %broadcast_in_dim3A_211, %gt3A_213 : vector<10112x1xf32>
    %jit3A_215 = arith.constant 0xFF800000 : f32
    %broadcast_in_dim3A_216 = vector.shape_cast %gt3A_214 : vector<10112x1xi1> to vector<10112x1xi1>
    %broadcast_in_dim3A_217 = vector.broadcast %broadcast_in_dim3A_216 : vector<10112x1xi1> to vector<10112x128xi1>
    %broadcast_in_dim3A_218 = vector.broadcast %jit3A_215 : f32 to vector<10112x128xf32>
    %select_n3A_219 = arith.select %broadcast_in_dim3A_217, %get3A_1, %broadcast_in_dim3A_218 : vector<10112x128xi1>, vector<10112x128xf32>
    %reduce_max3A_220 = arith.constant dense<0xFF800000> : vector<128xf32>
    %reduce_max3A_221 = vector.multi_reduction <maximumf>, %select_n3A_219, %reduce_max3A_220 [0] : vector<10112x128xf32> to vector<128xf32>
    %get3A_222 = arith.constant 15 : index
    %get3A_223 = arith.constant 0 : index
    %get3A_224 = vector.load %arg1[%get3A_222, %get3A_223] : memref<16x10112xf32, #tpu.memory_space<vmem>>, vector<1x10112xf32>
    %get3A_225 = vector.shape_cast %get3A_224 : vector<1x10112xf32> to vector<10112xf32>
    %broadcast_in_dim3A_226 = vector.shape_cast %get3A_225 : vector<10112xf32> to vector<10112x1xf32>
    %gt3A_227 = arith.constant 5.000000e-01 : f32
    %gt3A_228 = vector.broadcast %gt3A_227 : f32 to vector<10112x1xf32>
    %gt3A_229 = arith.cmpf ogt, %broadcast_in_dim3A_226, %gt3A_228 : vector<10112x1xf32>
    %jit3A_230 = arith.constant 0xFF800000 : f32
    %broadcast_in_dim3A_231 = vector.shape_cast %gt3A_229 : vector<10112x1xi1> to vector<10112x1xi1>
    %broadcast_in_dim3A_232 = vector.broadcast %broadcast_in_dim3A_231 : vector<10112x1xi1> to vector<10112x128xi1>
    %broadcast_in_dim3A_233 = vector.broadcast %jit3A_230 : f32 to vector<10112x128xf32>
    %select_n3A_234 = arith.select %broadcast_in_dim3A_232, %get3A_1, %broadcast_in_dim3A_233 : vector<10112x128xi1>, vector<10112x128xf32>
    %reduce_max3A_235 = arith.constant dense<0xFF800000> : vector<128xf32>
    %reduce_max3A_236 = vector.multi_reduction <maximumf>, %select_n3A_234, %reduce_max3A_235 [0] : vector<10112x128xf32> to vector<128xf32>
    %stack3A = vector.shape_cast %reduce_max3A_11 : vector<128xf32> to vector<1x128xf32>
    %stack3A_237 = vector.shape_cast %reduce_max3A_26 : vector<128xf32> to vector<1x128xf32>
    %stack3A_238 = vector.shape_cast %reduce_max3A_41 : vector<128xf32> to vector<1x128xf32>
    %stack3A_239 = vector.shape_cast %reduce_max3A_56 : vector<128xf32> to vector<1x128xf32>
    %stack3A_240 = vector.shape_cast %reduce_max3A_71 : vector<128xf32> to vector<1x128xf32>
    %stack3A_241 = vector.shape_cast %reduce_max3A_86 : vector<128xf32> to vector<1x128xf32>
    %stack3A_242 = vector.shape_cast %reduce_max3A_101 : vector<128xf32> to vector<1x128xf32>
    %stack3A_243 = vector.shape_cast %reduce_max3A_116 : vector<128xf32> to vector<1x128xf32>
    %stack3A_244 = vector.shape_cast %reduce_max3A_131 : vector<128xf32> to vector<1x128xf32>
    %stack3A_245 = vector.shape_cast %reduce_max3A_146 : vector<128xf32> to vector<1x128xf32>
    %stack3A_246 = vector.shape_cast %reduce_max3A_161 : vector<128xf32> to vector<1x128xf32>
    %stack3A_247 = vector.shape_cast %reduce_max3A_176 : vector<128xf32> to vector<1x128xf32>
    %stack3A_248 = vector.shape_cast %reduce_max3A_191 : vector<128xf32> to vector<1x128xf32>
    %stack3A_249 = vector.shape_cast %reduce_max3A_206 : vector<128xf32> to vector<1x128xf32>
    %stack3A_250 = vector.shape_cast %reduce_max3A_221 : vector<128xf32> to vector<1x128xf32>
    %stack3A_251 = vector.shape_cast %reduce_max3A_236 : vector<128xf32> to vector<1x128xf32>
    %stack3A_252 = tpu.concatenate %stack3A, %stack3A_237, %stack3A_238, %stack3A_239, %stack3A_240, %stack3A_241, %stack3A_242, %stack3A_243, %stack3A_244, %stack3A_245, %stack3A_246, %stack3A_247, %stack3A_248, %stack3A_249, %stack3A_250, %stack3A_251 in 0 : vector<1x128xf32>, vector<1x128xf32>, vector<1x128xf32>, vector<1x128xf32>, vector<1x128xf32>, vector<1x128xf32>, vector<1x128xf32>, vector<1x128xf32>, vector<1x128xf32>, vector<1x128xf32>, vector<1x128xf32>, vector<1x128xf32>, vector<1x128xf32>, vector<1x128xf32>, vector<1x128xf32>, vector<1x128xf32> -> vector<16x128xf32>
    %swap3A = arith.constant 0 : index
    %swap3A_253 = arith.constant 0 : index
    %swap3A_254 = vector.load %arg2[%swap3A, %swap3A_253] : memref<16x128xf32, #tpu.memory_space<vmem>>, vector<16x128xf32>
    tpu.vector_store %arg2[%swap3A, %swap3A_253], %stack3A_252 {strides = array<i32>} : memref<16x128xf32, #tpu.memory_space<vmem>>, vector<16x128xf32>,
    return
  }
}

module attributes {stable_mosaic.version = 14 : i64} {
  func.func @kern(%arg0: i32, %arg1: i32, %arg2: i32, %arg3: memref<16x640xf32, #tpu.memory_space<vmem>>, %arg4: memref<640x128xf32, #tpu.memory_space<vmem>>, %arg5: memref<1x128xf32, #tpu.memory_space<vmem>>, %arg6: memref<16x128xf32, #tpu.memory_space<vmem>>) attributes {dimension_semantics = [#tpu.dimension_semantics<parallel>, #tpu.dimension_semantics<parallel>, #tpu.dimension_semantics<arbitrary>], iteration_bounds = array<i64: 1, 1, 1>, scalar_prefetch = 0 : i64, scratch_operands = 0 : i64, tpu.core_type = #tpu.core_type<tc>, window_params = [{transform_indices = @transform_0, window_bounds = array<i64: 16, 640>}, {transform_indices = @transform_1, window_bounds = array<i64: 640, 128>}, {transform_indices = @transform_2, window_bounds = array<i64: 1, 128>}, {transform_indices = @transform_3, window_bounds = array<i64: 16, 128>}]} {
    %eq3A = arith.constant 0 : i32
    %eq3A_0 = arith.cmpi eq, %arg2, %eq3A : i32
    %convert_element_type3A = arith.extui %eq3A_0 : i1 to i32
    %cond3A = arith.constant 0 : i32
    %cond3A_1 = arith.cmpi ne, %convert_element_type3A, %cond3A : i32
    scf.if %cond3A_1 {
      %broadcast_in_dim3A = arith.constant 0.000000e+00 : f32
      %broadcast_in_dim3A_18 = vector.broadcast %broadcast_in_dim3A : f32 to vector<16x128xf32>
      %swap3A_19 = arith.constant 0 : index
      %swap3A_20 = arith.constant 0 : index
      %swap3A_21 = vector.load %arg6[%swap3A_19, %swap3A_20] : memref<16x128xf32, #tpu.memory_space<vmem>>, vector<16x128xf32>
      tpu.vector_store %arg6[%swap3A_19, %swap3A_20], %broadcast_in_dim3A_18 {strides = array<i32>} : memref<16x128xf32, #tpu.memory_space<vmem>>, vector<16x128xf32>,
    } else {
    }
    %get3A = arith.constant 0 : index
    %get3A_2 = arith.constant 0 : index
    %get3A_3 = vector.load %arg3[%get3A, %get3A_2] : memref<16x640xf32, #tpu.memory_space<vmem>>, vector<16x640xf32>
    %get3A_4 = arith.constant 0 : index
    %get3A_5 = arith.constant 0 : index
    %get3A_6 = vector.load %arg4[%get3A_4, %get3A_5] : memref<640x128xf32, #tpu.memory_space<vmem>>, vector<640x128xf32>
    %get3A_7 = arith.constant 0 : index
    %get3A_8 = arith.constant 0 : index
    %get3A_9 = vector.load %arg6[%get3A_7, %get3A_8] : memref<16x128xf32, #tpu.memory_space<vmem>>, vector<16x128xf32>
    %dot_general3A = arith.constant dense<0.000000e+00> : vector<16x128xf32>
    %dot_general3A_10 = tpu.matmul %get3A_3, %get3A_6, %dot_general3A {dimension_numbers = #tpu.dot_dimension_numbers<[1], [0], [0], [1], [0, 0, 1, 1], [], []>, transpose_lhs_hint = false} : vector<16x640xf32>, vector<640x128xf32>, vector<16x128xf32> -> vector<16x128xf32>
    %add3A = arith.addf %get3A_9, %dot_general3A_10 : vector<16x128xf32>
    %swap3A = arith.constant 0 : index
    %swap3A_11 = arith.constant 0 : index
    %swap3A_12 = vector.load %arg6[%swap3A, %swap3A_11] : memref<16x128xf32, #tpu.memory_space<vmem>>, vector<16x128xf32>
    tpu.vector_store %arg6[%swap3A, %swap3A_11], %add3A {strides = array<i32>} : memref<16x128xf32, #tpu.memory_space<vmem>>, vector<16x128xf32>,
    %eq3A_13 = arith.constant 0 : i32
    %eq3A_14 = arith.cmpi eq, %arg2, %eq3A_13 : i32
    %convert_element_type3A_15 = arith.extui %eq3A_14 : i1 to i32
    %cond3A_16 = arith.constant 0 : i32
    %cond3A_17 = arith.cmpi ne, %convert_element_type3A_15, %cond3A_16 : i32
    scf.if %cond3A_17 {
      %get3A_18 = arith.constant 0 : index
      %get3A_19 = arith.constant 0 : index
      %get3A_20 = vector.load %arg6[%get3A_18, %get3A_19] : memref<16x128xf32, #tpu.memory_space<vmem>>, vector<16x128xf32>
      %get3A_21 = arith.constant 0 : index
      %get3A_22 = arith.constant 0 : index
      %get3A_23 = vector.load %arg5[%get3A_21, %get3A_22] : memref<1x128xf32, #tpu.memory_space<vmem>>, vector<1x128xf32>
      %add3A_24 = vector.broadcast %get3A_23 : vector<1x128xf32> to vector<16x128xf32>
      %add3A_25 = arith.addf %get3A_20, %add3A_24 : vector<16x128xf32>
      %iota3A = tpu.iota {dimensions = array<i32: 1>} : vector<16x128xi32>
      %lt3A = arith.constant 4 : i32
      %lt3A_26 = vector.broadcast %lt3A : i32 to vector<16x128xi32>
      %lt3A_27 = arith.cmpi slt, %iota3A, %lt3A_26 : vector<16x128xi32>
      %jit3A = arith.constant 0xFF800000 : f32
      %broadcast_in_dim3A = vector.broadcast %jit3A : f32 to vector<16x128xf32>
      %select_n3A = arith.select %lt3A_27, %add3A_25, %broadcast_in_dim3A : vector<16x128xi1>, vector<16x128xf32>
      %reduce_max3A = arith.constant dense<0xFF800000> : vector<16xf32>
      %reduce_max3A_28 = vector.multi_reduction <maximumf>, %select_n3A, %reduce_max3A [1] : vector<16x128xf32> to vector<16xf32>
      %broadcast_in_dim3A_29 = vector.shape_cast %reduce_max3A_28 : vector<16xf32> to vector<16x1xf32>
      %sub3A = vector.broadcast %broadcast_in_dim3A_29 : vector<16x1xf32> to vector<16x128xf32>
      %sub3A_30 = arith.subf %select_n3A, %sub3A : vector<16x128xf32>
      %exp3A = math.exp %sub3A_30 : vector<16x128xf32>
      %jit3A_31 = arith.constant 0.000000e+00 : f32
      %broadcast_in_dim3A_32 = vector.broadcast %jit3A_31 : f32 to vector<16x128xf32>
      %select_n3A_33 = arith.select %lt3A_27, %exp3A, %broadcast_in_dim3A_32 : vector<16x128xi1>, vector<16x128xf32>
      %reduce_sum3A = arith.constant dense<0.000000e+00> : vector<16xf32>
      %reduce_sum3A_34 = vector.multi_reduction <add>, %select_n3A_33, %reduce_sum3A [1] : vector<16x128xf32> to vector<16xf32>
      %broadcast_in_dim3A_35 = vector.shape_cast %reduce_sum3A_34 : vector<16xf32> to vector<16x1xf32>
      %log3A = math.log %broadcast_in_dim3A_35 : vector<16x1xf32>
      %add3A_36 = arith.addf %broadcast_in_dim3A_29, %log3A : vector<16x1xf32>
      %sub3A_37 = vector.broadcast %add3A_36 : vector<16x1xf32> to vector<16x128xf32>
      %sub3A_38 = arith.subf %select_n3A, %sub3A_37 : vector<16x128xf32>
      %swap3A_39 = arith.constant 0 : index
      %swap3A_40 = arith.constant 0 : index
      %swap3A_41 = vector.load %arg6[%swap3A_39, %swap3A_40] : memref<16x128xf32, #tpu.memory_space<vmem>>, vector<16x128xf32>
      tpu.vector_store %arg6[%swap3A_39, %swap3A_40], %sub3A_38 {strides = array<i32>} : memref<16x128xf32, #tpu.memory_space<vmem>>, vector<16x128xf32>,
    } else {
    }
    return
  }
  func.func @transform_0(%arg0: i32, %arg1: i32, %arg2: i32) -> (i32, i32) {
    %c0_i32 = arith.constant 0 : i32
    return %arg0, %arg2 : i32, i32
  }
  func.func @transform_1(%arg0: i32, %arg1: i32, %arg2: i32) -> (i32, i32) {
    %c0_i32 = arith.constant 0 : i32
    return %arg2, %arg1 : i32, i32
  }
  func.func @transform_2(%arg0: i32, %arg1: i32, %arg2: i32) -> (i32, i32) {
    %c0_i32 = arith.constant 0 : i32
    %c0_i32_0 = arith.constant 0 : i32
    return %c0_i32, %arg1 : i32, i32
  }
  func.func @transform_3(%arg0: i32, %arg1: i32, %arg2: i32) -> (i32, i32) {
    %c0_i32 = arith.constant 0 : i32
    return %arg0, %arg1 : i32, i32
  }
}

</mosaic_0001>

<sc_bundles>
// kernel: kernel.28.cloned.1.call-start
scs
__scs_entry_jumppad:
0x0: {  	(pc) =	sbr.rel $0x88, $3  }
0x1: {  	(tag) =	ssettag $0x0;
	lr =	simm.s32 $0x1  }
0x2: {  	[smem:$0x3F8B] =	sst lr;
	_ =	strace $0xD0000000  }
0x3: {  	_ = 	snop  }
0x4: {  	_ = 	snop  }
0x5: {  	_ = 	snop  }
0x6: {  	_ = 	snop  }
0x7: {  	_ = 	snop  }
__scs_overlays_trampoline_lowered:
0x8: {  	[smem:$0x3F9A] =	sst s0  }
0x9: {  	[smem:$0x3F9B] =	sst s1  }
0xa: {  	[smem:$0x3F9C] =	sst s2  }
0xb: {  	[smem:$0x3F9D] =	sst s3  }
0xc: {  	[smem:$0x3F9E] =	sst s4  }
0xd: {  	[smem:$0x3F9F] =	sst s5  }
0xe: {  	[smem:$0x3FA0] =	sst s6  }
0xf: {  	[smem:$0x3FA1] =	sst s7  }
0x10: {  	[smem:$0x3FA2] =	sst s8  }
0x11: {  	[smem:$0x3FA3] =	sst s9;
	s0 =	simm.s32 @!p0 $0x0  }
0x12: {  	s1 =	sld [smem:$0x3F89];
	s0 =	simm.s32 @p0 $0x1  }
0x13: {  	[smem:$0x3FA4] =	sst s0;
	s0 =	simm.s32 @!p1 $0x0  }
0x14: {  	s2 =	sld [smem:$0x3F88];
	s0 =	simm.s32 @p1 $0x1  }
0x15: {  	[smem:$0x3FA5] =	sst s0;
	s0 =	simm.s32 @!p2 $0x0  }
0x16: {  	s3 =	sld [smem:$0x3FDB];
	s0 =	simm.s32 @p2 $0x1  }
0x17: {  	s4 =	simm.s32 $0x1BF5;
	[smem:$0x3FA7] =	sst s0  }
0x18: {  	s0 =	sld [smem:$0x3F8A];
	_ =	swait.ge [sflag:s4], $0x0  }
0x19: {  	s7 =	sld [smem:$0x3F8B]  }
0x1a: {  	s8 =	sadd.s32 $0xFFFFE003, lr  }
0x1b: {  	s9 =	sadd.s32 $0xFFFFFEF7, lr;
	s5 =	simm.s32 $0xFFFFFFFF;
	p2 =	slt.u32 s8, $0xFFFFF086  }
0x1c: {  	p1 =	slt.u32 s9, $0xF7A;
	s5 =	simm.s32 @!p2 $0x0  }
0x1d: {  	s5 =	simm.s32 @p1 $0x1;
	p0 =	seq.s32 s7, s2  }
0x1e: {  	s7 =	smul.u32 @!p0 $0xF7A, s2;
	p2 =	seq.s32 @!p0 s5, $0x0  }
0x1f: {  	s9 =	smul.u32 $0xF7A, s1;
	s8 =	simm.s32 @!p0 $0x1BF5;
	p2 =	por !p2, p0  }
0x20: {  	[sflag:s8] =	ssyncset.s32 @!p0 $0xFFFFF086;
	s6 =	sadd.s32 @!p0 s3, s7;
	s7 =	simm.s32 @!p0 $0x108  }
0x21: {  	s3 =	sadd.s32 s3, s9;
	s6 =	sadd.s32 @!p0 $0x88, s6;
	s7 =	simm.s32 @p2 $0x1082  }
0x22: {  	[simem:s7], [sflag:s8] =	dma.local @!p0 [hbm:s6], $0xF7A  }
0x23: {  	s9 =	sor.u32 $0xD0000000, s2;
	s6 =	simm.s32 $0x108;
	_ =	swait.ge @!p0 [sflag:s8], $0x0  }
0x24: {  	s3 =	sadd.s32 $0x88, s3;
	s6 =	simm.s32 @!p1 $0x1082;
	[sflag:s4] =	ssyncset.s32 $0xFFFFF086  }
0x25: {  	[simem:s6], [sflag:s4] =	dma.local [hbm:s3], $0xF7A  }
0x26: {  	[smem:$0x3F8B] =	sst s1;
	(tag) =	ssettag s2;
	_ =	strace s9  }
0x27: {  	s1 =	sld [smem:$0x3F9B]  }
0x28: {  	s2 =	sld [smem:$0x3F9C]  }
0x29: {  	s4 =	sld [smem:$0x3F9E]  }
0x2a: {  	p0 =	seq.s32 s5, $0x0;
	s5 =	sld [smem:$0x3F9F]  }
0x2b: {  	s6 =	sld [smem:$0x3FA0]  }
0x2c: {  	s7 =	sld [smem:$0x3FA1]  }
0x2d: {  	s3 =	simm.s32 $0x108;
	s8 =	sld [smem:$0x3FA2]  }
0x2e: {  	s3 =	simm.s32 @!p0 $0x1082;
	s9 =	sld [smem:$0x3FA3]  }
0x2f: {  	lr =	sadd.s32 s0, s3;
	s0 =	sld [smem:$0x3F9A]  }
0x30: {  	s3 =	sld [smem:$0x3F9D]  }
0x31: {  	[smem:$0x3FA6] =	sst s10  }
0x32: {  	s10 =	sld [smem:$0x3FA4];
	_ =	sdelay $0x3  }
0x33: {  	p0 =	seq.s32 s10, $0x1;
	s10 =	sld [smem:$0x3FA6];
	_ =	sdelay $0x3  }
0x34: {  	[smem:$0x3FA6] =	sst s10  }
0x35: {  	s10 =	sld [smem:$0x3FA5];
	_ =	sdelay $0x3  }
0x36: {  	p1 =	seq.s32 s10, $0x1;
	s10 =	sld [smem:$0x3FA6];
	_ =	sdelay $0x3  }
0x37: {  	[smem:$0x3FA6] =	sst s10  }
0x38: {  	s10 =	sld [smem:$0x3FA7]  }
0x39: {  	_ = 	snop;
	(pc) =	sbr.ind lr, $3  }
0x3a: {  	_ = 	snop  }
0x3b: {  	_ = 	snop  }
0x3c: {  	p2 =	seq.s32 s10, $0x1;
	s10 =	sld [smem:$0x3FA6]  }
0x3d: {  	_ =	shalt  }
0x3e: {  	_ =	shalt  }
0x3f: {  	_ =	shalt  }
0x40: {  	_ =	shalt  }
0x41: {  	_ =	shalt  }
0x42: {  	_ =	shalt  }
0x43: {  	_ =	shalt  }
0x44: {  	_ =	shalt  }
0x45: {  	_ =	shalt  }
0x46: {  	_ =	shalt  }
0x47: {  	_ =	shalt  }
0x48: {  	_ =	shalt  }
0x49: {  	_ =	shalt  }
0x4a: {  	_ =	shalt  }
0x4b: {  	_ =	shalt  }
0x4c: {  	_ =	shalt  }
0x4d: {  	_ =	shalt  }
0x4e: {  	_ =	shalt  }
0x4f: {  	_ =	shalt  }
0x50: {  	_ =	shalt  }
0x51: {  	_ =	shalt  }
0x52: {  	_ =	shalt  }
0x53: {  	_ =	shalt  }
0x54: {  	_ =	shalt  }
0x55: {  	_ =	shalt  }
0x56: {  	_ =	shalt  }
0x57: {  	_ =	shalt  }
0x58: {  	_ =	shalt  }
0x59: {  	_ =	shalt  }
0x5a: {  	_ =	shalt  }
0x5b: {  	_ =	shalt  }
0x5c: {  	_ =	shalt  }
0x5d: {  	_ =	shalt  }
0x5e: {  	_ =	shalt  }
0x5f: {  	_ =	shalt  }
0x60: {  	_ =	shalt  }
0x61: {  	_ =	shalt  }
0x62: {  	_ =	shalt  }
0x63: {  	_ =	shalt  }
0x64: {  	_ =	shalt  }
0x65: {  	_ =	shalt  }
0x66: {  	_ =	shalt  }
0x67: {  	_ =	shalt  }
0x68: {  	_ =	shalt  }
0x69: {  	_ =	shalt  }
0x6a: {  	_ =	shalt  }
0x6b: {  	_ =	shalt  }
0x6c: {  	_ =	shalt  }
0x6d: {  	_ =	shalt  }
0x6e: {  	_ =	shalt  }
0x6f: {  	_ =	shalt  }
0x70: {  	_ =	shalt  }
0x71: {  	_ =	shalt  }
0x72: {  	_ =	shalt  }
0x73: {  	_ =	shalt  }
0x74: {  	_ =	shalt  }
0x75: {  	_ =	shalt  }
0x76: {  	_ =	shalt  }
0x77: {  	_ =	shalt  }
0x78: {  	_ =	shalt  }
0x79: {  	_ =	shalt  }
0x7a: {  	_ =	shalt  }
0x7b: {  	_ =	shalt  }
0x7c: {  	_ =	shalt  }
0x7d: {  	_ =	shalt  }
0x7e: {  	_ =	shalt  }
0x7f: {  	_ =	shalt  }
0x80: {  	_ =	shalt  }
0x81: {  	_ =	shalt  }
0x82: {  	_ =	shalt  }
0x83: {  	_ =	shalt  }
0x84: {  	_ =	shalt  }
0x85: {  	_ =	shalt  }
0x86: {  	_ =	shalt  }
0x87: {  	_ =	shalt  }
.Lfunc_end0:
.L_simem_size_0:
called_computation_lowered:
.L_overlay_start_0:
0x88: {  	s2 =	sld [smem:$0x3FD9]  }
0x89: {  	s3 =	sld [smem:$0x3FFE];
	_ =	sdelay $0x1  }
0x8a: {  	s1 =	srdreg.scid  }
0x8b: {  	s0 =	sand.u32 $0x1, s1  }
0x8c: {  	s16 =	sshll.u32 s0, $0xA;
	s2 =	sadd.s32 s3, s2  }
0x8d: {  	s2 =	sadd.s32 s2, s16  }
0x8e: {  	[smem:$0x3FB2] =	sst s2  }
0x8f: {  	_ = 	snop  }
0x90: {  	(tm) =	ssettm $0x1  }
0x91: {  	s17 =	sld [smem:$0x3FFB];
	_ =	sdelay $0x3  }
0x92: {  	_ =	strace s17  }
0x93: {  	s2 =	sld [smem:$0x3FFC];
	_ =	sdelay $0x3  }
0x94: {  	_ =	strace s2  }
0x95: {  	s2 =	sld [smem:$0x3FFD];
	_ =	sdelay $0x3  }
0x96: {  	_ =	strace s2  }
0x97: {  	_ =	strace $0x8FFFFFFF  }
0x98: {  	s18 =	sld [smem:$0x3FDB];
	_ =	sdelay $0x1  }
0x99: {  	s19 =	simm.s32 $_scs_section_size  }
0x9a: {  	s4 =	simm.s32 $_size__tile_overlayer_lowered;
	s5 =	simm.s32 $_tile_overlayer_lowered  }
0x9b: {  	s22 =	simm.s32 $0x1BFF;
	s21 =	sshll.u32 s5, $0x1;
	s2 =	sadd.s32 s19, s18  }
0x9c: {  	s6 =	simm.s32 $0x0;
	s20 =	sshll.u32 s4, $0x1;
	s4 =	sadd.s32 s21, s2  }
0x9d: {  	[timem:s6], [sflag:s22] =	dma.local [hbm:s4], s20  }
0x9e: {  	_ =	swait.ge [sflag:s22], s20  }
0x9f: {  	s3 =	ssub.s32 $0x0, s20;
	[sflag:s22] =	ssyncset.done $0x0  }
0xa0: {  	[sflag:s22] =	ssyncadd.s32 s3;
	_ =	sdelay $0x1  }
0xa1: {  	s23 =	simm.s32 $0x1B8B  }
0xa2: {  	_ =	swait.ge [sflag:s23], $0x1  }
0xa3: {  	[sflag:s23] =	ssyncset.done $0x0  }
0xa4: {  	s25 =	simm.s32 $0x1B8E;
	s24 =	sld [smem:$0x3FFE];
	[sflag:s23] =	ssyncadd.s32 $0xFFFFFFFF  }
0xa5: {  	s26 =	simm.s32 $execute0_lowered;
	[smem:$0x3FD2] =	sst s25  }
0xa6: {  	s4 =	sshll.u32 s26, $0x1;
	_ =	strace $0x80000046;
	[dreg:$0x1] =	wrdreg $0xFFFFFFFF  }
0xa7: {  	s28 =	simm.s32 $_size_execute0_lowered;
	s2 =	sadd.s32 s2, s4;
	[dreg:$0x0] =	wrdreg $0x0  }
0xa8: {  	s4 =	sshll.u32 s28, $0x1;
	[dreg:$0x2] =	wrdreg s2  }
0xa9: {  	[dreg:$0x3] =	wrdreg s4  }
0xaa: {  	[dreg:$0x4] =	wrdreg $0xC0  }
0xab: {  	_ =	task [dreg:s6], $0x5FFFF  }
0xac: {  	[dreg:$0x1] =	wrdreg $0xFFFFFFFF  }
0xad: {  	[dreg:$0x0] =	wrdreg $0x60  }
0xae: {  	[dreg:$0x2] =	wrdreg s24  }
0xaf: {  	[dreg:$0x3] =	wrdreg $0x0  }
0xb0: {  	[dreg:$0x4] =	wrdreg $0x9  }
0xb1: {  	_ =	task.clear_ibuf [dreg:s6], $0x5FFFF;
	_ =	strace $0x90000046  }
0xb2: {  	s29 =	simm.s32 $0x9;
	_ =	strace $0x80000048  }
0xb3: {  	_ =	swait.ge [sflag:s29], $0x1  }
0xb4: {  	[sflag:s29] =	ssyncadd.s32 $0xFFFFFFFF  }
0xb5: {  	_ =	strace $0x90000048  }
0xb6: {  	_ =	sfence  }
0xb7: {  	s30 =	sld [smem:$0x0];
	_ =	sdelay $0x2  }
0xb8: {  	s31 =	sshll.u32 s1, $0xD;
	s1 =	sshrl.u32 s1, $0x2  }
0xb9: {  	s3 =	sand.u32 $0x4000, s31;
	s1 =	sadd.s32 s1, s30  }
0xba: {  	s0 =	sor.u32 s3, s0;
	s1 =	sshll.u32 s1, $0x11  }
0xbb: {  	s0 =	sor.u32 s1, s0  }
0xbc: {  	s0 =	sadd.s32 $0x8F2B, s0  }
0xbd: {  	[sflag:s0] =	ssyncadd.remote.s32 $0x1  }
0xbe: {  	_ =	sfence.sel $0xFFFF  }
0xbf: {  	[dreg:$0x0] =	wrdreg $0xFFFFFFFF;
	(pc) =	sbr.abs _section_cstart, $3  }
0xc0: {  	[dreg:$0x1] =	wrdreg $0xFFFFFFFF  }
0xc1: {  	_ =	task.clear_ibuf [dreg:s6], $0x2FFFF;
	_ =	strace $0x9FFFFFFF  }
0xc2: {  	(tm) =	ssettm $0x7FFFFFFF  }
0xc3: {  	_ =	shalt  }
tec
execute0_lowered:
.L_overlay_start_1:
0x0: {  	(tag) =	ssettag $0x1  }
0x1: {  	s6 =	rddreg [dreg:$0x0]  }
0x2: {  	s1 =	rddreg [dreg:$0x1];
	s2 =	srdreg.scid  }
0x3: {  	s0 =	rddreg [dreg:$0x2];
	s3 =	simm.s32 $0x0;
	s7 =	sand.u32 $0x1, s2  }
0x4: {  	s15 =	simm.s32 $0x13C00;
	s16 =	simm.s32 $0x80;
	s4 =	smul.u32 $0x4F00, s7  }
0x5: {  	s17 =	simm.s32 $0x0;
	s2 =	stileid.u32;
	s8 =	smul.u32 $0x13C000, s7  }
0x6: {  	[smem:$0x7FF] =	sst s3;
	s5 =	sadd.s32 $0x28C00, s6;
	s9 =	smul.u32 $0x13C00, s2  }
0x7: {  	_ =	strace $0x80000047;
	s7 =	ssub.s32 $0x2, s7;
	s30 =	smul.u32 $0x4F000, s2  }
0x8: {  	s12 =	smul.u32 $0x4F0, s2;
	s13 =	sshll.u32 s2, $0x6;
	s11 =	sshrl.u32 s7, $0x1  }
0x9: {  	s13 =	sor.u32 $0x1C01, s13;
	s10 =	sadd.s32 s4, s6;
	s4 =	sadd.s32 $0x28400, s6  }
0xa: {  	s8 =	sadd.s32 s9, s8;
	s11 =	ssub.s32 s7, s11;
	s31 =	sshrl.u32 s30, $0x2  }
0xb: {  	s8 =	sshrl.u32 s8, $0x3;
	s14 =	sadd.s32 s31, s1;
	s10 =	sadd.s32 s12, s10  }
0xc: {  	s12 =	simm.s32 $0x1;
	s8 =	sadd.s32 s8, s6;
	s9 =	sadd.s32 $0x14800, s10  }
0xd: {  	s10 =	sadd.s32 $0x1E600, s10;
	s14 =	sshrl.u32 s14, $0x3;
	s6 =	sadd.s32 $0x2B400, s8  }
0xe: {  	s7 =	sadd.s32 $0x7A400, s8;
	s8 =	smax.u32 s11, $0x1;
	s11 =	simm.s32 $0x13C80  }
.LBB2_1:
0xf: {  	[tilespmem:s11], [sflag:$0x1] =	stream.linear.gather [hbm4b:s4+s3], $0x4000, $0x38;
	[tilespmem:$0x17C80] =	vst v63  }
0x10: {  	_ =	swait.ge [sflag:s12], $0x4000  }
0x11: {  	[sflag:s12] =	ssyncset.done $0x0  }
0x12: {  	[sflag:s12] =	ssyncadd.s32 $0xFFFFC000  }
0x13: {  	[spmem:s14], [sflag:s13] =	dma.local [hbm:s5], $0x2780  }
0x14: {  	_ =	swait.ge [sflag:s12], $0x2780  }
0x15: {  	[sflag:s12] =	ssyncset.done $0x0  }
0x16: {  	[sflag:s12] =	ssyncadd.s32 $0xFFFFD880  }
0x17: {  	s18 =	sadd.s32 $0x0, s9;
	[bflag:$0x0] =	sbarrier.arrive $0xFFFF  }
0x18: {  	[tilespmem:s15], [sflag:$0x1] =	stream.linear.gather [hbm4b:s18+s3], $0x80, $0x38;
	[tilespmem:$0x17C80] =	vst v63  }
0x19: {  	_ =	swait.ge [sflag:s12], $0x80  }
0x1a: {  	[sflag:s12] =	ssyncset.done $0x0  }
0x1b: {  	[sflag:s12] =	ssyncadd.s32 $0xFFFFFF80  }
0x1c: {  	[spmem:s1] =	stream.indirect.scatter.add.f32 [tilespmem:s11], [sflag:$0x1], $0x80, s15, s16, $0xb8;
	[tilespmem:$0x17C80] =	vst v63  }
0x1d: {  	_ =	swait.ge [sflag:s12], $0x4000  }
0x1e: {  	s19 =	simm.s32 $0x20;
	s18 =	simm.s32 $0x10;
	[sflag:s12] =	ssyncset.done $0x0  }
.LBB2_2:
0x1f: {  	s20 =	sadd.s32 s18, s9  }
0x20: {  	[sflag:s12] =	ssyncadd.s32 $0xFFFFC000;
	s18 =	smov.u32 s19;
	s21 =	sadd.s32 $0x10, s19  }
0x21: {  	[tilespmem:s15], [sflag:$0x1] =	stream.linear.gather [hbm4b:s20+s3], $0x80, $0x38;
	[tilespmem:$0x17C80] =	vst v63  }
0x22: {  	p0 =	sne.s32 s19, $0x4E0;
	_ =	swait.ge [sflag:s12], $0x80  }
.Ltmp0:
0x23: {  	[sflag:s12] =	ssyncset.done $0x0;
	(pc) =	sbr.rel @p0 .LBB2_2-.Ltmp0, $4  }
0x24: {  	[sflag:s12] =	ssyncadd.s32 $0xFFFFFF80  }
0x25: {  	[spmem:s1] =	stream.indirect.scatter.add.f32 [tilespmem:s11], [sflag:$0x1], $0x80, s15, s16, $0xb8;
	[tilespmem:$0x17C80] =	vst v63  }
0x26: {  	_ =	swait.ge [sflag:s12], $0x4000  }
0x27: {  	s19 =	smov.u32 s21;
	[sflag:s12] =	ssyncset.done $0x0  }
0x28: {  	s18 =	sadd.s32 s18, s9;
	[sflag:s12] =	ssyncadd.s32 $0xFFFFC000  }
0x29: {  	[tilespmem:s15], [sflag:$0x1] =	stream.linear.gather [hbm4b:s18+s3], $0x80, $0x38;
	[tilespmem:$0x17C80] =	vst v63  }
0x2a: {  	_ =	swait.ge [sflag:s12], $0x80  }
0x2b: {  	[sflag:s12] =	ssyncset.done $0x0  }
0x2c: {  	[sflag:s12] =	ssyncadd.s32 $0xFFFFFF80  }
0x2d: {  	[spmem:s1] =	stream.indirect.scatter.add.f32 [tilespmem:s11], [sflag:$0x1], $0x80, s15, s16, $0xb8;
	[tilespmem:$0x17C80] =	vst v63  }
0x2e: {  	_ =	swait.ge [sflag:s12], $0x4000  }
0x2f: {  	[sflag:s12] =	ssyncset.done $0x0  }
0x30: {  	[sflag:s12] =	ssyncadd.s32 $0xFFFFC000  }
0x31: {  	[bflag:$0x0] =	sbarrier.arrive $0xFFFF  }
0x32: {  	[hbm:s6], [sflag:s13] =	dma.local [spmem:s14], $0x2780  }
0x33: {  	_ =	swait.ge [sflag:s12], $0x2780  }
0x34: {  	[sflag:s12] =	ssyncset.done $0x0  }
0x35: {  	[sflag:s12] =	ssyncadd.s32 $0xFFFFD880  }
0x36: {  	[spmem:s14], [sflag:s13] =	dma.local [hbm:s5], $0x2780  }
0x37: {  	_ =	swait.ge [sflag:s12], $0x2780  }
0x38: {  	[sflag:s12] =	ssyncset.done $0x0  }
0x39: {  	[sflag:s12] =	ssyncadd.s32 $0xFFFFD880  }
0x3a: {  	s31 =	sadd.s32 $0x0, s10;
	[bflag:$0x0] =	sbarrier.arrive $0xFFFF  }
0x3b: {  	[tilespmem:s15], [sflag:$0x1] =	stream.linear.gather [hbm4b:s31+s3], $0x80, $0x38;
	[tilespmem:$0x17C80] =	vst v63  }
0x3c: {  	_ =	swait.ge [sflag:s12], $0x80  }
0x3d: {  	[sflag:s12] =	ssyncset.done $0x0  }
0x3e: {  	[sflag:s12] =	ssyncadd.s32 $0xFFFFFF80  }
0x3f: {  	[spmem:s1] =	stream.indirect.scatter.add.f32 [tilespmem:s11], [sflag:$0x1], $0x80, s15, s16, $0xb8;
	[tilespmem:$0x17C80] =	vst v63  }
0x40: {  	_ =	swait.ge [sflag:s12], $0x4000  }
0x41: {  	s19 =	simm.s32 $0x20;
	s18 =	simm.s32 $0x10;
	[sflag:s12] =	ssyncset.done $0x0  }
.LBB2_4:
0x42: {  	s20 =	sadd.s32 s18, s10  }
0x43: {  	[sflag:s12] =	ssyncadd.s32 $0xFFFFC000;
	s18 =	smov.u32 s19;
	s21 =	sadd.s32 $0x10, s19  }
0x44: {  	[tilespmem:s15], [sflag:$0x1] =	stream.linear.gather [hbm4b:s20+s3], $0x80, $0x38;
	[tilespmem:$0x17C80] =	vst v63  }
0x45: {  	p0 =	sne.s32 s19, $0x4E0;
	_ =	swait.ge [sflag:s12], $0x80  }
.Ltmp1:
0x46: {  	[sflag:s12] =	ssyncset.done $0x0;
	(pc) =	sbr.rel @p0 .LBB2_4-.Ltmp1, $4  }
0x47: {  	[sflag:s12] =	ssyncadd.s32 $0xFFFFFF80  }
0x48: {  	[spmem:s1] =	stream.indirect.scatter.add.f32 [tilespmem:s11], [sflag:$0x1], $0x80, s15, s16, $0xb8;
	[tilespmem:$0x17C80] =	vst v63  }
0x49: {  	_ =	swait.ge [sflag:s12], $0x4000  }
0x4a: {  	s19 =	smov.u32 s21;
	[sflag:s12] =	ssyncset.done $0x0  }
0x4b: {  	s18 =	sadd.s32 s18, s10;
	[sflag:s12] =	ssyncadd.s32 $0xFFFFC000  }
0x4c: {  	[tilespmem:s15], [sflag:$0x1] =	stream.linear.gather [hbm4b:s18+s3], $0x80, $0x38;
	[tilespmem:$0x17C80] =	vst v63  }
0x4d: {  	_ =	swait.ge [sflag:s12], $0x80  }
0x4e: {  	[sflag:s12] =	ssyncset.done $0x0  }
0x4f: {  	[sflag:s12] =	ssyncadd.s32 $0xFFFFFF80  }
0x50: {  	[spmem:s1] =	stream.indirect.scatter.add.f32 [tilespmem:s11], [sflag:$0x1], $0x80, s15, s16, $0xb8;
	[tilespmem:$0x17C80] =	vst v63  }
0x51: {  	_ =	swait.ge [sflag:s12], $0x4000  }
0x52: {  	s17 =	sadd.s32 $0x1, s17;
	[sflag:s12] =	ssyncset.done $0x0  }
0x53: {  	p0 =	sne.s32 s17, s8;
	[sflag:s12] =	ssyncadd.s32 $0xFFFFC000  }
.Ltmp2:
0x54: {  	[bflag:$0x0] =	sbarrier.arrive $0xFFFF;
	(pc) =	sbr.rel @p0 .LBB2_1-.Ltmp2, $4  }
0x55: {  	[hbm:s7], [sflag:s13] =	dma.local [spmem:s14], $0x2780  }
0x56: {  	_ =	swait.ge [sflag:s12], $0x2780  }
0x57: {  	[sflag:s12] =	ssyncset.done $0x0  }
0x58: {  	[sflag:s12] =	ssyncadd.s32 $0xFFFFD880  }
0x59: {  	_ =	sfence.sel $0x180000  }
0x5a: {  	[bflag:$0x0] =	sbarrier.arrive $0xFFFF  }
0x5b: {  	p0 =	sne.s32 s2, $0x0;
	_ =	strace $0x90000047  }
0x5c: {  	s0 =	sadd.s32 @!p0 $0x100000, s0;
	[bflag:$0x2] =	sbarrier.arrive $0xFFFF  }
0x5d: {  	[sflag:s0] =	ssyncadd.tile.s32 @!p0 $0x1;
	_ =	shalt  }
.Lfunc_end2:
_tile_overlayer_lowered:
.L_overlay_start_2:
0x5e: {  	(tag) =	ssettag $0x2  }
0x5f: {  	s0 =	rddreg [dreg:$0x0];
	s2 =	stileid.u32  }
0x60: {  	s1 =	rddreg [dreg:$0x1];
	p0 =	sne.s32 s2, $0x0  }
0x61: {  	s3 =	rddreg [dreg:$0x2];
	[bflag:$0x3] =	sbarrier.arrive $0xFFFF;
	s2 =	simm.s32 @!p0 $0x1C01  }
0x62: {  	[timem:s3], [sflag:s2] =	dma.local @!p0 [hbm:s0], s1  }
0x63: {  	s0 =	simm.s32 @!p0 $0x1  }
0x64: {  	_ =	swait.ge @!p0 [sflag:s0], s1  }
0x65: {  	s1 =	ssub.s32 @!p0 $0x0, s1;
	[sflag:s0] =	ssyncset.done @!p0 $0x0  }
0x66: {  	[sflag:s0] =	ssyncadd.s32 @!p0 s1  }
0x67: {  	[bflag:$0x3] =	sbarrier.arrive $0xFFFF  }
0x68: {  	_ =	shalt  }

// kernel: kernel.31.cloned.1.call-start
scs
__scs_entry_jumppad:
0x0: {  	(pc) =	sbr.rel $0x88, $3  }
0x1: {  	(tag) =	ssettag $0x0;
	lr =	simm.s32 $0x1  }
0x2: {  	[smem:$0x3F8B] =	sst lr;
	_ =	strace $0xD0000000  }
0x3: {  	_ = 	snop  }
0x4: {  	_ = 	snop  }
0x5: {  	_ = 	snop  }
0x6: {  	_ = 	snop  }
0x7: {  	_ = 	snop  }
__scs_overlays_trampoline_lowered:
0x8: {  	[smem:$0x3F9A] =	sst s0  }
0x9: {  	[smem:$0x3F9B] =	sst s1  }
0xa: {  	[smem:$0x3F9C] =	sst s2  }
0xb: {  	[smem:$0x3F9D] =	sst s3  }
0xc: {  	[smem:$0x3F9E] =	sst s4  }
0xd: {  	[smem:$0x3F9F] =	sst s5  }
0xe: {  	[smem:$0x3FA0] =	sst s6  }
0xf: {  	[smem:$0x3FA1] =	sst s7  }
0x10: {  	[smem:$0x3FA2] =	sst s8  }
0x11: {  	[smem:$0x3FA3] =	sst s9;
	s0 =	simm.s32 @!p0 $0x0  }
0x12: {  	s1 =	sld [smem:$0x3F89];
	s0 =	simm.s32 @p0 $0x1  }
0x13: {  	[smem:$0x3FA4] =	sst s0;
	s0 =	simm.s32 @!p1 $0x0  }
0x14: {  	s2 =	sld [smem:$0x3F88];
	s0 =	simm.s32 @p1 $0x1  }
0x15: {  	[smem:$0x3FA5] =	sst s0;
	s0 =	simm.s32 @!p2 $0x0  }
0x16: {  	s3 =	sld [smem:$0x3FDB];
	s0 =	simm.s32 @p2 $0x1  }
0x17: {  	s4 =	simm.s32 $0x1BF5;
	[smem:$0x3FA7] =	sst s0  }
0x18: {  	s0 =	sld [smem:$0x3F8A];
	_ =	swait.ge [sflag:s4], $0x0  }
0x19: {  	s7 =	sld [smem:$0x3F8B]  }
0x1a: {  	s8 =	sadd.s32 $0xFFFFE003, lr  }
0x1b: {  	s9 =	sadd.s32 $0xFFFFFEF7, lr;
	s5 =	simm.s32 $0xFFFFFFFF;
	p2 =	slt.u32 s8, $0xFFFFF086  }
0x1c: {  	p1 =	slt.u32 s9, $0xF7A;
	s5 =	simm.s32 @!p2 $0x0  }
0x1d: {  	s5 =	simm.s32 @p1 $0x1;
	p0 =	seq.s32 s7, s2  }
0x1e: {  	s7 =	smul.u32 @!p0 $0xF7A, s2;
	p2 =	seq.s32 @!p0 s5, $0x0  }
0x1f: {  	s9 =	smul.u32 $0xF7A, s1;
	s8 =	simm.s32 @!p0 $0x1BF5;
	p2 =	por !p2, p0  }
0x20: {  	[sflag:s8] =	ssyncset.s32 @!p0 $0xFFFFF086;
	s6 =	sadd.s32 @!p0 s3, s7;
	s7 =	simm.s32 @!p0 $0x108  }
0x21: {  	s3 =	sadd.s32 s3, s9;
	s6 =	sadd.s32 @!p0 $0x88, s6;
	s7 =	simm.s32 @p2 $0x1082  }
0x22: {  	[simem:s7], [sflag:s8] =	dma.local @!p0 [hbm:s6], $0xF7A  }
0x23: {  	s9 =	sor.u32 $0xD0000000, s2;
	s6 =	simm.s32 $0x108;
	_ =	swait.ge @!p0 [sflag:s8], $0x0  }
0x24: {  	s3 =	sadd.s32 $0x88, s3;
	s6 =	simm.s32 @!p1 $0x1082;
	[sflag:s4] =	ssyncset.s32 $0xFFFFF086  }
0x25: {  	[simem:s6], [sflag:s4] =	dma.local [hbm:s3], $0xF7A  }
0x26: {  	[smem:$0x3F8B] =	sst s1;
	(tag) =	ssettag s2;
	_ =	strace s9  }
0x27: {  	s1 =	sld [smem:$0x3F9B]  }
0x28: {  	s2 =	sld [smem:$0x3F9C]  }
0x29: {  	s4 =	sld [smem:$0x3F9E]  }
0x2a: {  	p0 =	seq.s32 s5, $0x0;
	s5 =	sld [smem:$0x3F9F]  }
0x2b: {  	s6 =	sld [smem:$0x3FA0]  }
0x2c: {  	s7 =	sld [smem:$0x3FA1]  }
0x2d: {  	s3 =	simm.s32 $0x108;
	s8 =	sld [smem:$0x3FA2]  }
0x2e: {  	s3 =	simm.s32 @!p0 $0x1082;
	s9 =	sld [smem:$0x3FA3]  }
0x2f: {  	lr =	sadd.s32 s0, s3;
	s0 =	sld [smem:$0x3F9A]  }
0x30: {  	s3 =	sld [smem:$0x3F9D]  }
0x31: {  	[smem:$0x3FA6] =	sst s10  }
0x32: {  	s10 =	sld [smem:$0x3FA4];
	_ =	sdelay $0x3  }
0x33: {  	p0 =	seq.s32 s10, $0x1;
	s10 =	sld [smem:$0x3FA6];
	_ =	sdelay $0x3  }
0x34: {  	[smem:$0x3FA6] =	sst s10  }
0x35: {  	s10 =	sld [smem:$0x3FA5];
	_ =	sdelay $0x3  }
0x36: {  	p1 =	seq.s32 s10, $0x1;
	s10 =	sld [smem:$0x3FA6];
	_ =	sdelay $0x3  }
0x37: {  	[smem:$0x3FA6] =	sst s10  }
0x38: {  	s10 =	sld [smem:$0x3FA7]  }
0x39: {  	_ = 	snop;
	(pc) =	sbr.ind lr, $3  }
0x3a: {  	_ = 	snop  }
0x3b: {  	_ = 	snop  }
0x3c: {  	p2 =	seq.s32 s10, $0x1;
	s10 =	sld [smem:$0x3FA6]  }
0x3d: {  	_ =	shalt  }
0x3e: {  	_ =	shalt  }
0x3f: {  	_ =	shalt  }
0x40: {  	_ =	shalt  }
0x41: {  	_ =	shalt  }
0x42: {  	_ =	shalt  }
0x43: {  	_ =	shalt  }
0x44: {  	_ =	shalt  }
0x45: {  	_ =	shalt  }
0x46: {  	_ =	shalt  }
0x47: {  	_ =	shalt  }
0x48: {  	_ =	shalt  }
0x49: {  	_ =	shalt  }
0x4a: {  	_ =	shalt  }
0x4b: {  	_ =	shalt  }
0x4c: {  	_ =	shalt  }
0x4d: {  	_ =	shalt  }
0x4e: {  	_ =	shalt  }
0x4f: {  	_ =	shalt  }
0x50: {  	_ =	shalt  }
0x51: {  	_ =	shalt  }
0x52: {  	_ =	shalt  }
0x53: {  	_ =	shalt  }
0x54: {  	_ =	shalt  }
0x55: {  	_ =	shalt  }
0x56: {  	_ =	shalt  }
0x57: {  	_ =	shalt  }
0x58: {  	_ =	shalt  }
0x59: {  	_ =	shalt  }
0x5a: {  	_ =	shalt  }
0x5b: {  	_ =	shalt  }
0x5c: {  	_ =	shalt  }
0x5d: {  	_ =	shalt  }
0x5e: {  	_ =	shalt  }
0x5f: {  	_ =	shalt  }
0x60: {  	_ =	shalt  }
0x61: {  	_ =	shalt  }
0x62: {  	_ =	shalt  }
0x63: {  	_ =	shalt  }
0x64: {  	_ =	shalt  }
0x65: {  	_ =	shalt  }
0x66: {  	_ =	shalt  }
0x67: {  	_ =	shalt  }
0x68: {  	_ =	shalt  }
0x69: {  	_ =	shalt  }
0x6a: {  	_ =	shalt  }
0x6b: {  	_ =	shalt  }
0x6c: {  	_ =	shalt  }
0x6d: {  	_ =	shalt  }
0x6e: {  	_ =	shalt  }
0x6f: {  	_ =	shalt  }
0x70: {  	_ =	shalt  }
0x71: {  	_ =	shalt  }
0x72: {  	_ =	shalt  }
0x73: {  	_ =	shalt  }
0x74: {  	_ =	shalt  }
0x75: {  	_ =	shalt  }
0x76: {  	_ =	shalt  }
0x77: {  	_ =	shalt  }
0x78: {  	_ =	shalt  }
0x79: {  	_ =	shalt  }
0x7a: {  	_ =	shalt  }
0x7b: {  	_ =	shalt  }
0x7c: {  	_ =	shalt  }
0x7d: {  	_ =	shalt  }
0x7e: {  	_ =	shalt  }
0x7f: {  	_ =	shalt  }
0x80: {  	_ =	shalt  }
0x81: {  	_ =	shalt  }
0x82: {  	_ =	shalt  }
0x83: {  	_ =	shalt  }
0x84: {  	_ =	shalt  }
0x85: {  	_ =	shalt  }
0x86: {  	_ =	shalt  }
0x87: {  	_ =	shalt  }
.Lfunc_end0:
.L_simem_size_0:
called_computation.1_lowered:
.L_overlay_start_0:
0x88: {  	s2 =	sld [smem:$0x3FD9]  }
0x89: {  	s3 =	sld [smem:$0x3FFE];
	_ =	sdelay $0x1  }
0x8a: {  	s1 =	srdreg.scid  }
0x8b: {  	s0 =	sand.u32 $0x1, s1  }
0x8c: {  	s17 =	sshll.u32 s0, $0xA;
	s2 =	sadd.s32 s3, s2  }
0x8d: {  	s2 =	sadd.s32 s2, s17  }
0x8e: {  	[smem:$0x3FB2] =	sst s2  }
0x8f: {  	_ = 	snop  }
0x90: {  	(tm) =	ssettm $0x1  }
0x91: {  	s18 =	sld [smem:$0x3FFB];
	_ =	sdelay $0x3  }
0x92: {  	_ =	strace s18  }
0x93: {  	s2 =	sld [smem:$0x3FFC];
	_ =	sdelay $0x3  }
0x94: {  	_ =	strace s2  }
0x95: {  	s2 =	sld [smem:$0x3FFD];
	_ =	sdelay $0x3  }
0x96: {  	_ =	strace s2  }
0x97: {  	_ =	strace $0x8FFFFFFF  }
0x98: {  	s19 =	sld [smem:$0x3FDB];
	_ =	sdelay $0x1  }
0x99: {  	s20 =	simm.s32 $_scs_section_size  }
0x9a: {  	s4 =	simm.s32 $_size__tile_overlayer_lowered;
	s5 =	simm.s32 $_tile_overlayer_lowered  }
0x9b: {  	s6 =	simm.s32 $0x1BFF;
	s21 =	sshll.u32 s5, $0x1;
	s3 =	sadd.s32 s20, s19  }
0x9c: {  	s22 =	simm.s32 $0x0;
	s4 =	sshll.u32 s4, $0x1;
	s5 =	sadd.s32 s21, s3  }
0x9d: {  	[timem:s22], [sflag:s6] =	dma.local [hbm:s5], s4  }
0x9e: {  	_ =	swait.ge [sflag:s6], s4  }
0x9f: {  	s4 =	ssub.s32 $0x0, s4;
	[sflag:s6] =	ssyncset.done $0x0  }
0xa0: {  	[sflag:s6] =	ssyncadd.s32 s4;
	_ =	sdelay $0x1  }
0xa1: {  	s23 =	simm.s32 $0x1B8B  }
0xa2: {  	_ =	swait.ge [sflag:s23], $0x1  }
0xa3: {  	[sflag:s23] =	ssyncset.done $0x0  }
0xa4: {  	[sflag:s23] =	ssyncadd.s32 $0xFFFFFFFF  }
0xa5: {  	s4 =	sld [smem:$0x0]  }
0xa6: {  	s5 =	sand.u32 $0xFFFFFFFE, s1  }
0xa7: {  	p0 =	sne.s32 s1, s5  }
0xa8: {  	s5 =	sshll.u32 @p0 s5, $0xE  }
0xa9: {  	s5 =	sadd.s32 @p0 $0x11B8D, s5;
	s6 =	sshll.u32 @p0 s4, $0x11  }
0xaa: {  	s5 =	sor.u32 @p0 s6, s5  }
0xab: {  	[sflag:s5] =	ssyncadd.remote.s32 @p0 $0x1;
	_ =	sdelay $0x1  }
0xac: {  	s5 =	simm.s32 @p0 $0x1B8D  }
0xad: {  	_ =	swait.eq @p0 [sflag:s5], $0x1  }
0xae: {  	[sflag:s5] =	ssyncadd.s32 @p0 $0xFFFFFFFF  }
0xaf: {  	s6 =	sshll.u32 @!p0 s1, $0xE  }
0xb0: {  	s6 =	sor.u32 @!p0 $0x4000, s6;
	s5 =	simm.s32 @!p0 $0x1B8D  }
0xb1: {  	s4 =	sshll.u32 @!p0 s4, $0x11;
	s6 =	sadd.s32 @!p0 $0x11B8D, s6;
	_ =	swait.eq @!p0 [sflag:s5], $0x1  }
0xb2: {  	s4 =	sor.u32 @!p0 s4, s6;
	[sflag:s5] =	ssyncadd.s32 @!p0 $0xFFFFFFFF  }
0xb3: {  	s25 =	simm.s32 $0x1B8E;
	s24 =	sld [smem:$0x3FFE];
	[sflag:s4] =	ssyncadd.remote.s32 @!p0 $0x1  }
0xb4: {  	s26 =	simm.s32 $execute0_lowered;
	[smem:$0x3FD2] =	sst s25  }
0xb5: {  	s5 =	sshll.u32 s26, $0x1;
	_ =	strace $0x8000004F;
	[dreg:$0x1] =	wrdreg $0xFFFFFFFF  }
0xb6: {  	s28 =	simm.s32 $_size_execute0_lowered;
	s3 =	sadd.s32 s3, s5;
	[dreg:$0x0] =	wrdreg $0x0  }
0xb7: {  	s5 =	sshll.u32 s28, $0x1;
	[dreg:$0x2] =	wrdreg s3  }
0xb8: {  	[dreg:$0x3] =	wrdreg s5  }
0xb9: {  	[dreg:$0x4] =	wrdreg $0xC0  }
0xba: {  	_ =	task [dreg:s22], $0x5FFFF  }
0xbb: {  	[dreg:$0x1] =	wrdreg $0xFFFFFFFF  }
0xbc: {  	[dreg:$0x0] =	wrdreg $0x60  }
0xbd: {  	[dreg:$0x2] =	wrdreg s24  }
0xbe: {  	[dreg:$0x3] =	wrdreg $0x0  }
0xbf: {  	[dreg:$0x4] =	wrdreg $0x9  }
0xc0: {  	_ =	task.clear_ibuf [dreg:s22], $0x5FFFF;
	_ =	strace $0x9000004F  }
0xc1: {  	s29 =	simm.s32 $0x9;
	_ =	strace $0x80000051  }
0xc2: {  	_ =	swait.ge [sflag:s29], $0x1  }
0xc3: {  	[sflag:s29] =	ssyncadd.s32 $0xFFFFFFFF  }
0xc4: {  	_ =	strace $0x90000051  }
0xc5: {  	_ =	sfence  }
0xc6: {  	s30 =	sld [smem:$0x0];
	_ =	sdelay $0x2  }
0xc7: {  	s31 =	sshll.u32 s1, $0xD;
	s1 =	sshrl.u32 s1, $0x2  }
0xc8: {  	s4 =	sand.u32 $0x4000, s31;
	s1 =	sadd.s32 s1, s30  }
0xc9: {  	s0 =	sor.u32 s4, s0;
	s1 =	sshll.u32 s1, $0x11  }
0xca: {  	s0 =	sor.u32 s1, s0  }
0xcb: {  	s0 =	sadd.s32 $0x8F2B, s0  }
0xcc: {  	[sflag:s0] =	ssyncadd.remote.s32 $0x1  }
0xcd: {  	_ =	sfence.sel $0xFFFF  }
0xce: {  	[dreg:$0x0] =	wrdreg $0xFFFFFFFF;
	(pc) =	sbr.abs _section_cstart, $3  }
0xcf: {  	[dreg:$0x1] =	wrdreg $0xFFFFFFFF  }
0xd0: {  	_ =	task.clear_ibuf [dreg:s22], $0x2FFFF;
	_ =	strace $0x9FFFFFFF  }
0xd1: {  	(tm) =	ssettm $0x7FFFFFFF  }
tec
execute0_lowered:
.L_overlay_start_1:
0x0: {  	(tag) =	ssettag $0x1  }
0x1: {  	s6 =	rddreg [dreg:$0x0]  }
0x2: {  	s0 =	srdreg.scid;
	s1 =	rddreg [dreg:$0x1];
	s3 =	simm.s32 $0x0  }
0x3: {  	s2 =	stileid.u32;
	s14 =	simm.s32 $0x13D00;
	s15 =	simm.s32 $0x13C40  }
0x4: {  	s16 =	simm.s32 $0x15D00;
	s17 =	simm.s32 $0x1;
	s18 =	simm.s32 $0x2  }
0x5: {  	s19 =	simm.s32 $0x80;
	s20 =	simm.s32 $0x13C80;
	s9 =	smul.u32 $0x13C00, s2  }
0x6: {  	s7 =	sand.u32 $0x1, s0;
	s0 =	rddreg [dreg:$0x2];
	s26 =	smul.u32 $0x4F000, s2  }
0x7: {  	s21 =	simm.s32 $0x0;
	[smem:$0x7FF] =	sst s3;
	s11 =	smul.u32 $0x9E0, s2  }
0x8: {  	s4 =	sadd.s32 $0x71F000, s6;
	s30 =	sshll.u32 s2, $0x6;
	s5 =	smul.u32 $0x9E00, s7  }
0x9: {  	s8 =	smul.u32 $0x13C000, s7;
	_ =	strace $0x80000050;
	s7 =	ssub.s32 $0x2, s7  }
0xa: {  	s28 =	sshrl.u32 s7, $0x1;
	s29 =	sshrl.u32 s26, $0x2;
	s10 =	sadd.s32 s5, s6  }
0xb: {  	s5 =	sadd.s32 $0x28C00, s6;
	s8 =	sadd.s32 s9, s8;
	s12 =	ssub.s32 s7, s28  }
0xc: {  	s13 =	sadd.s32 s29, s1;
	s8 =	sshrl.u32 s8, $0x3;
	s31 =	sadd.s32 s11, s10  }
0xd: {  	s10 =	sshrl.u32 s13, $0x3;
	s11 =	simm.s32 $0x3;
	s13 =	simm.s32 $0x40  }
0xe: {  	s8 =	sadd.s32 s8, s6;
	s6 =	sor.u32 $0x1C03, s30;
	s9 =	sadd.s32 $0xAA00, s31  }
0xf: {  	s7 =	sadd.s32 $0x746200, s8;
	s8 =	smax.u32 s12, $0x1;
	s12 =	simm.s32 $0x13C00  }
.LBB2_1:
0x10: {  	[spmem:s10], [sflag:s6] =	dma.local [hbm:s5], $0x2780  }
0x11: {  	_ =	swait.ge [sflag:s11], $0x2780  }
0x12: {  	[sflag:s11] =	ssyncset.done $0x0  }
0x13: {  	[sflag:s11] =	ssyncadd.s32 $0xFFFFD880  }
0x14: {  	s22 =	sadd.s32 $0x0, s9;
	[bflag:$0x0] =	sbarrier.arrive $0xFFFF  }
0x15: {  	[tilespmem:s12], [sflag:$0x3] =	stream.linear.gather [hbm4b:s22+s3], $0x100, $0x38;
	[tilespmem:$0x17D00] =	vst v63  }
0x16: {  	_ =	swait.ge [sflag:s11], $0x100  }
0x17: {  	[sflag:s11] =	ssyncset.done $0x0  }
0x18: {  	[sflag:s11] =	ssyncadd.s32 $0xFFFFFF00  }
0x19: {  	[tilespmem:s14], [sflag:$0x1] =	stream.indirect.gather [hbm4b:s4+s13], $0x80, s12, s13, $0xb8;
	[tilespmem:$0x17D00] =	vst v63  }
0x1a: {  	_ = 	snop  }
0x1b: {  	[tilespmem:s16], [sflag:$0x2] =	stream.indirect.gather [hbm4b:s4+s13], $0x80, s15, s13, $0xb8;
	[tilespmem:$0x17D00] =	vst v63  }
0x1c: {  	_ =	swait.ge [sflag:s17], $0x2000  }
0x1d: {  	[sflag:s17] =	ssyncset.done $0x0  }
0x1e: {  	[sflag:s17] =	ssyncadd.s32 $0xFFFFE000  }
0x1f: {  	_ =	swait.ge [sflag:s18], $0x2000  }
0x20: {  	[sflag:s18] =	ssyncset.done $0x0  }
0x21: {  	[sflag:s18] =	ssyncadd.s32 $0xFFFFE000  }
0x22: {  	[spmem:s1] =	stream.indirect.scatter.add.f32 [tilespmem:s14], [sflag:$0x3], $0x80, s20, s19, $0xb8;
	[tilespmem:$0x17D00] =	vst v63  }
0x23: {  	_ =	swait.ge [sflag:s11], $0x4000  }
0x24: {  	s23 =	simm.s32 $0x40;
	s22 =	simm.s32 $0x20;
	[sflag:s11] =	ssyncset.done $0x0  }
.LBB2_2:
0x25: {  	s24 =	sadd.s32 s22, s9  }
0x26: {  	[sflag:s11] =	ssyncadd.s32 $0xFFFFC000;
	s22 =	smov.u32 s23;
	s25 =	sadd.s32 $0x20, s23  }
0x27: {  	[tilespmem:s12], [sflag:$0x3] =	stream.linear.gather [hbm4b:s24+s3], $0x100, $0x38;
	[tilespmem:$0x17D00] =	vst v63  }
0x28: {  	p0 =	sne.s32 s23, $0x9C0;
	_ =	swait.ge [sflag:s11], $0x100  }
0x29: {  	[sflag:s11] =	ssyncset.done $0x0  }
0x2a: {  	[sflag:s11] =	ssyncadd.s32 $0xFFFFFF00  }
0x2b: {  	[tilespmem:s14], [sflag:$0x1] =	stream.indirect.gather [hbm4b:s4+s13], $0x80, s12, s13, $0xb8;
	[tilespmem:$0x17D00] =	vst v63  }
0x2c: {  	_ = 	snop  }
0x2d: {  	[tilespmem:s16], [sflag:$0x2] =	stream.indirect.gather [hbm4b:s4+s13], $0x80, s15, s13, $0xb8;
	[tilespmem:$0x17D00] =	vst v63  }
0x2e: {  	_ =	swait.ge [sflag:s17], $0x2000  }
0x2f: {  	[sflag:s17] =	ssyncset.done $0x0  }
0x30: {  	[sflag:s17] =	ssyncadd.s32 $0xFFFFE000  }
0x31: {  	_ =	swait.ge [sflag:s18], $0x2000  }
.Ltmp0:
0x32: {  	[sflag:s18] =	ssyncset.done $0x0;
	(pc) =	sbr.rel @p0 .LBB2_2-.Ltmp0, $4  }
0x33: {  	[sflag:s18] =	ssyncadd.s32 $0xFFFFE000  }
0x34: {  	[spmem:s1] =	stream.indirect.scatter.add.f32 [tilespmem:s14], [sflag:$0x3], $0x80, s20, s19, $0xb8;
	[tilespmem:$0x17D00] =	vst v63  }
0x35: {  	_ =	swait.ge [sflag:s11], $0x4000  }
0x36: {  	s23 =	smov.u32 s25;
	[sflag:s11] =	ssyncset.done $0x0  }
0x37: {  	s22 =	sadd.s32 s22, s9;
	[sflag:s11] =	ssyncadd.s32 $0xFFFFC000  }
0x38: {  	[tilespmem:s12], [sflag:$0x3] =	stream.linear.gather [hbm4b:s22+s3], $0x100, $0x38;
	[tilespmem:$0x17D00] =	vst v63  }
0x39: {  	_ =	swait.ge [sflag:s11], $0x100  }
0x3a: {  	[sflag:s11] =	ssyncset.done $0x0  }
0x3b: {  	[sflag:s11] =	ssyncadd.s32 $0xFFFFFF00  }
0x3c: {  	[tilespmem:s14], [sflag:$0x1] =	stream.indirect.gather [hbm4b:s4+s13], $0x80, s12, s13, $0xb8;
	[tilespmem:$0x17D00] =	vst v63  }
0x3d: {  	_ = 	snop  }
0x3e: {  	[tilespmem:s16], [sflag:$0x2] =	stream.indirect.gather [hbm4b:s4+s13], $0x80, s15, s13, $0xb8;
	[tilespmem:$0x17D00] =	vst v63  }
0x3f: {  	_ =	swait.ge [sflag:s17], $0x2000  }
0x40: {  	[sflag:s17] =	ssyncset.done $0x0  }
0x41: {  	[sflag:s17] =	ssyncadd.s32 $0xFFFFE000  }
0x42: {  	_ =	swait.ge [sflag:s18], $0x2000  }
0x43: {  	[sflag:s18] =	ssyncset.done $0x0  }
0x44: {  	[sflag:s18] =	ssyncadd.s32 $0xFFFFE000  }
0x45: {  	[spmem:s1] =	stream.indirect.scatter.add.f32 [tilespmem:s14], [sflag:$0x3], $0x80, s20, s19, $0xb8;
	[tilespmem:$0x17D00] =	vst v63  }
0x46: {  	_ =	swait.ge [sflag:s11], $0x4000  }
0x47: {  	s21 =	sadd.s32 $0x1, s21;
	[sflag:s11] =	ssyncset.done $0x0  }
0x48: {  	p0 =	sne.s32 s21, s8;
	[sflag:s11] =	ssyncadd.s32 $0xFFFFC000  }
.Ltmp1:
0x49: {  	[bflag:$0x0] =	sbarrier.arrive $0xFFFF;
	(pc) =	sbr.rel @p0 .LBB2_1-.Ltmp1, $4  }
0x4a: {  	[hbm:s7], [sflag:s6] =	dma.local [spmem:s10], $0x2780  }
0x4b: {  	_ =	swait.ge [sflag:s11], $0x2780  }
0x4c: {  	[sflag:s11] =	ssyncset.done $0x0  }
0x4d: {  	[sflag:s11] =	ssyncadd.s32 $0xFFFFD880  }
0x4e: {  	_ =	sfence.sel $0x180000  }
0x4f: {  	[bflag:$0x0] =	sbarrier.arrive $0xFFFF  }
0x50: {  	p0 =	sne.s32 s2, $0x0;
	_ =	strace $0x90000050  }
0x51: {  	s0 =	sadd.s32 @!p0 $0x100000, s0;
	[bflag:$0x2] =	sbarrier.arrive $0xFFFF  }
0x52: {  	[sflag:s0] =	ssyncadd.tile.s32 @!p0 $0x1;
	_ =	shalt  }
.Lfunc_end2:
_tile_overlayer_lowered:
.L_overlay_start_2:
0x53: {  	(tag) =	ssettag $0x2  }
0x54: {  	s0 =	rddreg [dreg:$0x0];
	s2 =	stileid.u32  }
0x55: {  	s1 =	rddreg [dreg:$0x1];
	p0 =	sne.s32 s2, $0x0  }
0x56: {  	s3 =	rddreg [dreg:$0x2];
	[bflag:$0x3] =	sbarrier.arrive $0xFFFF;
	s2 =	simm.s32 @!p0 $0x1C03  }
0x57: {  	[timem:s3], [sflag:s2] =	dma.local @!p0 [hbm:s0], s1  }
0x58: {  	s0 =	simm.s32 @!p0 $0x3  }
0x59: {  	_ =	swait.ge @!p0 [sflag:s0], s1  }
0x5a: {  	s1 =	ssub.s32 @!p0 $0x0, s1;
	[sflag:s0] =	ssyncset.done @!p0 $0x0  }
0x5b: {  	[sflag:s0] =	ssyncadd.s32 @!p0 s1  }
0x5c: {  	[bflag:$0x3] =	sbarrier.arrive $0xFFFF  }
0x5d: {  	_ =	shalt  }

// kernel: kernel.34.cloned.1.call-start
scs
__scs_entry_jumppad:
0x0: {  	(pc) =	sbr.rel $0x88, $3  }
0x1: {  	(tag) =	ssettag $0x0;
	lr =	simm.s32 $0x1  }
0x2: {  	[smem:$0x3F8B] =	sst lr;
	_ =	strace $0xD0000000  }
0x3: {  	_ = 	snop  }
0x4: {  	_ = 	snop  }
0x5: {  	_ = 	snop  }
0x6: {  	_ = 	snop  }
0x7: {  	_ = 	snop  }
__scs_overlays_trampoline_lowered:
0x8: {  	[smem:$0x3F9A] =	sst s0  }
0x9: {  	[smem:$0x3F9B] =	sst s1  }
0xa: {  	[smem:$0x3F9C] =	sst s2  }
0xb: {  	[smem:$0x3F9D] =	sst s3  }
0xc: {  	[smem:$0x3F9E] =	sst s4  }
0xd: {  	[smem:$0x3F9F] =	sst s5  }
0xe: {  	[smem:$0x3FA0] =	sst s6  }
0xf: {  	[smem:$0x3FA1] =	sst s7  }
0x10: {  	[smem:$0x3FA2] =	sst s8  }
0x11: {  	[smem:$0x3FA3] =	sst s9;
	s0 =	simm.s32 @!p0 $0x0  }
0x12: {  	s1 =	sld [smem:$0x3F89];
	s0 =	simm.s32 @p0 $0x1  }
0x13: {  	[smem:$0x3FA4] =	sst s0;
	s0 =	simm.s32 @!p1 $0x0  }
0x14: {  	s2 =	sld [smem:$0x3F88];
	s0 =	simm.s32 @p1 $0x1  }
0x15: {  	[smem:$0x3FA5] =	sst s0;
	s0 =	simm.s32 @!p2 $0x0  }
0x16: {  	s3 =	sld [smem:$0x3FDB];
	s0 =	simm.s32 @p2 $0x1  }
0x17: {  	s4 =	simm.s32 $0x1BF5;
	[smem:$0x3FA7] =	sst s0  }
0x18: {  	s0 =	sld [smem:$0x3F8A];
	_ =	swait.ge [sflag:s4], $0x0  }
0x19: {  	s7 =	sld [smem:$0x3F8B]  }
0x1a: {  	s8 =	sadd.s32 $0xFFFFE003, lr  }
0x1b: {  	s9 =	sadd.s32 $0xFFFFFEF7, lr;
	s5 =	simm.s32 $0xFFFFFFFF;
	p2 =	slt.u32 s8, $0xFFFFF086  }
0x1c: {  	p1 =	slt.u32 s9, $0xF7A;
	s5 =	simm.s32 @!p2 $0x0  }
0x1d: {  	s5 =	simm.s32 @p1 $0x1;
	p0 =	seq.s32 s7, s2  }
0x1e: {  	s7 =	smul.u32 @!p0 $0xF7A, s2;
	p2 =	seq.s32 @!p0 s5, $0x0  }
0x1f: {  	s9 =	smul.u32 $0xF7A, s1;
	s8 =	simm.s32 @!p0 $0x1BF5;
	p2 =	por !p2, p0  }
0x20: {  	[sflag:s8] =	ssyncset.s32 @!p0 $0xFFFFF086;
	s6 =	sadd.s32 @!p0 s3, s7;
	s7 =	simm.s32 @!p0 $0x108  }
0x21: {  	s3 =	sadd.s32 s3, s9;
	s6 =	sadd.s32 @!p0 $0x88, s6;
	s7 =	simm.s32 @p2 $0x1082  }
0x22: {  	[simem:s7], [sflag:s8] =	dma.local @!p0 [hbm:s6], $0xF7A  }
0x23: {  	s9 =	sor.u32 $0xD0000000, s2;
	s6 =	simm.s32 $0x108;
	_ =	swait.ge @!p0 [sflag:s8], $0x0  }
0x24: {  	s3 =	sadd.s32 $0x88, s3;
	s6 =	simm.s32 @!p1 $0x1082;
	[sflag:s4] =	ssyncset.s32 $0xFFFFF086  }
0x25: {  	[simem:s6], [sflag:s4] =	dma.local [hbm:s3], $0xF7A  }
0x26: {  	[smem:$0x3F8B] =	sst s1;
	(tag) =	ssettag s2;
	_ =	strace s9  }
0x27: {  	s1 =	sld [smem:$0x3F9B]  }
0x28: {  	s2 =	sld [smem:$0x3F9C]  }
0x29: {  	s4 =	sld [smem:$0x3F9E]  }
0x2a: {  	p0 =	seq.s32 s5, $0x0;
	s5 =	sld [smem:$0x3F9F]  }
0x2b: {  	s6 =	sld [smem:$0x3FA0]  }
0x2c: {  	s7 =	sld [smem:$0x3FA1]  }
0x2d: {  	s3 =	simm.s32 $0x108;
	s8 =	sld [smem:$0x3FA2]  }
0x2e: {  	s3 =	simm.s32 @!p0 $0x1082;
	s9 =	sld [smem:$0x3FA3]  }
0x2f: {  	lr =	sadd.s32 s0, s3;
	s0 =	sld [smem:$0x3F9A]  }
0x30: {  	s3 =	sld [smem:$0x3F9D]  }
0x31: {  	[smem:$0x3FA6] =	sst s10  }
0x32: {  	s10 =	sld [smem:$0x3FA4];
	_ =	sdelay $0x3  }
0x33: {  	p0 =	seq.s32 s10, $0x1;
	s10 =	sld [smem:$0x3FA6];
	_ =	sdelay $0x3  }
0x34: {  	[smem:$0x3FA6] =	sst s10  }
0x35: {  	s10 =	sld [smem:$0x3FA5];
	_ =	sdelay $0x3  }
0x36: {  	p1 =	seq.s32 s10, $0x1;
	s10 =	sld [smem:$0x3FA6];
	_ =	sdelay $0x3  }
0x37: {  	[smem:$0x3FA6] =	sst s10  }
0x38: {  	s10 =	sld [smem:$0x3FA7]  }
0x39: {  	_ = 	snop;
	(pc) =	sbr.ind lr, $3  }
0x3a: {  	_ = 	snop  }
0x3b: {  	_ = 	snop  }
0x3c: {  	p2 =	seq.s32 s10, $0x1;
	s10 =	sld [smem:$0x3FA6]  }
0x3d: {  	_ =	shalt  }
0x3e: {  	_ =	shalt  }
0x3f: {  	_ =	shalt  }
0x40: {  	_ =	shalt  }
0x41: {  	_ =	shalt  }
0x42: {  	_ =	shalt  }
0x43: {  	_ =	shalt  }
0x44: {  	_ =	shalt  }
0x45: {  	_ =	shalt  }
0x46: {  	_ =	shalt  }
0x47: {  	_ =	shalt  }
0x48: {  	_ =	shalt  }
0x49: {  	_ =	shalt  }
0x4a: {  	_ =	shalt  }
0x4b: {  	_ =	shalt  }
0x4c: {  	_ =	shalt  }
0x4d: {  	_ =	shalt  }
0x4e: {  	_ =	shalt  }
0x4f: {  	_ =	shalt  }
0x50: {  	_ =	shalt  }
0x51: {  	_ =	shalt  }
0x52: {  	_ =	shalt  }
0x53: {  	_ =	shalt  }
0x54: {  	_ =	shalt  }
0x55: {  	_ =	shalt  }
0x56: {  	_ =	shalt  }
0x57: {  	_ =	shalt  }
0x58: {  	_ =	shalt  }
0x59: {  	_ =	shalt  }
0x5a: {  	_ =	shalt  }
0x5b: {  	_ =	shalt  }
0x5c: {  	_ =	shalt  }
0x5d: {  	_ =	shalt  }
0x5e: {  	_ =	shalt  }
0x5f: {  	_ =	shalt  }
0x60: {  	_ =	shalt  }
0x61: {  	_ =	shalt  }
0x62: {  	_ =	shalt  }
0x63: {  	_ =	shalt  }
0x64: {  	_ =	shalt  }
0x65: {  	_ =	shalt  }
0x66: {  	_ =	shalt  }
0x67: {  	_ =	shalt  }
0x68: {  	_ =	shalt  }
0x69: {  	_ =	shalt  }
0x6a: {  	_ =	shalt  }
0x6b: {  	_ =	shalt  }
0x6c: {  	_ =	shalt  }
0x6d: {  	_ =	shalt  }
0x6e: {  	_ =	shalt  }
0x6f: {  	_ =	shalt  }
0x70: {  	_ =	shalt  }
0x71: {  	_ =	shalt  }
0x72: {  	_ =	shalt  }
0x73: {  	_ =	shalt  }
0x74: {  	_ =	shalt  }
0x75: {  	_ =	shalt  }
0x76: {  	_ =	shalt  }
0x77: {  	_ =	shalt  }
0x78: {  	_ =	shalt  }
0x79: {  	_ =	shalt  }
0x7a: {  	_ =	shalt  }
0x7b: {  	_ =	shalt  }
0x7c: {  	_ =	shalt  }
0x7d: {  	_ =	shalt  }
0x7e: {  	_ =	shalt  }
0x7f: {  	_ =	shalt  }
0x80: {  	_ =	shalt  }
0x81: {  	_ =	shalt  }
0x82: {  	_ =	shalt  }
0x83: {  	_ =	shalt  }
0x84: {  	_ =	shalt  }
0x85: {  	_ =	shalt  }
0x86: {  	_ =	shalt  }
0x87: {  	_ =	shalt  }
.Lfunc_end0:
.L_simem_size_0:
called_computation.2_lowered:
.L_overlay_start_0:
0x88: {  	s2 =	sld [smem:$0x3FD9]  }
0x89: {  	s3 =	sld [smem:$0x3FFE];
	_ =	sdelay $0x1  }
0x8a: {  	s1 =	srdreg.scid  }
0x8b: {  	s0 =	sand.u32 $0x1, s1  }
0x8c: {  	s16 =	sshll.u32 s0, $0xA;
	s2 =	sadd.s32 s3, s2  }
0x8d: {  	s2 =	sadd.s32 s2, s16  }
0x8e: {  	[smem:$0x3FB2] =	sst s2  }
0x8f: {  	_ = 	snop  }
0x90: {  	(tm) =	ssettm $0x1  }
0x91: {  	s17 =	sld [smem:$0x3FFB];
	_ =	sdelay $0x3  }
0x92: {  	_ =	strace s17  }
0x93: {  	s2 =	sld [smem:$0x3FFC];
	_ =	sdelay $0x3  }
0x94: {  	_ =	strace s2  }
0x95: {  	s2 =	sld [smem:$0x3FFD];
	_ =	sdelay $0x3  }
0x96: {  	_ =	strace s2  }
0x97: {  	_ =	strace $0x8FFFFFFF  }
0x98: {  	s18 =	sld [smem:$0x3FDB];
	_ =	sdelay $0x1  }
0x99: {  	s19 =	simm.s32 $_scs_section_size  }
0x9a: {  	s4 =	simm.s32 $_size__tile_overlayer_lowered;
	s5 =	simm.s32 $_tile_overlayer_lowered  }
0x9b: {  	s22 =	simm.s32 $0x1BFF;
	s21 =	sshll.u32 s5, $0x1;
	s2 =	sadd.s32 s19, s18  }
0x9c: {  	s6 =	simm.s32 $0x0;
	s20 =	sshll.u32 s4, $0x1;
	s4 =	sadd.s32 s21, s2  }
0x9d: {  	[timem:s6], [sflag:s22] =	dma.local [hbm:s4], s20  }
0x9e: {  	_ =	swait.ge [sflag:s22], s20  }
0x9f: {  	s3 =	ssub.s32 $0x0, s20;
	[sflag:s22] =	ssyncset.done $0x0  }
0xa0: {  	[sflag:s22] =	ssyncadd.s32 s3;
	_ =	sdelay $0x1  }
0xa1: {  	s23 =	simm.s32 $0x1B8B  }
0xa2: {  	_ =	swait.ge [sflag:s23], $0x1  }
0xa3: {  	[sflag:s23] =	ssyncset.done $0x0  }
0xa4: {  	s25 =	simm.s32 $0x1B8E;
	s24 =	sld [smem:$0x3FFE];
	[sflag:s23] =	ssyncadd.s32 $0xFFFFFFFF  }
0xa5: {  	s26 =	simm.s32 $execute0_lowered;
	[smem:$0x3FD2] =	sst s25  }
0xa6: {  	s4 =	sshll.u32 s26, $0x1;
	_ =	strace $0x80000049;
	[dreg:$0x1] =	wrdreg $0xFFFFFFFF  }
0xa7: {  	s28 =	simm.s32 $_size_execute0_lowered;
	s2 =	sadd.s32 s2, s4;
	[dreg:$0x0] =	wrdreg $0x0  }
0xa8: {  	s4 =	sshll.u32 s28, $0x1;
	[dreg:$0x2] =	wrdreg s2  }
0xa9: {  	[dreg:$0x3] =	wrdreg s4  }
0xaa: {  	[dreg:$0x4] =	wrdreg $0xC0  }
0xab: {  	_ =	task [dreg:s6], $0x5FFFF  }
0xac: {  	[dreg:$0x1] =	wrdreg $0xFFFFFFFF  }
0xad: {  	[dreg:$0x0] =	wrdreg $0x60  }
0xae: {  	[dreg:$0x2] =	wrdreg s24  }
0xaf: {  	[dreg:$0x3] =	wrdreg $0x0  }
0xb0: {  	[dreg:$0x4] =	wrdreg $0x9  }
0xb1: {  	_ =	task.clear_ibuf [dreg:s6], $0x5FFFF;
	_ =	strace $0x90000049  }
0xb2: {  	s29 =	simm.s32 $0x9;
	_ =	strace $0x8000004B  }
0xb3: {  	_ =	swait.ge [sflag:s29], $0x1  }
0xb4: {  	[sflag:s29] =	ssyncadd.s32 $0xFFFFFFFF  }
0xb5: {  	_ =	strace $0x9000004B  }
0xb6: {  	_ =	sfence  }
0xb7: {  	s30 =	sld [smem:$0x0];
	_ =	sdelay $0x2  }
0xb8: {  	s31 =	sshll.u32 s1, $0xD;
	s1 =	sshrl.u32 s1, $0x2  }
0xb9: {  	s3 =	sand.u32 $0x4000, s31;
	s1 =	sadd.s32 s1, s30  }
0xba: {  	s0 =	sor.u32 s3, s0;
	s1 =	sshll.u32 s1, $0x11  }
0xbb: {  	s0 =	sor.u32 s1, s0  }
0xbc: {  	s0 =	sadd.s32 $0x8F2B, s0  }
0xbd: {  	[sflag:s0] =	ssyncadd.remote.s32 $0x1  }
0xbe: {  	_ =	sfence.sel $0xFFFF  }
0xbf: {  	[dreg:$0x0] =	wrdreg $0xFFFFFFFF;
	(pc) =	sbr.abs _section_cstart, $3  }
0xc0: {  	[dreg:$0x1] =	wrdreg $0xFFFFFFFF  }
0xc1: {  	_ =	task.clear_ibuf [dreg:s6], $0x2FFFF;
	_ =	strace $0x9FFFFFFF  }
0xc2: {  	(tm) =	ssettm $0x7FFFFFFF  }
0xc3: {  	_ =	shalt  }
tec
execute0_lowered:
.L_overlay_start_1:
0x0: {  	(tag) =	ssettag $0x1  }
0x1: {  	s6 =	rddreg [dreg:$0x0]  }
0x2: {  	s0 =	srdreg.scid;
	s1 =	rddreg [dreg:$0x1];
	s3 =	simm.s32 $0x0  }
0x3: {  	s2 =	stileid.u32;
	s14 =	simm.s32 $0x13D00;
	s15 =	simm.s32 $0x13C40  }
0x4: {  	s16 =	simm.s32 $0x15D00;
	s17 =	simm.s32 $0x1;
	s18 =	simm.s32 $0x2  }
0x5: {  	s19 =	simm.s32 $0x80;
	s20 =	simm.s32 $0x13C80;
	s9 =	smul.u32 $0x13C00, s2  }
0x6: {  	s7 =	sand.u32 $0x1, s0;
	s0 =	rddreg [dreg:$0x2];
	s26 =	smul.u32 $0x4F000, s2  }
0x7: {  	s21 =	simm.s32 $0x0;
	[smem:$0x7FF] =	sst s3;
	s11 =	smul.u32 $0x9E0, s2  }
0x8: {  	s4 =	sadd.s32 $0x52C00, s6;
	s30 =	sshll.u32 s2, $0x6;
	s5 =	smul.u32 $0x9E00, s7  }
0x9: {  	s8 =	smul.u32 $0x13C000, s7;
	_ =	strace $0x8000004A;
	s7 =	ssub.s32 $0x2, s7  }
0xa: {  	s28 =	sshrl.u32 s7, $0x1;
	s29 =	sshrl.u32 s26, $0x2;
	s10 =	sadd.s32 s5, s6  }
0xb: {  	s5 =	sadd.s32 $0x28C00, s6;
	s8 =	sadd.s32 s9, s8;
	s12 =	ssub.s32 s7, s28  }
0xc: {  	s13 =	sadd.s32 s29, s1;
	s8 =	sshrl.u32 s8, $0x3;
	s31 =	sadd.s32 s11, s10  }
0xd: {  	s10 =	sshrl.u32 s13, $0x3;
	s11 =	simm.s32 $0x3;
	s13 =	simm.s32 $0x40  }
0xe: {  	s8 =	sadd.s32 s8, s6;
	s6 =	sor.u32 $0x1C03, s30;
	s9 =	sadd.s32 $0x6E3C00, s31  }
0xf: {  	s7 =	sadd.s32 $0x79E00, s8;
	s8 =	smax.u32 s12, $0x1;
	s12 =	simm.s32 $0x13C00  }
.LBB2_1:
0x10: {  	[spmem:s10], [sflag:s6] =	dma.local [hbm:s5], $0x2780  }
0x11: {  	_ =	swait.ge [sflag:s11], $0x2780  }
0x12: {  	[sflag:s11] =	ssyncset.done $0x0  }
0x13: {  	[sflag:s11] =	ssyncadd.s32 $0xFFFFD880  }
0x14: {  	s22 =	sadd.s32 $0x0, s9;
	[bflag:$0x0] =	sbarrier.arrive $0xFFFF  }
0x15: {  	[tilespmem:s12], [sflag:$0x3] =	stream.linear.gather [hbm4b:s22+s3], $0x100, $0x38;
	[tilespmem:$0x17D00] =	vst v63  }
0x16: {  	_ =	swait.ge [sflag:s11], $0x100  }
0x17: {  	[sflag:s11] =	ssyncset.done $0x0  }
0x18: {  	[sflag:s11] =	ssyncadd.s32 $0xFFFFFF00  }
0x19: {  	[tilespmem:s14], [sflag:$0x1] =	stream.indirect.gather [hbm4b:s4+s13], $0x80, s12, s13, $0xb8;
	[tilespmem:$0x17D00] =	vst v63  }
0x1a: {  	_ = 	snop  }
0x1b: {  	[tilespmem:s16], [sflag:$0x2] =	stream.indirect.gather [hbm4b:s4+s13], $0x80, s15, s13, $0xb8;
	[tilespmem:$0x17D00] =	vst v63  }
0x1c: {  	_ =	swait.ge [sflag:s17], $0x2000  }
0x1d: {  	[sflag:s17] =	ssyncset.done $0x0  }
0x1e: {  	[sflag:s17] =	ssyncadd.s32 $0xFFFFE000  }
0x1f: {  	_ =	swait.ge [sflag:s18], $0x2000  }
0x20: {  	[sflag:s18] =	ssyncset.done $0x0  }
0x21: {  	[sflag:s18] =	ssyncadd.s32 $0xFFFFE000  }
0x22: {  	[spmem:s1] =	stream.indirect.scatter.add.f32 [tilespmem:s14], [sflag:$0x3], $0x80, s20, s19, $0xb8;
	[tilespmem:$0x17D00] =	vst v63  }
0x23: {  	_ =	swait.ge [sflag:s11], $0x4000  }
0x24: {  	s23 =	simm.s32 $0x40;
	s22 =	simm.s32 $0x20;
	[sflag:s11] =	ssyncset.done $0x0  }
.LBB2_2:
0x25: {  	s24 =	sadd.s32 s22, s9  }
0x26: {  	[sflag:s11] =	ssyncadd.s32 $0xFFFFC000;
	s22 =	smov.u32 s23;
	s25 =	sadd.s32 $0x20, s23  }
0x27: {  	[tilespmem:s12], [sflag:$0x3] =	stream.linear.gather [hbm4b:s24+s3], $0x100, $0x38;
	[tilespmem:$0x17D00] =	vst v63  }
0x28: {  	p0 =	sne.s32 s23, $0x9C0;
	_ =	swait.ge [sflag:s11], $0x100  }
0x29: {  	[sflag:s11] =	ssyncset.done $0x0  }
0x2a: {  	[sflag:s11] =	ssyncadd.s32 $0xFFFFFF00  }
0x2b: {  	[tilespmem:s14], [sflag:$0x1] =	stream.indirect.gather [hbm4b:s4+s13], $0x80, s12, s13, $0xb8;
	[tilespmem:$0x17D00] =	vst v63  }
0x2c: {  	_ = 	snop  }
0x2d: {  	[tilespmem:s16], [sflag:$0x2] =	stream.indirect.gather [hbm4b:s4+s13], $0x80, s15, s13, $0xb8;
	[tilespmem:$0x17D00] =	vst v63  }
0x2e: {  	_ =	swait.ge [sflag:s17], $0x2000  }
0x2f: {  	[sflag:s17] =	ssyncset.done $0x0  }
0x30: {  	[sflag:s17] =	ssyncadd.s32 $0xFFFFE000  }
0x31: {  	_ =	swait.ge [sflag:s18], $0x2000  }
.Ltmp0:
0x32: {  	[sflag:s18] =	ssyncset.done $0x0;
	(pc) =	sbr.rel @p0 .LBB2_2-.Ltmp0, $4  }
0x33: {  	[sflag:s18] =	ssyncadd.s32 $0xFFFFE000  }
0x34: {  	[spmem:s1] =	stream.indirect.scatter.add.f32 [tilespmem:s14], [sflag:$0x3], $0x80, s20, s19, $0xb8;
	[tilespmem:$0x17D00] =	vst v63  }
0x35: {  	_ =	swait.ge [sflag:s11], $0x4000  }
0x36: {  	s23 =	smov.u32 s25;
	[sflag:s11] =	ssyncset.done $0x0  }
0x37: {  	s22 =	sadd.s32 s22, s9;
	[sflag:s11] =	ssyncadd.s32 $0xFFFFC000  }
0x38: {  	[tilespmem:s12], [sflag:$0x3] =	stream.linear.gather [hbm4b:s22+s3], $0x100, $0x38;
	[tilespmem:$0x17D00] =	vst v63  }
0x39: {  	_ =	swait.ge [sflag:s11], $0x100  }
0x3a: {  	[sflag:s11] =	ssyncset.done $0x0  }
0x3b: {  	[sflag:s11] =	ssyncadd.s32 $0xFFFFFF00  }
0x3c: {  	[tilespmem:s14], [sflag:$0x1] =	stream.indirect.gather [hbm4b:s4+s13], $0x80, s12, s13, $0xb8;
	[tilespmem:$0x17D00] =	vst v63  }
0x3d: {  	_ = 	snop  }
0x3e: {  	[tilespmem:s16], [sflag:$0x2] =	stream.indirect.gather [hbm4b:s4+s13], $0x80, s15, s13, $0xb8;
	[tilespmem:$0x17D00] =	vst v63  }
0x3f: {  	_ =	swait.ge [sflag:s17], $0x2000  }
0x40: {  	[sflag:s17] =	ssyncset.done $0x0  }
0x41: {  	[sflag:s17] =	ssyncadd.s32 $0xFFFFE000  }
0x42: {  	_ =	swait.ge [sflag:s18], $0x2000  }
0x43: {  	[sflag:s18] =	ssyncset.done $0x0  }
0x44: {  	[sflag:s18] =	ssyncadd.s32 $0xFFFFE000  }
0x45: {  	[spmem:s1] =	stream.indirect.scatter.add.f32 [tilespmem:s14], [sflag:$0x3], $0x80, s20, s19, $0xb8;
	[tilespmem:$0x17D00] =	vst v63  }
0x46: {  	_ =	swait.ge [sflag:s11], $0x4000  }
0x47: {  	s21 =	sadd.s32 $0x1, s21;
	[sflag:s11] =	ssyncset.done $0x0  }
0x48: {  	p0 =	sne.s32 s21, s8;
	[sflag:s11] =	ssyncadd.s32 $0xFFFFC000  }
.Ltmp1:
0x49: {  	[bflag:$0x0] =	sbarrier.arrive $0xFFFF;
	(pc) =	sbr.rel @p0 .LBB2_1-.Ltmp1, $4  }
0x4a: {  	[hbm:s7], [sflag:s6] =	dma.local [spmem:s10], $0x2780  }
0x4b: {  	_ =	swait.ge [sflag:s11], $0x2780  }
0x4c: {  	[sflag:s11] =	ssyncset.done $0x0  }
0x4d: {  	[sflag:s11] =	ssyncadd.s32 $0xFFFFD880  }
0x4e: {  	_ =	sfence.sel $0x180000  }
0x4f: {  	[bflag:$0x0] =	sbarrier.arrive $0xFFFF  }
0x50: {  	p0 =	sne.s32 s2, $0x0;
	_ =	strace $0x9000004A  }
0x51: {  	s0 =	sadd.s32 @!p0 $0x100000, s0;
	[bflag:$0x2] =	sbarrier.arrive $0xFFFF  }
0x52: {  	[sflag:s0] =	ssyncadd.tile.s32 @!p0 $0x1;
	_ =	shalt  }
.Lfunc_end2:
_tile_overlayer_lowered:
.L_overlay_start_2:
0x53: {  	(tag) =	ssettag $0x2  }
0x54: {  	s0 =	rddreg [dreg:$0x0];
	s2 =	stileid.u32  }
0x55: {  	s1 =	rddreg [dreg:$0x1];
	p0 =	sne.s32 s2, $0x0  }
0x56: {  	s3 =	rddreg [dreg:$0x2];
	[bflag:$0x3] =	sbarrier.arrive $0xFFFF;
	s2 =	simm.s32 @!p0 $0x1C03  }
0x57: {  	[timem:s3], [sflag:s2] =	dma.local @!p0 [hbm:s0], s1  }
0x58: {  	s0 =	simm.s32 @!p0 $0x3  }
0x59: {  	_ =	swait.ge @!p0 [sflag:s0], s1  }
0x5a: {  	s1 =	ssub.s32 @!p0 $0x0, s1;
	[sflag:s0] =	ssyncset.done @!p0 $0x0  }
0x5b: {  	[sflag:s0] =	ssyncadd.s32 @!p0 s1  }
0x5c: {  	[bflag:$0x3] =	sbarrier.arrive $0xFFFF  }
0x5d: {  	_ =	shalt  }

// kernel: kernel.37.cloned.1.call-start
scs
__scs_entry_jumppad:
0x0: {  	(pc) =	sbr.rel $0x88, $3  }
0x1: {  	(tag) =	ssettag $0x0;
	lr =	simm.s32 $0x1  }
0x2: {  	[smem:$0x3F8B] =	sst lr;
	_ =	strace $0xD0000000  }
0x3: {  	_ = 	snop  }
0x4: {  	_ = 	snop  }
0x5: {  	_ = 	snop  }
0x6: {  	_ = 	snop  }
0x7: {  	_ = 	snop  }
__scs_overlays_trampoline_lowered:
0x8: {  	[smem:$0x3F9A] =	sst s0  }
0x9: {  	[smem:$0x3F9B] =	sst s1  }
0xa: {  	[smem:$0x3F9C] =	sst s2  }
0xb: {  	[smem:$0x3F9D] =	sst s3  }
0xc: {  	[smem:$0x3F9E] =	sst s4  }
0xd: {  	[smem:$0x3F9F] =	sst s5  }
0xe: {  	[smem:$0x3FA0] =	sst s6  }
0xf: {  	[smem:$0x3FA1] =	sst s7  }
0x10: {  	[smem:$0x3FA2] =	sst s8  }
0x11: {  	[smem:$0x3FA3] =	sst s9;
	s0 =	simm.s32 @!p0 $0x0  }
0x12: {  	s1 =	sld [smem:$0x3F89];
	s0 =	simm.s32 @p0 $0x1  }
0x13: {  	[smem:$0x3FA4] =	sst s0;
	s0 =	simm.s32 @!p1 $0x0  }
0x14: {  	s2 =	sld [smem:$0x3F88];
	s0 =	simm.s32 @p1 $0x1  }
0x15: {  	[smem:$0x3FA5] =	sst s0;
	s0 =	simm.s32 @!p2 $0x0  }
0x16: {  	s3 =	sld [smem:$0x3FDB];
	s0 =	simm.s32 @p2 $0x1  }
0x17: {  	s4 =	simm.s32 $0x1BF5;
	[smem:$0x3FA7] =	sst s0  }
0x18: {  	s0 =	sld [smem:$0x3F8A];
	_ =	swait.ge [sflag:s4], $0x0  }
0x19: {  	s7 =	sld [smem:$0x3F8B]  }
0x1a: {  	s8 =	sadd.s32 $0xFFFFE003, lr  }
0x1b: {  	s9 =	sadd.s32 $0xFFFFFEF7, lr;
	s5 =	simm.s32 $0xFFFFFFFF;
	p2 =	slt.u32 s8, $0xFFFFF086  }
0x1c: {  	p1 =	slt.u32 s9, $0xF7A;
	s5 =	simm.s32 @!p2 $0x0  }
0x1d: {  	s5 =	simm.s32 @p1 $0x1;
	p0 =	seq.s32 s7, s2  }
0x1e: {  	s7 =	smul.u32 @!p0 $0xF7A, s2;
	p2 =	seq.s32 @!p0 s5, $0x0  }
0x1f: {  	s9 =	smul.u32 $0xF7A, s1;
	s8 =	simm.s32 @!p0 $0x1BF5;
	p2 =	por !p2, p0  }
0x20: {  	[sflag:s8] =	ssyncset.s32 @!p0 $0xFFFFF086;
	s6 =	sadd.s32 @!p0 s3, s7;
	s7 =	simm.s32 @!p0 $0x108  }
0x21: {  	s3 =	sadd.s32 s3, s9;
	s6 =	sadd.s32 @!p0 $0x88, s6;
	s7 =	simm.s32 @p2 $0x1082  }
0x22: {  	[simem:s7], [sflag:s8] =	dma.local @!p0 [hbm:s6], $0xF7A  }
0x23: {  	s9 =	sor.u32 $0xD0000000, s2;
	s6 =	simm.s32 $0x108;
	_ =	swait.ge @!p0 [sflag:s8], $0x0  }
0x24: {  	s3 =	sadd.s32 $0x88, s3;
	s6 =	simm.s32 @!p1 $0x1082;
	[sflag:s4] =	ssyncset.s32 $0xFFFFF086  }
0x25: {  	[simem:s6], [sflag:s4] =	dma.local [hbm:s3], $0xF7A  }
0x26: {  	[smem:$0x3F8B] =	sst s1;
	(tag) =	ssettag s2;
	_ =	strace s9  }
0x27: {  	s1 =	sld [smem:$0x3F9B]  }
0x28: {  	s2 =	sld [smem:$0x3F9C]  }
0x29: {  	s4 =	sld [smem:$0x3F9E]  }
0x2a: {  	p0 =	seq.s32 s5, $0x0;
	s5 =	sld [smem:$0x3F9F]  }
0x2b: {  	s6 =	sld [smem:$0x3FA0]  }
0x2c: {  	s7 =	sld [smem:$0x3FA1]  }
0x2d: {  	s3 =	simm.s32 $0x108;
	s8 =	sld [smem:$0x3FA2]  }
0x2e: {  	s3 =	simm.s32 @!p0 $0x1082;
	s9 =	sld [smem:$0x3FA3]  }
0x2f: {  	lr =	sadd.s32 s0, s3;
	s0 =	sld [smem:$0x3F9A]  }
0x30: {  	s3 =	sld [smem:$0x3F9D]  }
0x31: {  	[smem:$0x3FA6] =	sst s10  }
0x32: {  	s10 =	sld [smem:$0x3FA4];
	_ =	sdelay $0x3  }
0x33: {  	p0 =	seq.s32 s10, $0x1;
	s10 =	sld [smem:$0x3FA6];
	_ =	sdelay $0x3  }
0x34: {  	[smem:$0x3FA6] =	sst s10  }
0x35: {  	s10 =	sld [smem:$0x3FA5];
	_ =	sdelay $0x3  }
0x36: {  	p1 =	seq.s32 s10, $0x1;
	s10 =	sld [smem:$0x3FA6];
	_ =	sdelay $0x3  }
0x37: {  	[smem:$0x3FA6] =	sst s10  }
0x38: {  	s10 =	sld [smem:$0x3FA7]  }
0x39: {  	_ = 	snop;
	(pc) =	sbr.ind lr, $3  }
0x3a: {  	_ = 	snop  }
0x3b: {  	_ = 	snop  }
0x3c: {  	p2 =	seq.s32 s10, $0x1;
	s10 =	sld [smem:$0x3FA6]  }
0x3d: {  	_ =	shalt  }
0x3e: {  	_ =	shalt  }
0x3f: {  	_ =	shalt  }
0x40: {  	_ =	shalt  }
0x41: {  	_ =	shalt  }
0x42: {  	_ =	shalt  }
0x43: {  	_ =	shalt  }
0x44: {  	_ =	shalt  }
0x45: {  	_ =	shalt  }
0x46: {  	_ =	shalt  }
0x47: {  	_ =	shalt  }
0x48: {  	_ =	shalt  }
0x49: {  	_ =	shalt  }
0x4a: {  	_ =	shalt  }
0x4b: {  	_ =	shalt  }
0x4c: {  	_ =	shalt  }
0x4d: {  	_ =	shalt  }
0x4e: {  	_ =	shalt  }
0x4f: {  	_ =	shalt  }
0x50: {  	_ =	shalt  }
0x51: {  	_ =	shalt  }
0x52: {  	_ =	shalt  }
0x53: {  	_ =	shalt  }
0x54: {  	_ =	shalt  }
0x55: {  	_ =	shalt  }
0x56: {  	_ =	shalt  }
0x57: {  	_ =	shalt  }
0x58: {  	_ =	shalt  }
0x59: {  	_ =	shalt  }
0x5a: {  	_ =	shalt  }
0x5b: {  	_ =	shalt  }
0x5c: {  	_ =	shalt  }
0x5d: {  	_ =	shalt  }
0x5e: {  	_ =	shalt  }
0x5f: {  	_ =	shalt  }
0x60: {  	_ =	shalt  }
0x61: {  	_ =	shalt  }
0x62: {  	_ =	shalt  }
0x63: {  	_ =	shalt  }
0x64: {  	_ =	shalt  }
0x65: {  	_ =	shalt  }
0x66: {  	_ =	shalt  }
0x67: {  	_ =	shalt  }
0x68: {  	_ =	shalt  }
0x69: {  	_ =	shalt  }
0x6a: {  	_ =	shalt  }
0x6b: {  	_ =	shalt  }
0x6c: {  	_ =	shalt  }
0x6d: {  	_ =	shalt  }
0x6e: {  	_ =	shalt  }
0x6f: {  	_ =	shalt  }
0x70: {  	_ =	shalt  }
0x71: {  	_ =	shalt  }
0x72: {  	_ =	shalt  }
0x73: {  	_ =	shalt  }
0x74: {  	_ =	shalt  }
0x75: {  	_ =	shalt  }
0x76: {  	_ =	shalt  }
0x77: {  	_ =	shalt  }
0x78: {  	_ =	shalt  }
0x79: {  	_ =	shalt  }
0x7a: {  	_ =	shalt  }
0x7b: {  	_ =	shalt  }
0x7c: {  	_ =	shalt  }
0x7d: {  	_ =	shalt  }
0x7e: {  	_ =	shalt  }
0x7f: {  	_ =	shalt  }
0x80: {  	_ =	shalt  }
0x81: {  	_ =	shalt  }
0x82: {  	_ =	shalt  }
0x83: {  	_ =	shalt  }
0x84: {  	_ =	shalt  }
0x85: {  	_ =	shalt  }
0x86: {  	_ =	shalt  }
0x87: {  	_ =	shalt  }
.Lfunc_end0:
.L_simem_size_0:
called_computation.3_lowered:
.L_overlay_start_0:
0x88: {  	s2 =	sld [smem:$0x3FD9]  }
0x89: {  	s3 =	sld [smem:$0x3FFE];
	_ =	sdelay $0x1  }
0x8a: {  	s1 =	srdreg.scid  }
0x8b: {  	s0 =	sand.u32 $0x1, s1  }
0x8c: {  	s16 =	sshll.u32 s0, $0xA;
	s2 =	sadd.s32 s3, s2  }
0x8d: {  	s2 =	sadd.s32 s2, s16  }
0x8e: {  	[smem:$0x3FB2] =	sst s2  }
0x8f: {  	_ = 	snop  }
0x90: {  	(tm) =	ssettm $0x1  }
0x91: {  	s17 =	sld [smem:$0x3FFB];
	_ =	sdelay $0x3  }
0x92: {  	_ =	strace s17  }
0x93: {  	s2 =	sld [smem:$0x3FFC];
	_ =	sdelay $0x3  }
0x94: {  	_ =	strace s2  }
0x95: {  	s2 =	sld [smem:$0x3FFD];
	_ =	sdelay $0x3  }
0x96: {  	_ =	strace s2  }
0x97: {  	_ =	strace $0x8FFFFFFF  }
0x98: {  	s18 =	sld [smem:$0x3FDB];
	_ =	sdelay $0x1  }
0x99: {  	s19 =	simm.s32 $_scs_section_size  }
0x9a: {  	s4 =	simm.s32 $_size__tile_overlayer_lowered;
	s5 =	simm.s32 $_tile_overlayer_lowered  }
0x9b: {  	s22 =	simm.s32 $0x1BFF;
	s21 =	sshll.u32 s5, $0x1;
	s2 =	sadd.s32 s19, s18  }
0x9c: {  	s6 =	simm.s32 $0x0;
	s20 =	sshll.u32 s4, $0x1;
	s4 =	sadd.s32 s21, s2  }
0x9d: {  	[timem:s6], [sflag:s22] =	dma.local [hbm:s4], s20  }
0x9e: {  	_ =	swait.ge [sflag:s22], s20  }
0x9f: {  	s3 =	ssub.s32 $0x0, s20;
	[sflag:s22] =	ssyncset.done $0x0  }
0xa0: {  	[sflag:s22] =	ssyncadd.s32 s3;
	_ =	sdelay $0x1  }
0xa1: {  	s23 =	simm.s32 $0x1B8B  }
0xa2: {  	_ =	swait.ge [sflag:s23], $0x1  }
0xa3: {  	[sflag:s23] =	ssyncset.done $0x0  }
0xa4: {  	s25 =	simm.s32 $0x1B8E;
	s24 =	sld [smem:$0x3FFE];
	[sflag:s23] =	ssyncadd.s32 $0xFFFFFFFF  }
0xa5: {  	s26 =	simm.s32 $execute0_lowered;
	[smem:$0x3FD2] =	sst s25  }
0xa6: {  	s4 =	sshll.u32 s26, $0x1;
	_ =	strace $0x8000004C;
	[dreg:$0x1] =	wrdreg $0xFFFFFFFF  }
0xa7: {  	s28 =	simm.s32 $_size_execute0_lowered;
	s2 =	sadd.s32 s2, s4;
	[dreg:$0x0] =	wrdreg $0x0  }
0xa8: {  	s4 =	sshll.u32 s28, $0x1;
	[dreg:$0x2] =	wrdreg s2  }
0xa9: {  	[dreg:$0x3] =	wrdreg s4  }
0xaa: {  	[dreg:$0x4] =	wrdreg $0xC0  }
0xab: {  	_ =	task [dreg:s6], $0x5FFFF  }
0xac: {  	[dreg:$0x1] =	wrdreg $0xFFFFFFFF  }
0xad: {  	[dreg:$0x0] =	wrdreg $0x60  }
0xae: {  	[dreg:$0x2] =	wrdreg s24  }
0xaf: {  	[dreg:$0x3] =	wrdreg $0x0  }
0xb0: {  	[dreg:$0x4] =	wrdreg $0xA  }
0xb1: {  	_ =	task.clear_ibuf [dreg:s6], $0x5FFFF;
	_ =	strace $0x9000004C  }
0xb2: {  	s29 =	simm.s32 $0xA;
	_ =	strace $0x8000004E  }
0xb3: {  	_ =	swait.ge [sflag:s29], $0x1  }
0xb4: {  	[sflag:s29] =	ssyncadd.s32 $0xFFFFFFFF  }
0xb5: {  	_ =	strace $0x9000004E  }
0xb6: {  	_ =	sfence  }
0xb7: {  	s30 =	sld [smem:$0x0];
	_ =	sdelay $0x2  }
0xb8: {  	s31 =	sshll.u32 s1, $0xD;
	s1 =	sshrl.u32 s1, $0x2  }
0xb9: {  	s3 =	sand.u32 $0x4000, s31;
	s1 =	sadd.s32 s1, s30  }
0xba: {  	s0 =	sor.u32 s3, s0;
	s1 =	sshll.u32 s1, $0x11  }
0xbb: {  	s0 =	sor.u32 s1, s0  }
0xbc: {  	s0 =	sadd.s32 $0x8F2B, s0  }
0xbd: {  	[sflag:s0] =	ssyncadd.remote.s32 $0x1  }
0xbe: {  	_ =	sfence.sel $0xFFFF  }
0xbf: {  	[dreg:$0x0] =	wrdreg $0xFFFFFFFF;
	(pc) =	sbr.abs _section_cstart, $3  }
0xc0: {  	[dreg:$0x1] =	wrdreg $0xFFFFFFFF  }
0xc1: {  	_ =	task.clear_ibuf [dreg:s6], $0x2FFFF;
	_ =	strace $0x9FFFFFFF  }
0xc2: {  	(tm) =	ssettm $0x7FFFFFFF  }
0xc3: {  	_ =	shalt  }
tec
execute0_lowered:
.L_overlay_start_1:
0x0: {  	(tag) =	ssettag $0x1  }
0x1: {  	s6 =	rddreg [dreg:$0x0]  }
0x2: {  	s0 =	srdreg.scid;
	s1 =	rddreg [dreg:$0x1];
	s3 =	simm.s32 $0x0  }
0x3: {  	s2 =	stileid.u32;
	s14 =	simm.s32 $0x13D00;
	s15 =	simm.s32 $0x13C40  }
0x4: {  	s16 =	simm.s32 $0x15D00;
	s17 =	simm.s32 $0x1;
	s18 =	simm.s32 $0x2  }
0x5: {  	s19 =	simm.s32 $0x80;
	s20 =	simm.s32 $0x13C80;
	s9 =	smul.u32 $0x13C00, s2  }
0x6: {  	s7 =	sand.u32 $0x1, s0;
	s0 =	rddreg [dreg:$0x2];
	s26 =	smul.u32 $0x4F000, s2  }
0x7: {  	s21 =	simm.s32 $0x0;
	[smem:$0x7FF] =	sst s3;
	s11 =	smul.u32 $0x9E0, s2  }
0x8: {  	s4 =	sadd.s32 $0x52C00, s6;
	s30 =	sshll.u32 s2, $0x6;
	s5 =	smul.u32 $0x9E00, s7  }
0x9: {  	s8 =	smul.u32 $0x13C000, s7;
	_ =	strace $0x8000004D;
	s7 =	ssub.s32 $0x2, s7  }
0xa: {  	s28 =	sshrl.u32 s7, $0x1;
	s29 =	sshrl.u32 s26, $0x2;
	s10 =	sadd.s32 s5, s6  }
0xb: {  	s5 =	sadd.s32 $0x28C00, s6;
	s8 =	sadd.s32 s9, s8;
	s12 =	ssub.s32 s7, s28  }
0xc: {  	s13 =	sadd.s32 s29, s1;
	s8 =	sshrl.u32 s8, $0x3;
	s31 =	sadd.s32 s11, s10  }
0xd: {  	s10 =	sshrl.u32 s13, $0x3;
	s11 =	simm.s32 $0x3;
	s13 =	simm.s32 $0x40  }
0xe: {  	s8 =	sadd.s32 s8, s6;
	s6 =	sor.u32 $0x1C03, s30;
	s9 =	sadd.s32 $0x6E3C00, s31  }
0xf: {  	s7 =	sadd.s32 $0x7A400, s8;
	s8 =	smax.u32 s12, $0x1;
	s12 =	simm.s32 $0x13C00  }
.LBB2_1:
0x10: {  	[spmem:s10], [sflag:s6] =	dma.local [hbm:s5], $0x2780  }
0x11: {  	_ =	swait.ge [sflag:s11], $0x2780  }
0x12: {  	[sflag:s11] =	ssyncset.done $0x0  }
0x13: {  	[sflag:s11] =	ssyncadd.s32 $0xFFFFD880  }
0x14: {  	s22 =	sadd.s32 $0x0, s9;
	[bflag:$0x0] =	sbarrier.arrive $0xFFFF  }
0x15: {  	[tilespmem:s12], [sflag:$0x3] =	stream.linear.gather [hbm4b:s22+s3], $0x100, $0x38;
	[tilespmem:$0x17D00] =	vst v63  }
0x16: {  	_ =	swait.ge [sflag:s11], $0x100  }
0x17: {  	[sflag:s11] =	ssyncset.done $0x0  }
0x18: {  	[sflag:s11] =	ssyncadd.s32 $0xFFFFFF00  }
0x19: {  	[tilespmem:s14], [sflag:$0x1] =	stream.indirect.gather [hbm4b:s4+s13], $0x80, s12, s13, $0xb8;
	[tilespmem:$0x17D00] =	vst v63  }
0x1a: {  	_ = 	snop  }
0x1b: {  	[tilespmem:s16], [sflag:$0x2] =	stream.indirect.gather [hbm4b:s4+s13], $0x80, s15, s13, $0xb8;
	[tilespmem:$0x17D00] =	vst v63  }
0x1c: {  	_ =	swait.ge [sflag:s17], $0x2000  }
0x1d: {  	[sflag:s17] =	ssyncset.done $0x0  }
0x1e: {  	[sflag:s17] =	ssyncadd.s32 $0xFFFFE000  }
0x1f: {  	_ =	swait.ge [sflag:s18], $0x2000  }
0x20: {  	[sflag:s18] =	ssyncset.done $0x0  }
0x21: {  	[sflag:s18] =	ssyncadd.s32 $0xFFFFE000  }
0x22: {  	[spmem:s1] =	stream.indirect.scatter.add.f32 [tilespmem:s14], [sflag:$0x3], $0x80, s20, s19, $0xb8;
	[tilespmem:$0x17D00] =	vst v63  }
0x23: {  	_ =	swait.ge [sflag:s11], $0x4000  }
0x24: {  	s23 =	simm.s32 $0x40;
	s22 =	simm.s32 $0x20;
	[sflag:s11] =	ssyncset.done $0x0  }
.LBB2_2:
0x25: {  	s24 =	sadd.s32 s22, s9  }
0x26: {  	[sflag:s11] =	ssyncadd.s32 $0xFFFFC000;
	s22 =	smov.u32 s23;
	s25 =	sadd.s32 $0x20, s23  }
0x27: {  	[tilespmem:s12], [sflag:$0x3] =	stream.linear.gather [hbm4b:s24+s3], $0x100, $0x38;
	[tilespmem:$0x17D00] =	vst v63  }
0x28: {  	p0 =	sne.s32 s23, $0x9C0;
	_ =	swait.ge [sflag:s11], $0x100  }
0x29: {  	[sflag:s11] =	ssyncset.done $0x0  }
0x2a: {  	[sflag:s11] =	ssyncadd.s32 $0xFFFFFF00  }
0x2b: {  	[tilespmem:s14], [sflag:$0x1] =	stream.indirect.gather [hbm4b:s4+s13], $0x80, s12, s13, $0xb8;
	[tilespmem:$0x17D00] =	vst v63  }
0x2c: {  	_ = 	snop  }
0x2d: {  	[tilespmem:s16], [sflag:$0x2] =	stream.indirect.gather [hbm4b:s4+s13], $0x80, s15, s13, $0xb8;
	[tilespmem:$0x17D00] =	vst v63  }
0x2e: {  	_ =	swait.ge [sflag:s17], $0x2000  }
0x2f: {  	[sflag:s17] =	ssyncset.done $0x0  }
0x30: {  	[sflag:s17] =	ssyncadd.s32 $0xFFFFE000  }
0x31: {  	_ =	swait.ge [sflag:s18], $0x2000  }
.Ltmp0:
0x32: {  	[sflag:s18] =	ssyncset.done $0x0;
	(pc) =	sbr.rel @p0 .LBB2_2-.Ltmp0, $4  }
0x33: {  	[sflag:s18] =	ssyncadd.s32 $0xFFFFE000  }
0x34: {  	[spmem:s1] =	stream.indirect.scatter.add.f32 [tilespmem:s14], [sflag:$0x3], $0x80, s20, s19, $0xb8;
	[tilespmem:$0x17D00] =	vst v63  }
0x35: {  	_ =	swait.ge [sflag:s11], $0x4000  }
0x36: {  	s23 =	smov.u32 s25;
	[sflag:s11] =	ssyncset.done $0x0  }
0x37: {  	s22 =	sadd.s32 s22, s9;
	[sflag:s11] =	ssyncadd.s32 $0xFFFFC000  }
0x38: {  	[tilespmem:s12], [sflag:$0x3] =	stream.linear.gather [hbm4b:s22+s3], $0x100, $0x38;
	[tilespmem:$0x17D00] =	vst v63  }
0x39: {  	_ =	swait.ge [sflag:s11], $0x100  }
0x3a: {  	[sflag:s11] =	ssyncset.done $0x0  }
0x3b: {  	[sflag:s11] =	ssyncadd.s32 $0xFFFFFF00  }
0x3c: {  	[tilespmem:s14], [sflag:$0x1] =	stream.indirect.gather [hbm4b:s4+s13], $0x80, s12, s13, $0xb8;
	[tilespmem:$0x17D00] =	vst v63  }
0x3d: {  	_ = 	snop  }
0x3e: {  	[tilespmem:s16], [sflag:$0x2] =	stream.indirect.gather [hbm4b:s4+s13], $0x80, s15, s13, $0xb8;
	[tilespmem:$0x17D00] =	vst v63  }
0x3f: {  	_ =	swait.ge [sflag:s17], $0x2000  }
0x40: {  	[sflag:s17] =	ssyncset.done $0x0  }
0x41: {  	[sflag:s17] =	ssyncadd.s32 $0xFFFFE000  }
0x42: {  	_ =	swait.ge [sflag:s18], $0x2000  }
0x43: {  	[sflag:s18] =	ssyncset.done $0x0  }
0x44: {  	[sflag:s18] =	ssyncadd.s32 $0xFFFFE000  }
0x45: {  	[spmem:s1] =	stream.indirect.scatter.add.f32 [tilespmem:s14], [sflag:$0x3], $0x80, s20, s19, $0xb8;
	[tilespmem:$0x17D00] =	vst v63  }
0x46: {  	_ =	swait.ge [sflag:s11], $0x4000  }
0x47: {  	s21 =	sadd.s32 $0x1, s21;
	[sflag:s11] =	ssyncset.done $0x0  }
0x48: {  	p0 =	sne.s32 s21, s8;
	[sflag:s11] =	ssyncadd.s32 $0xFFFFC000  }
.Ltmp1:
0x49: {  	[bflag:$0x0] =	sbarrier.arrive $0xFFFF;
	(pc) =	sbr.rel @p0 .LBB2_1-.Ltmp1, $4  }
0x4a: {  	[hbm:s7], [sflag:s6] =	dma.local [spmem:s10], $0x2780  }
0x4b: {  	_ =	swait.ge [sflag:s11], $0x2780  }
0x4c: {  	[sflag:s11] =	ssyncset.done $0x0  }
0x4d: {  	[sflag:s11] =	ssyncadd.s32 $0xFFFFD880  }
0x4e: {  	_ =	sfence.sel $0x180000  }
0x4f: {  	[bflag:$0x0] =	sbarrier.arrive $0xFFFF  }
0x50: {  	p0 =	sne.s32 s2, $0x0;
	_ =	strace $0x9000004D  }
0x51: {  	s0 =	sadd.s32 @!p0 $0x100000, s0;
	[bflag:$0x2] =	sbarrier.arrive $0xFFFF  }
0x52: {  	[sflag:s0] =	ssyncadd.tile.s32 @!p0 $0x1;
	_ =	shalt  }
.Lfunc_end2:
_tile_overlayer_lowered:
.L_overlay_start_2:
0x53: {  	(tag) =	ssettag $0x2  }
0x54: {  	s0 =	rddreg [dreg:$0x0];
	s2 =	stileid.u32  }
0x55: {  	s1 =	rddreg [dreg:$0x1];
	p0 =	sne.s32 s2, $0x0  }
0x56: {  	s3 =	rddreg [dreg:$0x2];
	[bflag:$0x3] =	sbarrier.arrive $0xFFFF;
	s2 =	simm.s32 @!p0 $0x1C03  }
0x57: {  	[timem:s3], [sflag:s2] =	dma.local @!p0 [hbm:s0], s1  }
0x58: {  	s0 =	simm.s32 @!p0 $0x3  }
0x59: {  	_ =	swait.ge @!p0 [sflag:s0], s1  }
0x5a: {  	s1 =	ssub.s32 @!p0 $0x0, s1;
	[sflag:s0] =	ssyncset.done @!p0 $0x0  }
0x5b: {  	[sflag:s0] =	ssyncadd.s32 @!p0 s1  }
0x5c: {  	[bflag:$0x3] =	sbarrier.arrive $0xFFFF  }
0x5d: {  	_ =	shalt  }

// kernel: kernel.40.cloned.1.call-start
scs
__scs_entry_jumppad:
0x0: {  	(pc) =	sbr.rel $0x88, $3  }
0x1: {  	(tag) =	ssettag $0x0;
	lr =	simm.s32 $0x1  }
0x2: {  	[smem:$0x3F8B] =	sst lr;
	_ =	strace $0xD0000000  }
0x3: {  	_ = 	snop  }
0x4: {  	_ = 	snop  }
0x5: {  	_ = 	snop  }
0x6: {  	_ = 	snop  }
0x7: {  	_ = 	snop  }
__scs_overlays_trampoline_lowered:
0x8: {  	[smem:$0x3F9A] =	sst s0  }
0x9: {  	[smem:$0x3F9B] =	sst s1  }
0xa: {  	[smem:$0x3F9C] =	sst s2  }
0xb: {  	[smem:$0x3F9D] =	sst s3  }
0xc: {  	[smem:$0x3F9E] =	sst s4  }
0xd: {  	[smem:$0x3F9F] =	sst s5  }
0xe: {  	[smem:$0x3FA0] =	sst s6  }
0xf: {  	[smem:$0x3FA1] =	sst s7  }
0x10: {  	[smem:$0x3FA2] =	sst s8  }
0x11: {  	[smem:$0x3FA3] =	sst s9;
	s0 =	simm.s32 @!p0 $0x0  }
0x12: {  	s1 =	sld [smem:$0x3F89];
	s0 =	simm.s32 @p0 $0x1  }
0x13: {  	[smem:$0x3FA4] =	sst s0;
	s0 =	simm.s32 @!p1 $0x0  }
0x14: {  	s2 =	sld [smem:$0x3F88];
	s0 =	simm.s32 @p1 $0x1  }
0x15: {  	[smem:$0x3FA5] =	sst s0;
	s0 =	simm.s32 @!p2 $0x0  }
0x16: {  	s3 =	sld [smem:$0x3FDB];
	s0 =	simm.s32 @p2 $0x1  }
0x17: {  	s4 =	simm.s32 $0x1BF5;
	[smem:$0x3FA7] =	sst s0  }
0x18: {  	s0 =	sld [smem:$0x3F8A];
	_ =	swait.ge [sflag:s4], $0x0  }
0x19: {  	s7 =	sld [smem:$0x3F8B]  }
0x1a: {  	s8 =	sadd.s32 $0xFFFFE003, lr  }
0x1b: {  	s9 =	sadd.s32 $0xFFFFFEF7, lr;
	s5 =	simm.s32 $0xFFFFFFFF;
	p2 =	slt.u32 s8, $0xFFFFF086  }
0x1c: {  	p1 =	slt.u32 s9, $0xF7A;
	s5 =	simm.s32 @!p2 $0x0  }
0x1d: {  	s5 =	simm.s32 @p1 $0x1;
	p0 =	seq.s32 s7, s2  }
0x1e: {  	s7 =	smul.u32 @!p0 $0xF7A, s2;
	p2 =	seq.s32 @!p0 s5, $0x0  }
0x1f: {  	s9 =	smul.u32 $0xF7A, s1;
	s8 =	simm.s32 @!p0 $0x1BF5;
	p2 =	por !p2, p0  }
0x20: {  	[sflag:s8] =	ssyncset.s32 @!p0 $0xFFFFF086;
	s6 =	sadd.s32 @!p0 s3, s7;
	s7 =	simm.s32 @!p0 $0x108  }
0x21: {  	s3 =	sadd.s32 s3, s9;
	s6 =	sadd.s32 @!p0 $0x88, s6;
	s7 =	simm.s32 @p2 $0x1082  }
0x22: {  	[simem:s7], [sflag:s8] =	dma.local @!p0 [hbm:s6], $0xF7A  }
0x23: {  	s9 =	sor.u32 $0xD0000000, s2;
	s6 =	simm.s32 $0x108;
	_ =	swait.ge @!p0 [sflag:s8], $0x0  }
0x24: {  	s3 =	sadd.s32 $0x88, s3;
	s6 =	simm.s32 @!p1 $0x1082;
	[sflag:s4] =	ssyncset.s32 $0xFFFFF086  }
0x25: {  	[simem:s6], [sflag:s4] =	dma.local [hbm:s3], $0xF7A  }
0x26: {  	[smem:$0x3F8B] =	sst s1;
	(tag) =	ssettag s2;
	_ =	strace s9  }
0x27: {  	s1 =	sld [smem:$0x3F9B]  }
0x28: {  	s2 =	sld [smem:$0x3F9C]  }
0x29: {  	s4 =	sld [smem:$0x3F9E]  }
0x2a: {  	p0 =	seq.s32 s5, $0x0;
	s5 =	sld [smem:$0x3F9F]  }
0x2b: {  	s6 =	sld [smem:$0x3FA0]  }
0x2c: {  	s7 =	sld [smem:$0x3FA1]  }
0x2d: {  	s3 =	simm.s32 $0x108;
	s8 =	sld [smem:$0x3FA2]  }
0x2e: {  	s3 =	simm.s32 @!p0 $0x1082;
	s9 =	sld [smem:$0x3FA3]  }
0x2f: {  	lr =	sadd.s32 s0, s3;
	s0 =	sld [smem:$0x3F9A]  }
0x30: {  	s3 =	sld [smem:$0x3F9D]  }
0x31: {  	[smem:$0x3FA6] =	sst s10  }
0x32: {  	s10 =	sld [smem:$0x3FA4];
	_ =	sdelay $0x3  }
0x33: {  	p0 =	seq.s32 s10, $0x1;
	s10 =	sld [smem:$0x3FA6];
	_ =	sdelay $0x3  }
0x34: {  	[smem:$0x3FA6] =	sst s10  }
0x35: {  	s10 =	sld [smem:$0x3FA5];
	_ =	sdelay $0x3  }
0x36: {  	p1 =	seq.s32 s10, $0x1;
	s10 =	sld [smem:$0x3FA6];
	_ =	sdelay $0x3  }
0x37: {  	[smem:$0x3FA6] =	sst s10  }
0x38: {  	s10 =	sld [smem:$0x3FA7]  }
0x39: {  	_ = 	snop;
	(pc) =	sbr.ind lr, $3  }
0x3a: {  	_ = 	snop  }
0x3b: {  	_ = 	snop  }
0x3c: {  	p2 =	seq.s32 s10, $0x1;
	s10 =	sld [smem:$0x3FA6]  }
0x3d: {  	_ =	shalt  }
0x3e: {  	_ =	shalt  }
0x3f: {  	_ =	shalt  }
0x40: {  	_ =	shalt  }
0x41: {  	_ =	shalt  }
0x42: {  	_ =	shalt  }
0x43: {  	_ =	shalt  }
0x44: {  	_ =	shalt  }
0x45: {  	_ =	shalt  }
0x46: {  	_ =	shalt  }
0x47: {  	_ =	shalt  }
0x48: {  	_ =	shalt  }
0x49: {  	_ =	shalt  }
0x4a: {  	_ =	shalt  }
0x4b: {  	_ =	shalt  }
0x4c: {  	_ =	shalt  }
0x4d: {  	_ =	shalt  }
0x4e: {  	_ =	shalt  }
0x4f: {  	_ =	shalt  }
0x50: {  	_ =	shalt  }
0x51: {  	_ =	shalt  }
0x52: {  	_ =	shalt  }
0x53: {  	_ =	shalt  }
0x54: {  	_ =	shalt  }
0x55: {  	_ =	shalt  }
0x56: {  	_ =	shalt  }
0x57: {  	_ =	shalt  }
0x58: {  	_ =	shalt  }
0x59: {  	_ =	shalt  }
0x5a: {  	_ =	shalt  }
0x5b: {  	_ =	shalt  }
0x5c: {  	_ =	shalt  }
0x5d: {  	_ =	shalt  }
0x5e: {  	_ =	shalt  }
0x5f: {  	_ =	shalt  }
0x60: {  	_ =	shalt  }
0x61: {  	_ =	shalt  }
0x62: {  	_ =	shalt  }
0x63: {  	_ =	shalt  }
0x64: {  	_ =	shalt  }
0x65: {  	_ =	shalt  }
0x66: {  	_ =	shalt  }
0x67: {  	_ =	shalt  }
0x68: {  	_ =	shalt  }
0x69: {  	_ =	shalt  }
0x6a: {  	_ =	shalt  }
0x6b: {  	_ =	shalt  }
0x6c: {  	_ =	shalt  }
0x6d: {  	_ =	shalt  }
0x6e: {  	_ =	shalt  }
0x6f: {  	_ =	shalt  }
0x70: {  	_ =	shalt  }
0x71: {  	_ =	shalt  }
0x72: {  	_ =	shalt  }
0x73: {  	_ =	shalt  }
0x74: {  	_ =	shalt  }
0x75: {  	_ =	shalt  }
0x76: {  	_ =	shalt  }
0x77: {  	_ =	shalt  }
0x78: {  	_ =	shalt  }
0x79: {  	_ =	shalt  }
0x7a: {  	_ =	shalt  }
0x7b: {  	_ =	shalt  }
0x7c: {  	_ =	shalt  }
0x7d: {  	_ =	shalt  }
0x7e: {  	_ =	shalt  }
0x7f: {  	_ =	shalt  }
0x80: {  	_ =	shalt  }
0x81: {  	_ =	shalt  }
0x82: {  	_ =	shalt  }
0x83: {  	_ =	shalt  }
0x84: {  	_ =	shalt  }
0x85: {  	_ =	shalt  }
0x86: {  	_ =	shalt  }
0x87: {  	_ =	shalt  }
.Lfunc_end0:
.L_simem_size_0:
called_computation.4_lowered:
.L_overlay_start_0:
0x88: {  	s2 =	sld [smem:$0x3FD9]  }
0x89: {  	s3 =	sld [smem:$0x3FFE];
	_ =	sdelay $0x1  }
0x8a: {  	s1 =	srdreg.scid  }
0x8b: {  	s0 =	sand.u32 $0x1, s1  }
0x8c: {  	s17 =	sshll.u32 s0, $0xA;
	s2 =	sadd.s32 s3, s2  }
0x8d: {  	s2 =	sadd.s32 s2, s17  }
0x8e: {  	[smem:$0x3FB2] =	sst s2  }
0x8f: {  	_ = 	snop  }
0x90: {  	(tm) =	ssettm $0x1  }
0x91: {  	s18 =	sld [smem:$0x3FFB];
	_ =	sdelay $0x3  }
0x92: {  	_ =	strace s18  }
0x93: {  	s2 =	sld [smem:$0x3FFC];
	_ =	sdelay $0x3  }
0x94: {  	_ =	strace s2  }
0x95: {  	s2 =	sld [smem:$0x3FFD];
	_ =	sdelay $0x3  }
0x96: {  	_ =	strace s2  }
0x97: {  	_ =	strace $0x8FFFFFFF  }
0x98: {  	s19 =	sld [smem:$0x3FDB];
	_ =	sdelay $0x1  }
0x99: {  	s20 =	simm.s32 $_scs_section_size  }
0x9a: {  	s4 =	simm.s32 $_size__tile_overlayer_lowered;
	s5 =	simm.s32 $_tile_overlayer_lowered  }
0x9b: {  	s6 =	simm.s32 $0x1BFF;
	s21 =	sshll.u32 s5, $0x1;
	s3 =	sadd.s32 s20, s19  }
0x9c: {  	s22 =	simm.s32 $0x0;
	s4 =	sshll.u32 s4, $0x1;
	s5 =	sadd.s32 s21, s3  }
0x9d: {  	[timem:s22], [sflag:s6] =	dma.local [hbm:s5], s4  }
0x9e: {  	_ =	swait.ge [sflag:s6], s4  }
0x9f: {  	s4 =	ssub.s32 $0x0, s4;
	[sflag:s6] =	ssyncset.done $0x0  }
0xa0: {  	[sflag:s6] =	ssyncadd.s32 s4;
	_ =	sdelay $0x1  }
0xa1: {  	s23 =	simm.s32 $0x1B8B  }
0xa2: {  	_ =	swait.ge [sflag:s23], $0x1  }
0xa3: {  	[sflag:s23] =	ssyncset.done $0x0  }
0xa4: {  	[sflag:s23] =	ssyncadd.s32 $0xFFFFFFFF  }
0xa5: {  	s4 =	sld [smem:$0x0]  }
0xa6: {  	s5 =	sand.u32 $0xFFFFFFFE, s1  }
0xa7: {  	p0 =	sne.s32 s1, s5  }
0xa8: {  	s5 =	sshll.u32 @p0 s5, $0xE  }
0xa9: {  	s5 =	sadd.s32 @p0 $0x11B8D, s5;
	s6 =	sshll.u32 @p0 s4, $0x11  }
0xaa: {  	s5 =	sor.u32 @p0 s6, s5  }
0xab: {  	[sflag:s5] =	ssyncadd.remote.s32 @p0 $0x1;
	_ =	sdelay $0x1  }
0xac: {  	s5 =	simm.s32 @p0 $0x1B8D  }
0xad: {  	_ =	swait.eq @p0 [sflag:s5], $0x1  }
0xae: {  	[sflag:s5] =	ssyncadd.s32 @p0 $0xFFFFFFFF  }
0xaf: {  	s6 =	sshll.u32 @!p0 s1, $0xE  }
0xb0: {  	s6 =	sor.u32 @!p0 $0x4000, s6;
	s5 =	simm.s32 @!p0 $0x1B8D  }
0xb1: {  	s4 =	sshll.u32 @!p0 s4, $0x11;
	s6 =	sadd.s32 @!p0 $0x11B8D, s6;
	_ =	swait.eq @!p0 [sflag:s5], $0x1  }
0xb2: {  	s4 =	sor.u32 @!p0 s4, s6;
	[sflag:s5] =	ssyncadd.s32 @!p0 $0xFFFFFFFF  }
0xb3: {  	s25 =	simm.s32 $0x1B8E;
	s24 =	sld [smem:$0x3FFE];
	[sflag:s4] =	ssyncadd.remote.s32 @!p0 $0x1  }
0xb4: {  	s26 =	simm.s32 $execute0_lowered;
	[smem:$0x3FD2] =	sst s25  }
0xb5: {  	s5 =	sshll.u32 s26, $0x1;
	_ =	strace $0x80000052;
	[dreg:$0x1] =	wrdreg $0xFFFFFFFF  }
0xb6: {  	s28 =	simm.s32 $_size_execute0_lowered;
	s3 =	sadd.s32 s3, s5;
	[dreg:$0x0] =	wrdreg $0x0  }
0xb7: {  	s5 =	sshll.u32 s28, $0x1;
	[dreg:$0x2] =	wrdreg s3  }
0xb8: {  	[dreg:$0x3] =	wrdreg s5  }
0xb9: {  	[dreg:$0x4] =	wrdreg $0xC0  }
0xba: {  	_ =	task [dreg:s22], $0x5FFFF  }
0xbb: {  	[dreg:$0x1] =	wrdreg $0xFFFFFFFF  }
0xbc: {  	[dreg:$0x0] =	wrdreg $0x60  }
0xbd: {  	[dreg:$0x2] =	wrdreg s24  }
0xbe: {  	[dreg:$0x3] =	wrdreg $0x0  }
0xbf: {  	[dreg:$0x4] =	wrdreg $0xA  }
0xc0: {  	_ =	task.clear_ibuf [dreg:s22], $0x5FFFF;
	_ =	strace $0x90000052  }
0xc1: {  	s29 =	simm.s32 $0xA;
	_ =	strace $0x80000054  }
0xc2: {  	_ =	swait.ge [sflag:s29], $0x1  }
0xc3: {  	[sflag:s29] =	ssyncadd.s32 $0xFFFFFFFF  }
0xc4: {  	_ =	strace $0x90000054  }
0xc5: {  	_ =	sfence  }
0xc6: {  	s30 =	sld [smem:$0x0];
	_ =	sdelay $0x2  }
0xc7: {  	s31 =	sshll.u32 s1, $0xD;
	s1 =	sshrl.u32 s1, $0x2  }
0xc8: {  	s4 =	sand.u32 $0x4000, s31;
	s1 =	sadd.s32 s1, s30  }
0xc9: {  	s0 =	sor.u32 s4, s0;
	s1 =	sshll.u32 s1, $0x11  }
0xca: {  	s0 =	sor.u32 s1, s0  }
0xcb: {  	s0 =	sadd.s32 $0x8F2B, s0  }
0xcc: {  	[sflag:s0] =	ssyncadd.remote.s32 $0x1  }
0xcd: {  	_ =	sfence.sel $0xFFFF  }
0xce: {  	[dreg:$0x0] =	wrdreg $0xFFFFFFFF;
	(pc) =	sbr.abs _section_cstart, $3  }
0xcf: {  	[dreg:$0x1] =	wrdreg $0xFFFFFFFF  }
0xd0: {  	_ =	task.clear_ibuf [dreg:s22], $0x2FFFF;
	_ =	strace $0x9FFFFFFF  }
0xd1: {  	(tm) =	ssettm $0x7FFFFFFF  }
tec
execute0_lowered:
.L_overlay_start_1:
0x0: {  	(tag) =	ssettag $0x1  }
0x1: {  	s6 =	rddreg [dreg:$0x0]  }
0x2: {  	s0 =	srdreg.scid;
	s1 =	rddreg [dreg:$0x1];
	s3 =	simm.s32 $0x0  }
0x3: {  	s2 =	stileid.u32;
	s14 =	simm.s32 $0x13D00;
	s15 =	simm.s32 $0x13C40  }
0x4: {  	s16 =	simm.s32 $0x15D00;
	s17 =	simm.s32 $0x1;
	s18 =	simm.s32 $0x2  }
0x5: {  	s19 =	simm.s32 $0x80;
	s20 =	simm.s32 $0x13C80;
	s9 =	smul.u32 $0x13C00, s2  }
0x6: {  	s7 =	sand.u32 $0x1, s0;
	s0 =	rddreg [dreg:$0x2];
	s26 =	smul.u32 $0x4F000, s2  }
0x7: {  	s21 =	simm.s32 $0x0;
	[smem:$0x7FF] =	sst s3;
	s11 =	smul.u32 $0x9E0, s2  }
0x8: {  	s4 =	sadd.s32 $0x7A400, s6;
	s30 =	sshll.u32 s2, $0x6;
	s5 =	smul.u32 $0x9E00, s7  }
0x9: {  	s8 =	smul.u32 $0x13C000, s7;
	_ =	strace $0x80000053;
	s7 =	ssub.s32 $0x2, s7  }
0xa: {  	s28 =	sshrl.u32 s7, $0x1;
	s29 =	sshrl.u32 s26, $0x2;
	s10 =	sadd.s32 s5, s6  }
0xb: {  	s5 =	sadd.s32 $0x28C00, s6;
	s8 =	sadd.s32 s9, s8;
	s12 =	ssub.s32 s7, s28  }
0xc: {  	s13 =	sadd.s32 s29, s1;
	s8 =	sshrl.u32 s8, $0x3;
	s31 =	sadd.s32 s11, s10  }
0xd: {  	s10 =	sshrl.u32 s13, $0x3;
	s11 =	simm.s32 $0x3;
	s13 =	simm.s32 $0x40  }
0xe: {  	s8 =	sadd.s32 s8, s6;
	s6 =	sor.u32 $0x1C03, s30;
	s9 =	sadd.s32 $0x6E3C00, s31  }
0xf: {  	s7 =	sadd.s32 $0x795200, s8;
	s8 =	smax.u32 s12, $0x1;
	s12 =	simm.s32 $0x13C00  }
.LBB2_1:
0x10: {  	[spmem:s10], [sflag:s6] =	dma.local [hbm:s5], $0x2780  }
0x11: {  	_ =	swait.ge [sflag:s11], $0x2780  }
0x12: {  	[sflag:s11] =	ssyncset.done $0x0  }
0x13: {  	[sflag:s11] =	ssyncadd.s32 $0xFFFFD880  }
0x14: {  	s22 =	sadd.s32 $0x0, s9;
	[bflag:$0x0] =	sbarrier.arrive $0xFFFF  }
0x15: {  	[tilespmem:s12], [sflag:$0x3] =	stream.linear.gather [hbm4b:s22+s3], $0x100, $0x38;
	[tilespmem:$0x17D00] =	vst v63  }
0x16: {  	_ =	swait.ge [sflag:s11], $0x100  }
0x17: {  	[sflag:s11] =	ssyncset.done $0x0  }
0x18: {  	[sflag:s11] =	ssyncadd.s32 $0xFFFFFF00  }
0x19: {  	[tilespmem:s14], [sflag:$0x1] =	stream.indirect.gather [hbm4b:s4+s13], $0x80, s12, s13, $0xb8;
	[tilespmem:$0x17D00] =	vst v63  }
0x1a: {  	_ = 	snop  }
0x1b: {  	[tilespmem:s16], [sflag:$0x2] =	stream.indirect.gather [hbm4b:s4+s13], $0x80, s15, s13, $0xb8;
	[tilespmem:$0x17D00] =	vst v63  }
0x1c: {  	_ =	swait.ge [sflag:s17], $0x2000  }
0x1d: {  	[sflag:s17] =	ssyncset.done $0x0  }
0x1e: {  	[sflag:s17] =	ssyncadd.s32 $0xFFFFE000  }
0x1f: {  	_ =	swait.ge [sflag:s18], $0x2000  }
0x20: {  	[sflag:s18] =	ssyncset.done $0x0  }
0x21: {  	[sflag:s18] =	ssyncadd.s32 $0xFFFFE000  }
0x22: {  	[spmem:s1] =	stream.indirect.scatter.add.f32 [tilespmem:s14], [sflag:$0x3], $0x80, s20, s19, $0xb8;
	[tilespmem:$0x17D00] =	vst v63  }
0x23: {  	_ =	swait.ge [sflag:s11], $0x4000  }
0x24: {  	s23 =	simm.s32 $0x40;
	s22 =	simm.s32 $0x20;
	[sflag:s11] =	ssyncset.done $0x0  }
.LBB2_2:
0x25: {  	s24 =	sadd.s32 s22, s9  }
0x26: {  	[sflag:s11] =	ssyncadd.s32 $0xFFFFC000;
	s22 =	smov.u32 s23;
	s25 =	sadd.s32 $0x20, s23  }
0x27: {  	[tilespmem:s12], [sflag:$0x3] =	stream.linear.gather [hbm4b:s24+s3], $0x100, $0x38;
	[tilespmem:$0x17D00] =	vst v63  }
0x28: {  	p0 =	sne.s32 s23, $0x9C0;
	_ =	swait.ge [sflag:s11], $0x100  }
0x29: {  	[sflag:s11] =	ssyncset.done $0x0  }
0x2a: {  	[sflag:s11] =	ssyncadd.s32 $0xFFFFFF00  }
0x2b: {  	[tilespmem:s14], [sflag:$0x1] =	stream.indirect.gather [hbm4b:s4+s13], $0x80, s12, s13, $0xb8;
	[tilespmem:$0x17D00] =	vst v63  }
0x2c: {  	_ = 	snop  }
0x2d: {  	[tilespmem:s16], [sflag:$0x2] =	stream.indirect.gather [hbm4b:s4+s13], $0x80, s15, s13, $0xb8;
	[tilespmem:$0x17D00] =	vst v63  }
0x2e: {  	_ =	swait.ge [sflag:s17], $0x2000  }
0x2f: {  	[sflag:s17] =	ssyncset.done $0x0  }
0x30: {  	[sflag:s17] =	ssyncadd.s32 $0xFFFFE000  }
0x31: {  	_ =	swait.ge [sflag:s18], $0x2000  }
.Ltmp0:
0x32: {  	[sflag:s18] =	ssyncset.done $0x0;
	(pc) =	sbr.rel @p0 .LBB2_2-.Ltmp0, $4  }
0x33: {  	[sflag:s18] =	ssyncadd.s32 $0xFFFFE000  }
0x34: {  	[spmem:s1] =	stream.indirect.scatter.add.f32 [tilespmem:s14], [sflag:$0x3], $0x80, s20, s19, $0xb8;
	[tilespmem:$0x17D00] =	vst v63  }
0x35: {  	_ =	swait.ge [sflag:s11], $0x4000  }
0x36: {  	s23 =	smov.u32 s25;
	[sflag:s11] =	ssyncset.done $0x0  }
0x37: {  	s22 =	sadd.s32 s22, s9;
	[sflag:s11] =	ssyncadd.s32 $0xFFFFC000  }
0x38: {  	[tilespmem:s12], [sflag:$0x3] =	stream.linear.gather [hbm4b:s22+s3], $0x100, $0x38;
	[tilespmem:$0x17D00] =	vst v63  }
0x39: {  	_ =	swait.ge [sflag:s11], $0x100  }
0x3a: {  	[sflag:s11] =	ssyncset.done $0x0  }
0x3b: {  	[sflag:s11] =	ssyncadd.s32 $0xFFFFFF00  }
0x3c: {  	[tilespmem:s14], [sflag:$0x1] =	stream.indirect.gather [hbm4b:s4+s13], $0x80, s12, s13, $0xb8;
	[tilespmem:$0x17D00] =	vst v63  }
0x3d: {  	_ = 	snop  }
0x3e: {  	[tilespmem:s16], [sflag:$0x2] =	stream.indirect.gather [hbm4b:s4+s13], $0x80, s15, s13, $0xb8;
	[tilespmem:$0x17D00] =	vst v63  }
0x3f: {  	_ =	swait.ge [sflag:s17], $0x2000  }
0x40: {  	[sflag:s17] =	ssyncset.done $0x0  }
0x41: {  	[sflag:s17] =	ssyncadd.s32 $0xFFFFE000  }
0x42: {  	_ =	swait.ge [sflag:s18], $0x2000  }
0x43: {  	[sflag:s18] =	ssyncset.done $0x0  }
0x44: {  	[sflag:s18] =	ssyncadd.s32 $0xFFFFE000  }
0x45: {  	[spmem:s1] =	stream.indirect.scatter.add.f32 [tilespmem:s14], [sflag:$0x3], $0x80, s20, s19, $0xb8;
	[tilespmem:$0x17D00] =	vst v63  }
0x46: {  	_ =	swait.ge [sflag:s11], $0x4000  }
0x47: {  	s21 =	sadd.s32 $0x1, s21;
	[sflag:s11] =	ssyncset.done $0x0  }
0x48: {  	p0 =	sne.s32 s21, s8;
	[sflag:s11] =	ssyncadd.s32 $0xFFFFC000  }
.Ltmp1:
0x49: {  	[bflag:$0x0] =	sbarrier.arrive $0xFFFF;
	(pc) =	sbr.rel @p0 .LBB2_1-.Ltmp1, $4  }
0x4a: {  	[hbm:s7], [sflag:s6] =	dma.local [spmem:s10], $0x2780  }
0x4b: {  	_ =	swait.ge [sflag:s11], $0x2780  }
0x4c: {  	[sflag:s11] =	ssyncset.done $0x0  }
0x4d: {  	[sflag:s11] =	ssyncadd.s32 $0xFFFFD880  }
0x4e: {  	_ =	sfence.sel $0x180000  }
0x4f: {  	[bflag:$0x0] =	sbarrier.arrive $0xFFFF  }
0x50: {  	p0 =	sne.s32 s2, $0x0;
	_ =	strace $0x90000053  }
0x51: {  	s0 =	sadd.s32 @!p0 $0x100000, s0;
	[bflag:$0x2] =	sbarrier.arrive $0xFFFF  }
0x52: {  	[sflag:s0] =	ssyncadd.tile.s32 @!p0 $0x1;
	_ =	shalt  }
.Lfunc_end2:
_tile_overlayer_lowered:
.L_overlay_start_2:
0x53: {  	(tag) =	ssettag $0x2  }
0x54: {  	s0 =	rddreg [dreg:$0x0];
	s2 =	stileid.u32  }
0x55: {  	s1 =	rddreg [dreg:$0x1];
	p0 =	sne.s32 s2, $0x0  }
0x56: {  	s3 =	rddreg [dreg:$0x2];
	[bflag:$0x3] =	sbarrier.arrive $0xFFFF;
	s2 =	simm.s32 @!p0 $0x1C03  }
0x57: {  	[timem:s3], [sflag:s2] =	dma.local @!p0 [hbm:s0], s1  }
0x58: {  	s0 =	simm.s32 @!p0 $0x3  }
0x59: {  	_ =	swait.ge @!p0 [sflag:s0], s1  }
0x5a: {  	s1 =	ssub.s32 @!p0 $0x0, s1;
	[sflag:s0] =	ssyncset.done @!p0 $0x0  }
0x5b: {  	[sflag:s0] =	ssyncadd.s32 @!p0 s1  }
0x5c: {  	[bflag:$0x3] =	sbarrier.arrive $0xFFFF  }
0x5d: {  	_ =	shalt  }

</sc_bundles>
